<compile_context>
chip_gen: v7x
topology: tpu7x:2x2x1
jax: 0.10.2.dev20260603
libtpu: 0.0.44.dev20260713+nightly
codegen_flags: <defaults>
</compile_context>

<pallas_src>
import jax
import jax.numpy as jnp
from jax import lax
from jax.experimental import pallas as pl
from jax.experimental.pallas import tpu as pltpu
from jax.experimental.pallas import tpu_sc as plsc

NUM_FACTORS = 20
BATCH = 16384
LANES = 16
NUM_CORES = 2
NUM_SUBCORES = 16
NUM_WORKERS = NUM_CORES * NUM_SUBCORES
BPW = BATCH // NUM_WORKERS
HALF = BPW // 2
HGROUPS = HALF // LANES


def _rsqrt(t):
    i = plsc.bitcast(t, jnp.int32)
    i = jnp.int32(0x5F3759DF) - (i >> 1)
    y = plsc.bitcast(i, jnp.float32)
    for _ in range(3):
        y = y * (jnp.float32(1.5) - jnp.float32(0.5) * t * y * y)
    return y


def _body(users_hbm, movies_hbm, ut_hbm, mt_hbm, out_hbm,
          idx_u, idx_m, u_rows, m_rows, out_v, sem_u, sem_m):
    wid = lax.axis_index("s") * NUM_CORES + lax.axis_index("c")
    base = wid * BPW
    pltpu.sync_copy(users_hbm.at[pl.ds(base, BPW)], idx_u)
    pltpu.sync_copy(movies_hbm.at[pl.ds(base, BPW)], idx_m)

    lane = lax.iota(jnp.int32, LANES)

    for p in range(2):
        off = p * HALF

        def issue(g, carry):
            iu = idx_u[pl.ds(off + g * LANES, LANES)]
            im = idx_m[pl.ds(off + g * LANES, LANES)]
            for l in range(LANES):
                j = g * LANES + l
                pltpu.async_copy(
                    ut_hbm.at[pl.ds(iu[l], 1), :],
                    u_rows.at[pl.ds(j, 1), :], sem_u)
                pltpu.async_copy(
                    mt_hbm.at[pl.ds(im[l], 1), :],
                    m_rows.at[pl.ds(j, 1), :], sem_m)
            return carry

        lax.fori_loop(0, HGROUPS, issue, 0)

        pltpu.make_async_copy(
            ut_hbm.at[pl.ds(0, HALF), :], u_rows, sem_u).wait()
        pltpu.make_async_copy(
            mt_hbm.at[pl.ds(0, HALF), :], m_rows, sem_m).wait()

        def group(g, carry):
            rows = g * LANES + lane
            dot = jnp.zeros((LANES,), jnp.float32)
            uu = jnp.zeros((LANES,), jnp.float32)
            mm = jnp.zeros((LANES,), jnp.float32)
            for d in range(NUM_FACTORS):
                cols = jnp.full((LANES,), d, jnp.int32)
                uc = plsc.load_gather(u_rows, [rows, cols])
                mc = plsc.load_gather(m_rows, [rows, cols])
                dot = dot + uc * mc
                uu = uu + uc * uc
                mm = mm + mc * mc
            t = uu * mm
            s = t * _rsqrt(t)
            denom = jnp.maximum(s, jnp.float32(1e-8))
            out_v[pl.ds(off + g * LANES, LANES)] = dot / denom
            return carry

        lax.fori_loop(0, HGROUPS, group, 0)

    pltpu.sync_copy(out_v, out_hbm.at[pl.ds(base, BPW)])


@jax.jit
def _cosine_lookup(users, movies, user_table, movie_table):
    mesh = plsc.VectorSubcoreMesh(core_axis_name="c", subcore_axis_name="s")
    return pl.kernel(
        _body,
        mesh=mesh,
        out_type=jax.ShapeDtypeStruct((BATCH,), jnp.float32),
        scratch_types=[
            pltpu.VMEM((BPW,), jnp.int32),
            pltpu.VMEM((BPW,), jnp.int32),
            pltpu.VMEM((HALF, NUM_FACTORS), jnp.float32),
            pltpu.VMEM((HALF, NUM_FACTORS), jnp.float32),
            pltpu.VMEM((BPW,), jnp.float32),
            pltpu.SemaphoreType.DMA,
            pltpu.SemaphoreType.DMA,
        ],
        compiler_params=pltpu.CompilerParams(
            needs_layout_passes=False, use_tc_tiling_on_sc=True),
    )(users, movies, user_table, movie_table)


def kernel(users, movies, user_table, movie_table):
    return _cosine_lookup(users.astype(jnp.int32), movies.astype(jnp.int32),
                          user_table, movie_table)

# --- scband reference (transcript-rebuilt; emitter-appended) ---
"""Pipeline reference for scband-matrix-factorization-40836549050805 (READ-ONLY COPY).

The authoritative reference and input builder live on the scoring server;
editing this copy changes nothing except your own understanding.
"""

import jax, jax.numpy as jnp
import numpy as np

NUM_USERS = 1000000
NUM_MOVIES = 100000
NUM_FACTORS = 20
BATCH = 16384


def setup_inputs(seed: int = 0) -> dict:
    key = jax.random.key(seed)
    k1, k2, k3, k4 = jax.random.split(key, 4)
    users = jax.random.randint(k1, (BATCH,), 0, NUM_USERS, dtype=jnp.int64 if jax.config.jax_enable_x64 else jnp.int32)
    movies = jax.random.randint(k2, (BATCH,), 0, NUM_MOVIES, dtype=jnp.int64 if jax.config.jax_enable_x64 else jnp.int32)
    user_table = jax.random.normal(k3, (NUM_USERS, NUM_FACTORS), dtype=jnp.float32)
    movie_table = jax.random.normal(k4, (NUM_MOVIES, NUM_FACTORS), dtype=jnp.float32)
    return {"users": users, "movies": movies, "user_table": user_table, "movie_table": movie_table}


def reference(users, movies, user_table, movie_table):
    # Embedding lookups (gather)
    u = jnp.take(user_table, users, axis=0)   # [B, 20]
    m = jnp.take(movie_table, movies, axis=0)  # [B, 20]
    # torch.nn.CosineSimilarity(dim=1, eps=1e-8):
    # cos = (x1 . x2) / max(||x1|| * ||x2||, eps)
    eps = 1e-8
    dot = jnp.sum(u * m, axis=1)
    nu = jnp.sqrt(jnp.sum(u * u, axis=1))
    nm = jnp.sqrt(jnp.sum(m * m, axis=1))
    denom = jnp.maximum(nu * nm, eps)
    return dot / denom

if __name__ == "__main__":
    import jax
    _d = setup_inputs()
    print(jax.jit(kernel)(*tuple(_d.values())))

</pallas_src>

<mosaic_0001>
#map = affine_map<(d0, d1) -> (0)>
#map1 = affine_map<(d0, d1) -> (0, 0)>
module attributes {stable_mosaic.version = 14 : i64} {
  func.func @_body(%arg0: i32, %arg1: i32, %arg2: memref<16384xi32, #tpu.memory_space<hbm>>, %arg3: memref<16384xi32, #tpu.memory_space<hbm>>, %arg4: memref<1000000x20xf32, #tpu.memory_space<hbm>>, %arg5: memref<100000x20xf32, #tpu.memory_space<hbm>>, %arg6: memref<16384xf32, #tpu.memory_space<hbm>>, %arg7: memref<512xi32, #tpu.memory_space<vmem>>, %arg8: memref<512xi32, #tpu.memory_space<vmem>>, %arg9: memref<256x20xf32, #tpu.memory_space<vmem>>, %arg10: memref<256x20xf32, #tpu.memory_space<vmem>>, %arg11: memref<512xf32, #tpu.memory_space<vmem>>, %arg12: memref<!tpu.dma_semaphore, #tpu.memory_space<semaphore_mem>>, %arg13: memref<!tpu.dma_semaphore, #tpu.memory_space<semaphore_mem>>) attributes {dimension_semantics = [#tpu.dimension_semantics<core_parallel>, #tpu.dimension_semantics<subcore_parallel>], iteration_bounds = array<i64: 2, 16>, scalar_prefetch = 0 : i64, scratch_operands = 7 : i64, tpu.core_type = #tpu.core_type<sc_vector_subcore>, window_params = [{transform_indices = #map}, {transform_indices = #map}, {transform_indices = #map1}, {transform_indices = #map1}, {transform_indices = #map}]} {
    %mul3A = arith.constant 2 : i32
    %mul3A_0 = arith.muli %arg1, %mul3A : i32
    %add3A = arith.addi %mul3A_0, %arg0 : i32
    %mul3A_1 = arith.constant 512 : i32
    %mul3A_2 = arith.muli %add3A, %mul3A_1 : i32
    "tpu.region"() ({
      %run_scoped3A = tpu.sem_alloc : memref<!tpu.dma_semaphore, #tpu.memory_space<semaphore_mem>>
      %dma_start3A = tpu.memref_slice %arg2[%mul3A_2] : memref<16384xi32, #tpu.memory_space<hbm>> -> memref<512xi32, #tpu.memory_space<hbm>>
      %dma_start3A_49 = tpu.memref_slice %arg2[%mul3A_2] : memref<16384xi32, #tpu.memory_space<hbm>> -> memref<512xi32, #tpu.memory_space<hbm>>
      tpu.enqueue_dma source(%dma_start3A_49 : memref<512xi32, #tpu.memory_space<hbm>>) target(%arg7 : memref<512xi32, #tpu.memory_space<vmem>>) target_semaphore(%run_scoped3A : memref<!tpu.dma_semaphore, #tpu.memory_space<semaphore_mem>>)
      %dma_wait3A_50 = tpu.memref_slice %arg2[%mul3A_2] : memref<16384xi32, #tpu.memory_space<hbm>> -> memref<512xi32, #tpu.memory_space<hbm>>
      %dma_wait3A_51 = tpu.memref_slice %arg2[%mul3A_2] : memref<16384xi32, #tpu.memory_space<hbm>> -> memref<512xi32, #tpu.memory_space<hbm>>
      tpu.wait_dma2 semaphore(%run_scoped3A : memref<!tpu.dma_semaphore, #tpu.memory_space<semaphore_mem>>) src(%dma_wait3A_51 : memref<512xi32, #tpu.memory_space<hbm>>) dst(%arg7 : memref<512xi32, #tpu.memory_space<vmem>>)
      tpu.yield
    }) : () -> ()
    "tpu.region"() ({
      %run_scoped3A = tpu.sem_alloc : memref<!tpu.dma_semaphore, #tpu.memory_space<semaphore_mem>>
      %dma_start3A = tpu.memref_slice %arg3[%mul3A_2] : memref<16384xi32, #tpu.memory_space<hbm>> -> memref<512xi32, #tpu.memory_space<hbm>>
      %dma_start3A_49 = tpu.memref_slice %arg3[%mul3A_2] : memref<16384xi32, #tpu.memory_space<hbm>> -> memref<512xi32, #tpu.memory_space<hbm>>
      tpu.enqueue_dma source(%dma_start3A_49 : memref<512xi32, #tpu.memory_space<hbm>>) target(%arg8 : memref<512xi32, #tpu.memory_space<vmem>>) target_semaphore(%run_scoped3A : memref<!tpu.dma_semaphore, #tpu.memory_space<semaphore_mem>>)
      %dma_wait3A_50 = tpu.memref_slice %arg3[%mul3A_2] : memref<16384xi32, #tpu.memory_space<hbm>> -> memref<512xi32, #tpu.memory_space<hbm>>
      %dma_wait3A_51 = tpu.memref_slice %arg3[%mul3A_2] : memref<16384xi32, #tpu.memory_space<hbm>> -> memref<512xi32, #tpu.memory_space<hbm>>
      tpu.wait_dma2 semaphore(%run_scoped3A : memref<!tpu.dma_semaphore, #tpu.memory_space<semaphore_mem>>) src(%dma_wait3A_51 : memref<512xi32, #tpu.memory_space<hbm>>) dst(%arg8 : memref<512xi32, #tpu.memory_space<vmem>>)
      tpu.yield
    }) : () -> ()
    %iota3A = tpu.iota {dimensions = array<i32: 0>} : vector<16xi32>
    %scan3A = arith.constant 0 : i32
    %scan3A_3 = arith.constant 0 : i32
    %scan3A_4 = arith.constant 16 : i32
    %scan3A_5 = arith.addi %scan3A_3, %scan3A_4 : i32
    %scan3A_6 = arith.constant 1 : i32
    scf.for %scan3A_49 = %scan3A_3 to %scan3A_5 step %scan3A_6  : i32 {
      %mul3A_50 = arith.constant 16 : i32
      %mul3A_51 = arith.muli %scan3A_49, %mul3A_50 : i32
      %add3A_52 = arith.constant 0 : i32
      %add3A_53 = arith.addi %add3A_52, %mul3A_51 : i32
      %get3A = arith.index_cast %add3A_53 : i32 to index
      %get3A_54 = tpu.vector_load %arg7[%get3A] {strides = array<i32>} : memref<512xi32, #tpu.memory_space<vmem>>, vector<16xi32>,
      %mul3A_55 = arith.constant 16 : i32
      %mul3A_56 = arith.muli %scan3A_49, %mul3A_55 : i32
      %add3A_57 = arith.constant 0 : i32
      %add3A_58 = arith.addi %add3A_57, %mul3A_56 : i32
      %get3A_59 = arith.index_cast %add3A_58 : i32 to index
      %get3A_60 = tpu.vector_load %arg8[%get3A_59] {strides = array<i32>} : memref<512xi32, #tpu.memory_space<vmem>>, vector<16xi32>,
      %mul3A_61 = arith.constant 16 : i32
      %mul3A_62 = arith.muli %scan3A_49, %mul3A_61 : i32
      %add3A_63 = arith.constant 0 : i32
      %add3A_64 = arith.addi %mul3A_62, %add3A_63 : i32
      %slice3A = vector.extract_strided_slice %get3A_54 {offsets = [0], sizes = [1], strides = [1]} : vector<16xi32> to vector<1xi32>
      %squeeze3A = vector.extract %slice3A[0] : i32 from vector<1xi32>
      %dma_start3A = arith.constant 0 : i32
      %dma_start3A_65 = tpu.memref_slice %arg9[%add3A_64, %dma_start3A] : memref<256x20xf32, #tpu.memory_space<vmem>> -> memref<1x20xf32, #tpu.memory_space<vmem>>
      %dma_start3A_66 = arith.constant 0 : i32
      %dma_start3A_67 = tpu.memref_slice %arg4[%squeeze3A, %dma_start3A_66] : memref<1000000x20xf32, #tpu.memory_space<hbm>> -> memref<1x20xf32, #tpu.memory_space<hbm>>
      %dma_start3A_68 = arith.constant 0 : i32
      %dma_start3A_69 = tpu.memref_slice %arg9[%add3A_64, %dma_start3A_68] : memref<256x20xf32, #tpu.memory_space<vmem>> -> memref<1x20xf32, #tpu.memory_space<vmem>>
      %dma_start3A_70 = arith.constant 0 : i32
      %dma_start3A_71 = tpu.memref_slice %arg4[%squeeze3A, %dma_start3A_70] : memref<1000000x20xf32, #tpu.memory_space<hbm>> -> memref<1x20xf32, #tpu.memory_space<hbm>>
      tpu.enqueue_dma source(%dma_start3A_71 : memref<1x20xf32, #tpu.memory_space<hbm>>) target(%dma_start3A_69 : memref<1x20xf32, #tpu.memory_space<vmem>>) target_semaphore(%arg12 : memref<!tpu.dma_semaphore, #tpu.memory_space<semaphore_mem>>)
      %slice3A_72 = vector.extract_strided_slice %get3A_60 {offsets = [0], sizes = [1], strides = [1]} : vector<16xi32> to vector<1xi32>
      %squeeze3A_73 = vector.extract %slice3A_72[0] : i32 from vector<1xi32>
      %dma_start3A_74 = arith.constant 0 : i32
      %dma_start3A_75 = tpu.memref_slice %arg10[%add3A_64, %dma_start3A_74] : memref<256x20xf32, #tpu.memory_space<vmem>> -> memref<1x20xf32, #tpu.memory_space<vmem>>
      %dma_start3A_76 = arith.constant 0 : i32
      %dma_start3A_77 = tpu.memref_slice %arg5[%squeeze3A_73, %dma_start3A_76] : memref<100000x20xf32, #tpu.memory_space<hbm>> -> memref<1x20xf32, #tpu.memory_space<hbm>>
      %dma_start3A_78 = arith.constant 0 : i32
      %dma_start3A_79 = tpu.memref_slice %arg10[%add3A_64, %dma_start3A_78] : memref<256x20xf32, #tpu.memory_space<vmem>> -> memref<1x20xf32, #tpu.memory_space<vmem>>
      %dma_start3A_80 = arith.constant 0 : i32
      %dma_start3A_81 = tpu.memref_slice %arg5[%squeeze3A_73, %dma_start3A_80] : memref<100000x20xf32, #tpu.memory_space<hbm>> -> memref<1x20xf32, #tpu.memory_space<hbm>>
      tpu.enqueue_dma source(%dma_start3A_81 : memref<1x20xf32, #tpu.memory_space<hbm>>) target(%dma_start3A_79 : memref<1x20xf32, #tpu.memory_space<vmem>>) target_semaphore(%arg13 : memref<!tpu.dma_semaphore, #tpu.memory_space<semaphore_mem>>)
      %mul3A_82 = arith.constant 16 : i32
      %mul3A_83 = arith.muli %scan3A_49, %mul3A_82 : i32
      %add3A_84 = arith.constant 1 : i32
      %add3A_85 = arith.addi %mul3A_83, %add3A_84 : i32
      %slice3A_86 = vector.extract_strided_slice %get3A_54 {offsets = [1], sizes = [1], strides = [1]} : vector<16xi32> to vector<1xi32>
      %squeeze3A_87 = vector.extract %slice3A_86[0] : i32 from vector<1xi32>
      %dma_start3A_88 = arith.constant 0 : i32
      %dma_start3A_89 = tpu.memref_slice %arg9[%add3A_85, %dma_start3A_88] : memref<256x20xf32, #tpu.memory_space<vmem>> -> memref<1x20xf32, #tpu.memory_space<vmem>>
      %dma_start3A_90 = arith.constant 0 : i32
      %dma_start3A_91 = tpu.memref_slice %arg4[%squeeze3A_87, %dma_start3A_90] : memref<1000000x20xf32, #tpu.memory_space<hbm>> -> memref<1x20xf32, #tpu.memory_space<hbm>>
      %dma_start3A_92 = arith.constant 0 : i32
      %dma_start3A_93 = tpu.memref_slice %arg9[%add3A_85, %dma_start3A_92] : memref<256x20xf32, #tpu.memory_space<vmem>> -> memref<1x20xf32, #tpu.memory_space<vmem>>
      %dma_start3A_94 = arith.constant 0 : i32
      %dma_start3A_95 = tpu.memref_slice %arg4[%squeeze3A_87, %dma_start3A_94] : memref<1000000x20xf32, #tpu.memory_space<hbm>> -> memref<1x20xf32, #tpu.memory_space<hbm>>
      tpu.enqueue_dma source(%dma_start3A_95 : memref<1x20xf32, #tpu.memory_space<hbm>>) target(%dma_start3A_93 : memref<1x20xf32, #tpu.memory_space<vmem>>) target_semaphore(%arg12 : memref<!tpu.dma_semaphore, #tpu.memory_space<semaphore_mem>>)
      %slice3A_96 = vector.extract_strided_slice %get3A_60 {offsets = [1], sizes = [1], strides = [1]} : vector<16xi32> to vector<1xi32>
      %squeeze3A_97 = vector.extract %slice3A_96[0] : i32 from vector<1xi32>
      %dma_start3A_98 = arith.constant 0 : i32
      %dma_start3A_99 = tpu.memref_slice %arg10[%add3A_85, %dma_start3A_98] : memref<256x20xf32, #tpu.memory_space<vmem>> -> memref<1x20xf32, #tpu.memory_space<vmem>>
      %dma_start3A_100 = arith.constant 0 : i32
      %dma_start3A_101 = tpu.memref_slice %arg5[%squeeze3A_97, %dma_start3A_100] : memref<100000x20xf32, #tpu.memory_space<hbm>> -> memref<1x20xf32, #tpu.memory_space<hbm>>
      %dma_start3A_102 = arith.constant 0 : i32
      %dma_start3A_103 = tpu.memref_slice %arg10[%add3A_85, %dma_start3A_102] : memref<256x20xf32, #tpu.memory_space<vmem>> -> memref<1x20xf32, #tpu.memory_space<vmem>>
      %dma_start3A_104 = arith.constant 0 : i32
      %dma_start3A_105 = tpu.memref_slice %arg5[%squeeze3A_97, %dma_start3A_104] : memref<100000x20xf32, #tpu.memory_space<hbm>> -> memref<1x20xf32, #tpu.memory_space<hbm>>
      tpu.enqueue_dma source(%dma_start3A_105 : memref<1x20xf32, #tpu.memory_space<hbm>>) target(%dma_start3A_103 : memref<1x20xf32, #tpu.memory_space<vmem>>) target_semaphore(%arg13 : memref<!tpu.dma_semaphore, #tpu.memory_space<semaphore_mem>>)
      %mul3A_106 = arith.constant 16 : i32
      %mul3A_107 = arith.muli %scan3A_49, %mul3A_106 : i32
      %add3A_108 = arith.constant 2 : i32
      %add3A_109 = arith.addi %mul3A_107, %add3A_108 : i32
      %slice3A_110 = vector.extract_strided_slice %get3A_54 {offsets = [2], sizes = [1], strides = [1]} : vector<16xi32> to vector<1xi32>
      %squeeze3A_111 = vector.extract %slice3A_110[0] : i32 from vector<1xi32>
      %dma_start3A_112 = arith.constant 0 : i32
      %dma_start3A_113 = tpu.memref_slice %arg9[%add3A_109, %dma_start3A_112] : memref<256x20xf32, #tpu.memory_space<vmem>> -> memref<1x20xf32, #tpu.memory_space<vmem>>
      %dma_start3A_114 = arith.constant 0 : i32
      %dma_start3A_115 = tpu.memref_slice %arg4[%squeeze3A_111, %dma_start3A_114] : memref<1000000x20xf32, #tpu.memory_space<hbm>> -> memref<1x20xf32, #tpu.memory_space<hbm>>
      %dma_start3A_116 = arith.constant 0 : i32
      %dma_start3A_117 = tpu.memref_slice %arg9[%add3A_109, %dma_start3A_116] : memref<256x20xf32, #tpu.memory_space<vmem>> -> memref<1x20xf32, #tpu.memory_space<vmem>>
      %dma_start3A_118 = arith.constant 0 : i32
      %dma_start3A_119 = tpu.memref_slice %arg4[%squeeze3A_111, %dma_start3A_118] : memref<1000000x20xf32, #tpu.memory_space<hbm>> -> memref<1x20xf32, #tpu.memory_space<hbm>>
      tpu.enqueue_dma source(%dma_start3A_119 : memref<1x20xf32, #tpu.memory_space<hbm>>) target(%dma_start3A_117 : memref<1x20xf32, #tpu.memory_space<vmem>>) target_semaphore(%arg12 : memref<!tpu.dma_semaphore, #tpu.memory_space<semaphore_mem>>)
      %slice3A_120 = vector.extract_strided_slice %get3A_60 {offsets = [2], sizes = [1], strides = [1]} : vector<16xi32> to vector<1xi32>
      %squeeze3A_121 = vector.extract %slice3A_120[0] : i32 from vector<1xi32>
      %dma_start3A_122 = arith.constant 0 : i32
      %dma_start3A_123 = tpu.memref_slice %arg10[%add3A_109, %dma_start3A_122] : memref<256x20xf32, #tpu.memory_space<vmem>> -> memref<1x20xf32, #tpu.memory_space<vmem>>
      %dma_start3A_124 = arith.constant 0 : i32
      %dma_start3A_125 = tpu.memref_slice %arg5[%squeeze3A_121, %dma_start3A_124] : memref<100000x20xf32, #tpu.memory_space<hbm>> -> memref<1x20xf32, #tpu.memory_space<hbm>>
      %dma_start3A_126 = arith.constant 0 : i32
      %dma_start3A_127 = tpu.memref_slice %arg10[%add3A_109, %dma_start3A_126] : memref<256x20xf32, #tpu.memory_space<vmem>> -> memref<1x20xf32, #tpu.memory_space<vmem>>
      %dma_start3A_128 = arith.constant 0 : i32
      %dma_start3A_129 = tpu.memref_slice %arg5[%squeeze3A_121, %dma_start3A_128] : memref<100000x20xf32, #tpu.memory_space<hbm>> -> memref<1x20xf32, #tpu.memory_space<hbm>>
      tpu.enqueue_dma source(%dma_start3A_129 : memref<1x20xf32, #tpu.memory_space<hbm>>) target(%dma_start3A_127 : memref<1x20xf32, #tpu.memory_space<vmem>>) target_semaphore(%arg13 : memref<!tpu.dma_semaphore, #tpu.memory_space<semaphore_mem>>)
      %mul3A_130 = arith.constant 16 : i32
      %mul3A_131 = arith.muli %scan3A_49, %mul3A_130 : i32
      %add3A_132 = arith.constant 3 : i32
      %add3A_133 = arith.addi %mul3A_131, %add3A_132 : i32
      %slice3A_134 = vector.extract_strided_slice %get3A_54 {offsets = [3], sizes = [1], strides = [1]} : vector<16xi32> to vector<1xi32>
      %squeeze3A_135 = vector.extract %slice3A_134[0] : i32 from vector<1xi32>
      %dma_start3A_136 = arith.constant 0 : i32
      %dma_start3A_137 = tpu.memref_slice %arg9[%add3A_133, %dma_start3A_136] : memref<256x20xf32, #tpu.memory_space<vmem>> -> memref<1x20xf32, #tpu.memory_space<vmem>>
      %dma_start3A_138 = arith.constant 0 : i32
      %dma_start3A_139 = tpu.memref_slice %arg4[%squeeze3A_135, %dma_start3A_138] : memref<1000000x20xf32, #tpu.memory_space<hbm>> -> memref<1x20xf32, #tpu.memory_space<hbm>>
      %dma_start3A_140 = arith.constant 0 : i32
      %dma_start3A_141 = tpu.memref_slice %arg9[%add3A_133, %dma_start3A_140] : memref<256x20xf32, #tpu.memory_space<vmem>> -> memref<1x20xf32, #tpu.memory_space<vmem>>
      %dma_start3A_142 = arith.constant 0 : i32
      %dma_start3A_143 = tpu.memref_slice %arg4[%squeeze3A_135, %dma_start3A_142] : memref<1000000x20xf32, #tpu.memory_space<hbm>> -> memref<1x20xf32, #tpu.memory_space<hbm>>
      tpu.enqueue_dma source(%dma_start3A_143 : memref<1x20xf32, #tpu.memory_space<hbm>>) target(%dma_start3A_141 : memref<1x20xf32, #tpu.memory_space<vmem>>) target_semaphore(%arg12 : memref<!tpu.dma_semaphore, #tpu.memory_space<semaphore_mem>>)
      %slice3A_144 = vector.extract_strided_slice %get3A_60 {offsets = [3], sizes = [1], strides = [1]} : vector<16xi32> to vector<1xi32>
      %squeeze3A_145 = vector.extract %slice3A_144[0] : i32 from vector<1xi32>
      %dma_start3A_146 = arith.constant 0 : i32
      %dma_start3A_147 = tpu.memref_slice %arg10[%add3A_133, %dma_start3A_146] : memref<256x20xf32, #tpu.memory_space<vmem>> -> memref<1x20xf32, #tpu.memory_space<vmem>>
      %dma_start3A_148 = arith.constant 0 : i32
      %dma_start3A_149 = tpu.memref_slice %arg5[%squeeze3A_145, %dma_start3A_148] : memref<100000x20xf32, #tpu.memory_space<hbm>> -> memref<1x20xf32, #tpu.memory_space<hbm>>
      %dma_start3A_150 = arith.constant 0 : i32
      %dma_start3A_151 = tpu.memref_slice %arg10[%add3A_133, %dma_start3A_150] : memref<256x20xf32, #tpu.memory_space<vmem>> -> memref<1x20xf32, #tpu.memory_space<vmem>>
      %dma_start3A_152 = arith.constant 0 : i32
      %dma_start3A_153 = tpu.memref_slice %arg5[%squeeze3A_145, %dma_start3A_152] : memref<100000x20xf32, #tpu.memory_space<hbm>> -> memref<1x20xf32, #tpu.memory_space<hbm>>
      tpu.enqueue_dma source(%dma_start3A_153 : memref<1x20xf32, #tpu.memory_space<hbm>>) target(%dma_start3A_151 : memref<1x20xf32, #tpu.memory_space<vmem>>) target_semaphore(%arg13 : memref<!tpu.dma_semaphore, #tpu.memory_space<semaphore_mem>>)
      %mul3A_154 = arith.constant 16 : i32
      %mul3A_155 = arith.muli %scan3A_49, %mul3A_154 : i32
      %add3A_156 = arith.constant 4 : i32
      %add3A_157 = arith.addi %mul3A_155, %add3A_156 : i32
      %slice3A_158 = vector.extract_strided_slice %get3A_54 {offsets = [4], sizes = [1], strides = [1]} : vector<16xi32> to vector<1xi32>
      %squeeze3A_159 = vector.extract %slice3A_158[0] : i32 from vector<1xi32>
      %dma_start3A_160 = arith.constant 0 : i32
      %dma_start3A_161 = tpu.memref_slice %arg9[%add3A_157, %dma_start3A_160] : memref<256x20xf32, #tpu.memory_space<vmem>> -> memref<1x20xf32, #tpu.memory_space<vmem>>
      %dma_start3A_162 = arith.constant 0 : i32
      %dma_start3A_163 = tpu.memref_slice %arg4[%squeeze3A_159, %dma_start3A_162] : memref<1000000x20xf32, #tpu.memory_space<hbm>> -> memref<1x20xf32, #tpu.memory_space<hbm>>
      %dma_start3A_164 = arith.constant 0 : i32
      %dma_start3A_165 = tpu.memref_slice %arg9[%add3A_157, %dma_start3A_164] : memref<256x20xf32, #tpu.memory_space<vmem>> -> memref<1x20xf32, #tpu.memory_space<vmem>>
      %dma_start3A_166 = arith.constant 0 : i32
      %dma_start3A_167 = tpu.memref_slice %arg4[%squeeze3A_159, %dma_start3A_166] : memref<1000000x20xf32, #tpu.memory_space<hbm>> -> memref<1x20xf32, #tpu.memory_space<hbm>>
      tpu.enqueue_dma source(%dma_start3A_167 : memref<1x20xf32, #tpu.memory_space<hbm>>) target(%dma_start3A_165 : memref<1x20xf32, #tpu.memory_space<vmem>>) target_semaphore(%arg12 : memref<!tpu.dma_semaphore, #tpu.memory_space<semaphore_mem>>)
      %slice3A_168 = vector.extract_strided_slice %get3A_60 {offsets = [4], sizes = [1], strides = [1]} : vector<16xi32> to vector<1xi32>
      %squeeze3A_169 = vector.extract %slice3A_168[0] : i32 from vector<1xi32>
      %dma_start3A_170 = arith.constant 0 : i32
      %dma_start3A_171 = tpu.memref_slice %arg10[%add3A_157, %dma_start3A_170] : memref<256x20xf32, #tpu.memory_space<vmem>> -> memref<1x20xf32, #tpu.memory_space<vmem>>
      %dma_start3A_172 = arith.constant 0 : i32
      %dma_start3A_173 = tpu.memref_slice %arg5[%squeeze3A_169, %dma_start3A_172] : memref<100000x20xf32, #tpu.memory_space<hbm>> -> memref<1x20xf32, #tpu.memory_space<hbm>>
      %dma_start3A_174 = arith.constant 0 : i32
      %dma_start3A_175 = tpu.memref_slice %arg10[%add3A_157, %dma_start3A_174] : memref<256x20xf32, #tpu.memory_space<vmem>> -> memref<1x20xf32, #tpu.memory_space<vmem>>
      %dma_start3A_176 = arith.constant 0 : i32
      %dma_start3A_177 = tpu.memref_slice %arg5[%squeeze3A_169, %dma_start3A_176] : memref<100000x20xf32, #tpu.memory_space<hbm>> -> memref<1x20xf32, #tpu.memory_space<hbm>>
      tpu.enqueue_dma source(%dma_start3A_177 : memref<1x20xf32, #tpu.memory_space<hbm>>) target(%dma_start3A_175 : memref<1x20xf32, #tpu.memory_space<vmem>>) target_semaphore(%arg13 : memref<!tpu.dma_semaphore, #tpu.memory_space<semaphore_mem>>)
      %mul3A_178 = arith.constant 16 : i32
      %mul3A_179 = arith.muli %scan3A_49, %mul3A_178 : i32
      %add3A_180 = arith.constant 5 : i32
      %add3A_181 = arith.addi %mul3A_179, %add3A_180 : i32
      %slice3A_182 = vector.extract_strided_slice %get3A_54 {offsets = [5], sizes = [1], strides = [1]} : vector<16xi32> to vector<1xi32>
      %squeeze3A_183 = vector.extract %slice3A_182[0] : i32 from vector<1xi32>
      %dma_start3A_184 = arith.constant 0 : i32
      %dma_start3A_185 = tpu.memref_slice %arg9[%add3A_181, %dma_start3A_184] : memref<256x20xf32, #tpu.memory_space<vmem>> -> memref<1x20xf32, #tpu.memory_space<vmem>>
      %dma_start3A_186 = arith.constant 0 : i32
      %dma_start3A_187 = tpu.memref_slice %arg4[%squeeze3A_183, %dma_start3A_186] : memref<1000000x20xf32, #tpu.memory_space<hbm>> -> memref<1x20xf32, #tpu.memory_space<hbm>>
      %dma_start3A_188 = arith.constant 0 : i32
      %dma_start3A_189 = tpu.memref_slice %arg9[%add3A_181, %dma_start3A_188] : memref<256x20xf32, #tpu.memory_space<vmem>> -> memref<1x20xf32, #tpu.memory_space<vmem>>
      %dma_start3A_190 = arith.constant 0 : i32
      %dma_start3A_191 = tpu.memref_slice %arg4[%squeeze3A_183, %dma_start3A_190] : memref<1000000x20xf32, #tpu.memory_space<hbm>> -> memref<1x20xf32, #tpu.memory_space<hbm>>
      tpu.enqueue_dma source(%dma_start3A_191 : memref<1x20xf32, #tpu.memory_space<hbm>>) target(%dma_start3A_189 : memref<1x20xf32, #tpu.memory_space<vmem>>) target_semaphore(%arg12 : memref<!tpu.dma_semaphore, #tpu.memory_space<semaphore_mem>>)
      %slice3A_192 = vector.extract_strided_slice %get3A_60 {offsets = [5], sizes = [1], strides = [1]} : vector<16xi32> to vector<1xi32>
      %squeeze3A_193 = vector.extract %slice3A_192[0] : i32 from vector<1xi32>
      %dma_start3A_194 = arith.constant 0 : i32
      %dma_start3A_195 = tpu.memref_slice %arg10[%add3A_181, %dma_start3A_194] : memref<256x20xf32, #tpu.memory_space<vmem>> -> memref<1x20xf32, #tpu.memory_space<vmem>>
      %dma_start3A_196 = arith.constant 0 : i32
      %dma_start3A_197 = tpu.memref_slice %arg5[%squeeze3A_193, %dma_start3A_196] : memref<100000x20xf32, #tpu.memory_space<hbm>> -> memref<1x20xf32, #tpu.memory_space<hbm>>
      %dma_start3A_198 = arith.constant 0 : i32
      %dma_start3A_199 = tpu.memref_slice %arg10[%add3A_181, %dma_start3A_198] : memref<256x20xf32, #tpu.memory_space<vmem>> -> memref<1x20xf32, #tpu.memory_space<vmem>>
      %dma_start3A_200 = arith.constant 0 : i32
      %dma_start3A_201 = tpu.memref_slice %arg5[%squeeze3A_193, %dma_start3A_200] : memref<100000x20xf32, #tpu.memory_space<hbm>> -> memref<1x20xf32, #tpu.memory_space<hbm>>
      tpu.enqueue_dma source(%dma_start3A_201 : memref<1x20xf32, #tpu.memory_space<hbm>>) target(%dma_start3A_199 : memref<1x20xf32, #tpu.memory_space<vmem>>) target_semaphore(%arg13 : memref<!tpu.dma_semaphore, #tpu.memory_space<semaphore_mem>>)
      %mul3A_202 = arith.constant 16 : i32
      %mul3A_203 = arith.muli %scan3A_49, %mul3A_202 : i32
      %add3A_204 = arith.constant 6 : i32
      %add3A_205 = arith.addi %mul3A_203, %add3A_204 : i32
      %slice3A_206 = vector.extract_strided_slice %get3A_54 {offsets = [6], sizes = [1], strides = [1]} : vector<16xi32> to vector<1xi32>
      %squeeze3A_207 = vector.extract %slice3A_206[0] : i32 from vector<1xi32>
      %dma_start3A_208 = arith.constant 0 : i32
      %dma_start3A_209 = tpu.memref_slice %arg9[%add3A_205, %dma_start3A_208] : memref<256x20xf32, #tpu.memory_space<vmem>> -> memref<1x20xf32, #tpu.memory_space<vmem>>
      %dma_start3A_210 = arith.constant 0 : i32
      %dma_start3A_211 = tpu.memref_slice %arg4[%squeeze3A_207, %dma_start3A_210] : memref<1000000x20xf32, #tpu.memory_space<hbm>> -> memref<1x20xf32, #tpu.memory_space<hbm>>
      %dma_start3A_212 = arith.constant 0 : i32
      %dma_start3A_213 = tpu.memref_slice %arg9[%add3A_205, %dma_start3A_212] : memref<256x20xf32, #tpu.memory_space<vmem>> -> memref<1x20xf32, #tpu.memory_space<vmem>>
      %dma_start3A_214 = arith.constant 0 : i32
      %dma_start3A_215 = tpu.memref_slice %arg4[%squeeze3A_207, %dma_start3A_214] : memref<1000000x20xf32, #tpu.memory_space<hbm>> -> memref<1x20xf32, #tpu.memory_space<hbm>>
      tpu.enqueue_dma source(%dma_start3A_215 : memref<1x20xf32, #tpu.memory_space<hbm>>) target(%dma_start3A_213 : memref<1x20xf32, #tpu.memory_space<vmem>>) target_semaphore(%arg12 : memref<!tpu.dma_semaphore, #tpu.memory_space<semaphore_mem>>)
      %slice3A_216 = vector.extract_strided_slice %get3A_60 {offsets = [6], sizes = [1], strides = [1]} : vector<16xi32> to vector<1xi32>
      %squeeze3A_217 = vector.extract %slice3A_216[0] : i32 from vector<1xi32>
      %dma_start3A_218 = arith.constant 0 : i32
      %dma_start3A_219 = tpu.memref_slice %arg10[%add3A_205, %dma_start3A_218] : memref<256x20xf32, #tpu.memory_space<vmem>> -> memref<1x20xf32, #tpu.memory_space<vmem>>
      %dma_start3A_220 = arith.constant 0 : i32
      %dma_start3A_221 = tpu.memref_slice %arg5[%squeeze3A_217, %dma_start3A_220] : memref<100000x20xf32, #tpu.memory_space<hbm>> -> memref<1x20xf32, #tpu.memory_space<hbm>>
      %dma_start3A_222 = arith.constant 0 : i32
      %dma_start3A_223 = tpu.memref_slice %arg10[%add3A_205, %dma_start3A_222] : memref<256x20xf32, #tpu.memory_space<vmem>> -> memref<1x20xf32, #tpu.memory_space<vmem>>
      %dma_start3A_224 = arith.constant 0 : i32
      %dma_start3A_225 = tpu.memref_slice %arg5[%squeeze3A_217, %dma_start3A_224] : memref<100000x20xf32, #tpu.memory_space<hbm>> -> memref<1x20xf32, #tpu.memory_space<hbm>>
      tpu.enqueue_dma source(%dma_start3A_225 : memref<1x20xf32, #tpu.memory_space<hbm>>) target(%dma_start3A_223 : memref<1x20xf32, #tpu.memory_space<vmem>>) target_semaphore(%arg13 : memref<!tpu.dma_semaphore, #tpu.memory_space<semaphore_mem>>)
      %mul3A_226 = arith.constant 16 : i32
      %mul3A_227 = arith.muli %scan3A_49, %mul3A_226 : i32
      %add3A_228 = arith.constant 7 : i32
      %add3A_229 = arith.addi %mul3A_227, %add3A_228 : i32
      %slice3A_230 = vector.extract_strided_slice %get3A_54 {offsets = [7], sizes = [1], strides = [1]} : vector<16xi32> to vector<1xi32>
      %squeeze3A_231 = vector.extract %slice3A_230[0] : i32 from vector<1xi32>
      %dma_start3A_232 = arith.constant 0 : i32
      %dma_start3A_233 = tpu.memref_slice %arg9[%add3A_229, %dma_start3A_232] : memref<256x20xf32, #tpu.memory_space<vmem>> -> memref<1x20xf32, #tpu.memory_space<vmem>>
      %dma_start3A_234 = arith.constant 0 : i32
      %dma_start3A_235 = tpu.memref_slice %arg4[%squeeze3A_231, %dma_start3A_234] : memref<1000000x20xf32, #tpu.memory_space<hbm>> -> memref<1x20xf32, #tpu.memory_space<hbm>>
      %dma_start3A_236 = arith.constant 0 : i32
      %dma_start3A_237 = tpu.memref_slice %arg9[%add3A_229, %dma_start3A_236] : memref<256x20xf32, #tpu.memory_space<vmem>> -> memref<1x20xf32, #tpu.memory_space<vmem>>
      %dma_start3A_238 = arith.constant 0 : i32
      %dma_start3A_239 = tpu.memref_slice %arg4[%squeeze3A_231, %dma_start3A_238] : memref<1000000x20xf32, #tpu.memory_space<hbm>> -> memref<1x20xf32, #tpu.memory_space<hbm>>
      tpu.enqueue_dma source(%dma_start3A_239 : memref<1x20xf32, #tpu.memory_space<hbm>>) target(%dma_start3A_237 : memref<1x20xf32, #tpu.memory_space<vmem>>) target_semaphore(%arg12 : memref<!tpu.dma_semaphore, #tpu.memory_space<semaphore_mem>>)
      %slice3A_240 = vector.extract_strided_slice %get3A_60 {offsets = [7], sizes = [1], strides = [1]} : vector<16xi32> to vector<1xi32>
      %squeeze3A_241 = vector.extract %slice3A_240[0] : i32 from vector<1xi32>
      %dma_start3A_242 = arith.constant 0 : i32
      %dma_start3A_243 = tpu.memref_slice %arg10[%add3A_229, %dma_start3A_242] : memref<256x20xf32, #tpu.memory_space<vmem>> -> memref<1x20xf32, #tpu.memory_space<vmem>>
      %dma_start3A_244 = arith.constant 0 : i32
      %dma_start3A_245 = tpu.memref_slice %arg5[%squeeze3A_241, %dma_start3A_244] : memref<100000x20xf32, #tpu.memory_space<hbm>> -> memref<1x20xf32, #tpu.memory_space<hbm>>
      %dma_start3A_246 = arith.constant 0 : i32
      %dma_start3A_247 = tpu.memref_slice %arg10[%add3A_229, %dma_start3A_246] : memref<256x20xf32, #tpu.memory_space<vmem>> -> memref<1x20xf32, #tpu.memory_space<vmem>>
      %dma_start3A_248 = arith.constant 0 : i32
      %dma_start3A_249 = tpu.memref_slice %arg5[%squeeze3A_241, %dma_start3A_248] : memref<100000x20xf32, #tpu.memory_space<hbm>> -> memref<1x20xf32, #tpu.memory_space<hbm>>
      tpu.enqueue_dma source(%dma_start3A_249 : memref<1x20xf32, #tpu.memory_space<hbm>>) target(%dma_start3A_247 : memref<1x20xf32, #tpu.memory_space<vmem>>) target_semaphore(%arg13 : memref<!tpu.dma_semaphore, #tpu.memory_space<semaphore_mem>>)
      %mul3A_250 = arith.constant 16 : i32
      %mul3A_251 = arith.muli %scan3A_49, %mul3A_250 : i32
      %add3A_252 = arith.constant 8 : i32
      %add3A_253 = arith.addi %mul3A_251, %add3A_252 : i32
      %slice3A_254 = vector.extract_strided_slice %get3A_54 {offsets = [8], sizes = [1], strides = [1]} : vector<16xi32> to vector<1xi32>
      %squeeze3A_255 = vector.extract %slice3A_254[0] : i32 from vector<1xi32>
      %dma_start3A_256 = arith.constant 0 : i32
      %dma_start3A_257 = tpu.memref_slice %arg9[%add3A_253, %dma_start3A_256] : memref<256x20xf32, #tpu.memory_space<vmem>> -> memref<1x20xf32, #tpu.memory_space<vmem>>
      %dma_start3A_258 = arith.constant 0 : i32
      %dma_start3A_259 = tpu.memref_slice %arg4[%squeeze3A_255, %dma_start3A_258] : memref<1000000x20xf32, #tpu.memory_space<hbm>> -> memref<1x20xf32, #tpu.memory_space<hbm>>
      %dma_start3A_260 = arith.constant 0 : i32
      %dma_start3A_261 = tpu.memref_slice %arg9[%add3A_253, %dma_start3A_260] : memref<256x20xf32, #tpu.memory_space<vmem>> -> memref<1x20xf32, #tpu.memory_space<vmem>>
      %dma_start3A_262 = arith.constant 0 : i32
      %dma_start3A_263 = tpu.memref_slice %arg4[%squeeze3A_255, %dma_start3A_262] : memref<1000000x20xf32, #tpu.memory_space<hbm>> -> memref<1x20xf32, #tpu.memory_space<hbm>>
      tpu.enqueue_dma source(%dma_start3A_263 : memref<1x20xf32, #tpu.memory_space<hbm>>) target(%dma_start3A_261 : memref<1x20xf32, #tpu.memory_space<vmem>>) target_semaphore(%arg12 : memref<!tpu.dma_semaphore, #tpu.memory_space<semaphore_mem>>)
      %slice3A_264 = vector.extract_strided_slice %get3A_60 {offsets = [8], sizes = [1], strides = [1]} : vector<16xi32> to vector<1xi32>
      %squeeze3A_265 = vector.extract %slice3A_264[0] : i32 from vector<1xi32>
      %dma_start3A_266 = arith.constant 0 : i32
      %dma_start3A_267 = tpu.memref_slice %arg10[%add3A_253, %dma_start3A_266] : memref<256x20xf32, #tpu.memory_space<vmem>> -> memref<1x20xf32, #tpu.memory_space<vmem>>
      %dma_start3A_268 = arith.constant 0 : i32
      %dma_start3A_269 = tpu.memref_slice %arg5[%squeeze3A_265, %dma_start3A_268] : memref<100000x20xf32, #tpu.memory_space<hbm>> -> memref<1x20xf32, #tpu.memory_space<hbm>>
      %dma_start3A_270 = arith.constant 0 : i32
      %dma_start3A_271 = tpu.memref_slice %arg10[%add3A_253, %dma_start3A_270] : memref<256x20xf32, #tpu.memory_space<vmem>> -> memref<1x20xf32, #tpu.memory_space<vmem>>
      %dma_start3A_272 = arith.constant 0 : i32
      %dma_start3A_273 = tpu.memref_slice %arg5[%squeeze3A_265, %dma_start3A_272] : memref<100000x20xf32, #tpu.memory_space<hbm>> -> memref<1x20xf32, #tpu.memory_space<hbm>>
      tpu.enqueue_dma source(%dma_start3A_273 : memref<1x20xf32, #tpu.memory_space<hbm>>) target(%dma_start3A_271 : memref<1x20xf32, #tpu.memory_space<vmem>>) target_semaphore(%arg13 : memref<!tpu.dma_semaphore, #tpu.memory_space<semaphore_mem>>)
      %mul3A_274 = arith.constant 16 : i32
      %mul3A_275 = arith.muli %scan3A_49, %mul3A_274 : i32
      %add3A_276 = arith.constant 9 : i32
      %add3A_277 = arith.addi %mul3A_275, %add3A_276 : i32
      %slice3A_278 = vector.extract_strided_slice %get3A_54 {offsets = [9], sizes = [1], strides = [1]} : vector<16xi32> to vector<1xi32>
      %squeeze3A_279 = vector.extract %slice3A_278[0] : i32 from vector<1xi32>
      %dma_start3A_280 = arith.constant 0 : i32
      %dma_start3A_281 = tpu.memref_slice %arg9[%add3A_277, %dma_start3A_280] : memref<256x20xf32, #tpu.memory_space<vmem>> -> memref<1x20xf32, #tpu.memory_space<vmem>>
      %dma_start3A_282 = arith.constant 0 : i32
      %dma_start3A_283 = tpu.memref_slice %arg4[%squeeze3A_279, %dma_start3A_282] : memref<1000000x20xf32, #tpu.memory_space<hbm>> -> memref<1x20xf32, #tpu.memory_space<hbm>>
      %dma_start3A_284 = arith.constant 0 : i32
      %dma_start3A_285 = tpu.memref_slice %arg9[%add3A_277, %dma_start3A_284] : memref<256x20xf32, #tpu.memory_space<vmem>> -> memref<1x20xf32, #tpu.memory_space<vmem>>
      %dma_start3A_286 = arith.constant 0 : i32
      %dma_start3A_287 = tpu.memref_slice %arg4[%squeeze3A_279, %dma_start3A_286] : memref<1000000x20xf32, #tpu.memory_space<hbm>> -> memref<1x20xf32, #tpu.memory_space<hbm>>
      tpu.enqueue_dma source(%dma_start3A_287 : memref<1x20xf32, #tpu.memory_space<hbm>>) target(%dma_start3A_285 : memref<1x20xf32, #tpu.memory_space<vmem>>) target_semaphore(%arg12 : memref<!tpu.dma_semaphore, #tpu.memory_space<semaphore_mem>>)
      %slice3A_288 = vector.extract_strided_slice %get3A_60 {offsets = [9], sizes = [1], strides = [1]} : vector<16xi32> to vector<1xi32>
      %squeeze3A_289 = vector.extract %slice3A_288[0] : i32 from vector<1xi32>
      %dma_start3A_290 = arith.constant 0 : i32
      %dma_start3A_291 = tpu.memref_slice %arg10[%add3A_277, %dma_start3A_290] : memref<256x20xf32, #tpu.memory_space<vmem>> -> memref<1x20xf32, #tpu.memory_space<vmem>>
      %dma_start3A_292 = arith.constant 0 : i32
      %dma_start3A_293 = tpu.memref_slice %arg5[%squeeze3A_289, %dma_start3A_292] : memref<100000x20xf32, #tpu.memory_space<hbm>> -> memref<1x20xf32, #tpu.memory_space<hbm>>
      %dma_start3A_294 = arith.constant 0 : i32
      %dma_start3A_295 = tpu.memref_slice %arg10[%add3A_277, %dma_start3A_294] : memref<256x20xf32, #tpu.memory_space<vmem>> -> memref<1x20xf32, #tpu.memory_space<vmem>>
      %dma_start3A_296 = arith.constant 0 : i32
      %dma_start3A_297 = tpu.memref_slice %arg5[%squeeze3A_289, %dma_start3A_296] : memref<100000x20xf32, #tpu.memory_space<hbm>> -> memref<1x20xf32, #tpu.memory_space<hbm>>
      tpu.enqueue_dma source(%dma_start3A_297 : memref<1x20xf32, #tpu.memory_space<hbm>>) target(%dma_start3A_295 : memref<1x20xf32, #tpu.memory_space<vmem>>) target_semaphore(%arg13 : memref<!tpu.dma_semaphore, #tpu.memory_space<semaphore_mem>>)
      %mul3A_298 = arith.constant 16 : i32
      %mul3A_299 = arith.muli %scan3A_49, %mul3A_298 : i32
      %add3A_300 = arith.constant 10 : i32
      %add3A_301 = arith.addi %mul3A_299, %add3A_300 : i32
      %slice3A_302 = vector.extract_strided_slice %get3A_54 {offsets = [10], sizes = [1], strides = [1]} : vector<16xi32> to vector<1xi32>
      %squeeze3A_303 = vector.extract %slice3A_302[0] : i32 from vector<1xi32>
      %dma_start3A_304 = arith.constant 0 : i32
      %dma_start3A_305 = tpu.memref_slice %arg9[%add3A_301, %dma_start3A_304] : memref<256x20xf32, #tpu.memory_space<vmem>> -> memref<1x20xf32, #tpu.memory_space<vmem>>
      %dma_start3A_306 = arith.constant 0 : i32
      %dma_start3A_307 = tpu.memref_slice %arg4[%squeeze3A_303, %dma_start3A_306] : memref<1000000x20xf32, #tpu.memory_space<hbm>> -> memref<1x20xf32, #tpu.memory_space<hbm>>
      %dma_start3A_308 = arith.constant 0 : i32
      %dma_start3A_309 = tpu.memref_slice %arg9[%add3A_301, %dma_start3A_308] : memref<256x20xf32, #tpu.memory_space<vmem>> -> memref<1x20xf32, #tpu.memory_space<vmem>>
      %dma_start3A_310 = arith.constant 0 : i32
      %dma_start3A_311 = tpu.memref_slice %arg4[%squeeze3A_303, %dma_start3A_310] : memref<1000000x20xf32, #tpu.memory_space<hbm>> -> memref<1x20xf32, #tpu.memory_space<hbm>>
      tpu.enqueue_dma source(%dma_start3A_311 : memref<1x20xf32, #tpu.memory_space<hbm>>) target(%dma_start3A_309 : memref<1x20xf32, #tpu.memory_space<vmem>>) target_semaphore(%arg12 : memref<!tpu.dma_semaphore, #tpu.memory_space<semaphore_mem>>)
      %slice3A_312 = vector.extract_strided_slice %get3A_60 {offsets = [10], sizes = [1], strides = [1]} : vector<16xi32> to vector<1xi32>
      %squeeze3A_313 = vector.extract %slice3A_312[0] : i32 from vector<1xi32>
      %dma_start3A_314 = arith.constant 0 : i32
      %dma_start3A_315 = tpu.memref_slice %arg10[%add3A_301, %dma_start3A_314] : memref<256x20xf32, #tpu.memory_space<vmem>> -> memref<1x20xf32, #tpu.memory_space<vmem>>
      %dma_start3A_316 = arith.constant 0 : i32
      %dma_start3A_317 = tpu.memref_slice %arg5[%squeeze3A_313, %dma_start3A_316] : memref<100000x20xf32, #tpu.memory_space<hbm>> -> memref<1x20xf32, #tpu.memory_space<hbm>>
      %dma_start3A_318 = arith.constant 0 : i32
      %dma_start3A_319 = tpu.memref_slice %arg10[%add3A_301, %dma_start3A_318] : memref<256x20xf32, #tpu.memory_space<vmem>> -> memref<1x20xf32, #tpu.memory_space<vmem>>
      %dma_start3A_320 = arith.constant 0 : i32
      %dma_start3A_321 = tpu.memref_slice %arg5[%squeeze3A_313, %dma_start3A_320] : memref<100000x20xf32, #tpu.memory_space<hbm>> -> memref<1x20xf32, #tpu.memory_space<hbm>>
      tpu.enqueue_dma source(%dma_start3A_321 : memref<1x20xf32, #tpu.memory_space<hbm>>) target(%dma_start3A_319 : memref<1x20xf32, #tpu.memory_space<vmem>>) target_semaphore(%arg13 : memref<!tpu.dma_semaphore, #tpu.memory_space<semaphore_mem>>)
      %mul3A_322 = arith.constant 16 : i32
      %mul3A_323 = arith.muli %scan3A_49, %mul3A_322 : i32
      %add3A_324 = arith.constant 11 : i32
      %add3A_325 = arith.addi %mul3A_323, %add3A_324 : i32
      %slice3A_326 = vector.extract_strided_slice %get3A_54 {offsets = [11], sizes = [1], strides = [1]} : vector<16xi32> to vector<1xi32>
      %squeeze3A_327 = vector.extract %slice3A_326[0] : i32 from vector<1xi32>
      %dma_start3A_328 = arith.constant 0 : i32
      %dma_start3A_329 = tpu.memref_slice %arg9[%add3A_325, %dma_start3A_328] : memref<256x20xf32, #tpu.memory_space<vmem>> -> memref<1x20xf32, #tpu.memory_space<vmem>>
      %dma_start3A_330 = arith.constant 0 : i32
      %dma_start3A_331 = tpu.memref_slice %arg4[%squeeze3A_327, %dma_start3A_330] : memref<1000000x20xf32, #tpu.memory_space<hbm>> -> memref<1x20xf32, #tpu.memory_space<hbm>>
      %dma_start3A_332 = arith.constant 0 : i32
      %dma_start3A_333 = tpu.memref_slice %arg9[%add3A_325, %dma_start3A_332] : memref<256x20xf32, #tpu.memory_space<vmem>> -> memref<1x20xf32, #tpu.memory_space<vmem>>
      %dma_start3A_334 = arith.constant 0 : i32
      %dma_start3A_335 = tpu.memref_slice %arg4[%squeeze3A_327, %dma_start3A_334] : memref<1000000x20xf32, #tpu.memory_space<hbm>> -> memref<1x20xf32, #tpu.memory_space<hbm>>
      tpu.enqueue_dma source(%dma_start3A_335 : memref<1x20xf32, #tpu.memory_space<hbm>>) target(%dma_start3A_333 : memref<1x20xf32, #tpu.memory_space<vmem>>) target_semaphore(%arg12 : memref<!tpu.dma_semaphore, #tpu.memory_space<semaphore_mem>>)
      %slice3A_336 = vector.extract_strided_slice %get3A_60 {offsets = [11], sizes = [1], strides = [1]} : vector<16xi32> to vector<1xi32>
      %squeeze3A_337 = vector.extract %slice3A_336[0] : i32 from vector<1xi32>
      %dma_start3A_338 = arith.constant 0 : i32
      %dma_start3A_339 = tpu.memref_slice %arg10[%add3A_325, %dma_start3A_338] : memref<256x20xf32, #tpu.memory_space<vmem>> -> memref<1x20xf32, #tpu.memory_space<vmem>>
      %dma_start3A_340 = arith.constant 0 : i32
      %dma_start3A_341 = tpu.memref_slice %arg5[%squeeze3A_337, %dma_start3A_340] : memref<100000x20xf32, #tpu.memory_space<hbm>> -> memref<1x20xf32, #tpu.memory_space<hbm>>
      %dma_start3A_342 = arith.constant 0 : i32
      %dma_start3A_343 = tpu.memref_slice %arg10[%add3A_325, %dma_start3A_342] : memref<256x20xf32, #tpu.memory_space<vmem>> -> memref<1x20xf32, #tpu.memory_space<vmem>>
      %dma_start3A_344 = arith.constant 0 : i32
      %dma_start3A_345 = tpu.memref_slice %arg5[%squeeze3A_337, %dma_start3A_344] : memref<100000x20xf32, #tpu.memory_space<hbm>> -> memref<1x20xf32, #tpu.memory_space<hbm>>
      tpu.enqueue_dma source(%dma_start3A_345 : memref<1x20xf32, #tpu.memory_space<hbm>>) target(%dma_start3A_343 : memref<1x20xf32, #tpu.memory_space<vmem>>) target_semaphore(%arg13 : memref<!tpu.dma_semaphore, #tpu.memory_space<semaphore_mem>>)
      %mul3A_346 = arith.constant 16 : i32
      %mul3A_347 = arith.muli %scan3A_49, %mul3A_346 : i32
      %add3A_348 = arith.constant 12 : i32
      %add3A_349 = arith.addi %mul3A_347, %add3A_348 : i32
      %slice3A_350 = vector.extract_strided_slice %get3A_54 {offsets = [12], sizes = [1], strides = [1]} : vector<16xi32> to vector<1xi32>
      %squeeze3A_351 = vector.extract %slice3A_350[0] : i32 from vector<1xi32>
      %dma_start3A_352 = arith.constant 0 : i32
      %dma_start3A_353 = tpu.memref_slice %arg9[%add3A_349, %dma_start3A_352] : memref<256x20xf32, #tpu.memory_space<vmem>> -> memref<1x20xf32, #tpu.memory_space<vmem>>
      %dma_start3A_354 = arith.constant 0 : i32
      %dma_start3A_355 = tpu.memref_slice %arg4[%squeeze3A_351, %dma_start3A_354] : memref<1000000x20xf32, #tpu.memory_space<hbm>> -> memref<1x20xf32, #tpu.memory_space<hbm>>
      %dma_start3A_356 = arith.constant 0 : i32
      %dma_start3A_357 = tpu.memref_slice %arg9[%add3A_349, %dma_start3A_356] : memref<256x20xf32, #tpu.memory_space<vmem>> -> memref<1x20xf32, #tpu.memory_space<vmem>>
      %dma_start3A_358 = arith.constant 0 : i32
      %dma_start3A_359 = tpu.memref_slice %arg4[%squeeze3A_351, %dma_start3A_358] : memref<1000000x20xf32, #tpu.memory_space<hbm>> -> memref<1x20xf32, #tpu.memory_space<hbm>>
      tpu.enqueue_dma source(%dma_start3A_359 : memref<1x20xf32, #tpu.memory_space<hbm>>) target(%dma_start3A_357 : memref<1x20xf32, #tpu.memory_space<vmem>>) target_semaphore(%arg12 : memref<!tpu.dma_semaphore, #tpu.memory_space<semaphore_mem>>)
      %slice3A_360 = vector.extract_strided_slice %get3A_60 {offsets = [12], sizes = [1], strides = [1]} : vector<16xi32> to vector<1xi32>
      %squeeze3A_361 = vector.extract %slice3A_360[0] : i32 from vector<1xi32>
      %dma_start3A_362 = arith.constant 0 : i32
      %dma_start3A_363 = tpu.memref_slice %arg10[%add3A_349, %dma_start3A_362] : memref<256x20xf32, #tpu.memory_space<vmem>> -> memref<1x20xf32, #tpu.memory_space<vmem>>
      %dma_start3A_364 = arith.constant 0 : i32
      %dma_start3A_365 = tpu.memref_slice %arg5[%squeeze3A_361, %dma_start3A_364] : memref<100000x20xf32, #tpu.memory_space<hbm>> -> memref<1x20xf32, #tpu.memory_space<hbm>>
      %dma_start3A_366 = arith.constant 0 : i32
      %dma_start3A_367 = tpu.memref_slice %arg10[%add3A_349, %dma_start3A_366] : memref<256x20xf32, #tpu.memory_space<vmem>> -> memref<1x20xf32, #tpu.memory_space<vmem>>
      %dma_start3A_368 = arith.constant 0 : i32
      %dma_start3A_369 = tpu.memref_slice %arg5[%squeeze3A_361, %dma_start3A_368] : memref<100000x20xf32, #tpu.memory_space<hbm>> -> memref<1x20xf32, #tpu.memory_space<hbm>>
      tpu.enqueue_dma source(%dma_start3A_369 : memref<1x20xf32, #tpu.memory_space<hbm>>) target(%dma_start3A_367 : memref<1x20xf32, #tpu.memory_space<vmem>>) target_semaphore(%arg13 : memref<!tpu.dma_semaphore, #tpu.memory_space<semaphore_mem>>)
      %mul3A_370 = arith.constant 16 : i32
      %mul3A_371 = arith.muli %scan3A_49, %mul3A_370 : i32
      %add3A_372 = arith.constant 13 : i32
      %add3A_373 = arith.addi %mul3A_371, %add3A_372 : i32
      %slice3A_374 = vector.extract_strided_slice %get3A_54 {offsets = [13], sizes = [1], strides = [1]} : vector<16xi32> to vector<1xi32>
      %squeeze3A_375 = vector.extract %slice3A_374[0] : i32 from vector<1xi32>
      %dma_start3A_376 = arith.constant 0 : i32
      %dma_start3A_377 = tpu.memref_slice %arg9[%add3A_373, %dma_start3A_376] : memref<256x20xf32, #tpu.memory_space<vmem>> -> memref<1x20xf32, #tpu.memory_space<vmem>>
      %dma_start3A_378 = arith.constant 0 : i32
      %dma_start3A_379 = tpu.memref_slice %arg4[%squeeze3A_375, %dma_start3A_378] : memref<1000000x20xf32, #tpu.memory_space<hbm>> -> memref<1x20xf32, #tpu.memory_space<hbm>>
      %dma_start3A_380 = arith.constant 0 : i32
      %dma_start3A_381 = tpu.memref_slice %arg9[%add3A_373, %dma_start3A_380] : memref<256x20xf32, #tpu.memory_space<vmem>> -> memref<1x20xf32, #tpu.memory_space<vmem>>
      %dma_start3A_382 = arith.constant 0 : i32
      %dma_start3A_383 = tpu.memref_slice %arg4[%squeeze3A_375, %dma_start3A_382] : memref<1000000x20xf32, #tpu.memory_space<hbm>> -> memref<1x20xf32, #tpu.memory_space<hbm>>
      tpu.enqueue_dma source(%dma_start3A_383 : memref<1x20xf32, #tpu.memory_space<hbm>>) target(%dma_start3A_381 : memref<1x20xf32, #tpu.memory_space<vmem>>) target_semaphore(%arg12 : memref<!tpu.dma_semaphore, #tpu.memory_space<semaphore_mem>>)
      %slice3A_384 = vector.extract_strided_slice %get3A_60 {offsets = [13], sizes = [1], strides = [1]} : vector<16xi32> to vector<1xi32>
      %squeeze3A_385 = vector.extract %slice3A_384[0] : i32 from vector<1xi32>
      %dma_start3A_386 = arith.constant 0 : i32
      %dma_start3A_387 = tpu.memref_slice %arg10[%add3A_373, %dma_start3A_386] : memref<256x20xf32, #tpu.memory_space<vmem>> -> memref<1x20xf32, #tpu.memory_space<vmem>>
      %dma_start3A_388 = arith.constant 0 : i32
      %dma_start3A_389 = tpu.memref_slice %arg5[%squeeze3A_385, %dma_start3A_388] : memref<100000x20xf32, #tpu.memory_space<hbm>> -> memref<1x20xf32, #tpu.memory_space<hbm>>
      %dma_start3A_390 = arith.constant 0 : i32
      %dma_start3A_391 = tpu.memref_slice %arg10[%add3A_373, %dma_start3A_390] : memref<256x20xf32, #tpu.memory_space<vmem>> -> memref<1x20xf32, #tpu.memory_space<vmem>>
      %dma_start3A_392 = arith.constant 0 : i32
      %dma_start3A_393 = tpu.memref_slice %arg5[%squeeze3A_385, %dma_start3A_392] : memref<100000x20xf32, #tpu.memory_space<hbm>> -> memref<1x20xf32, #tpu.memory_space<hbm>>
      tpu.enqueue_dma source(%dma_start3A_393 : memref<1x20xf32, #tpu.memory_space<hbm>>) target(%dma_start3A_391 : memref<1x20xf32, #tpu.memory_space<vmem>>) target_semaphore(%arg13 : memref<!tpu.dma_semaphore, #tpu.memory_space<semaphore_mem>>)
      %mul3A_394 = arith.constant 16 : i32
      %mul3A_395 = arith.muli %scan3A_49, %mul3A_394 : i32
      %add3A_396 = arith.constant 14 : i32
      %add3A_397 = arith.addi %mul3A_395, %add3A_396 : i32
      %slice3A_398 = vector.extract_strided_slice %get3A_54 {offsets = [14], sizes = [1], strides = [1]} : vector<16xi32> to vector<1xi32>
      %squeeze3A_399 = vector.extract %slice3A_398[0] : i32 from vector<1xi32>
      %dma_start3A_400 = arith.constant 0 : i32
      %dma_start3A_401 = tpu.memref_slice %arg9[%add3A_397, %dma_start3A_400] : memref<256x20xf32, #tpu.memory_space<vmem>> -> memref<1x20xf32, #tpu.memory_space<vmem>>
      %dma_start3A_402 = arith.constant 0 : i32
      %dma_start3A_403 = tpu.memref_slice %arg4[%squeeze3A_399, %dma_start3A_402] : memref<1000000x20xf32, #tpu.memory_space<hbm>> -> memref<1x20xf32, #tpu.memory_space<hbm>>
      %dma_start3A_404 = arith.constant 0 : i32
      %dma_start3A_405 = tpu.memref_slice %arg9[%add3A_397, %dma_start3A_404] : memref<256x20xf32, #tpu.memory_space<vmem>> -> memref<1x20xf32, #tpu.memory_space<vmem>>
      %dma_start3A_406 = arith.constant 0 : i32
      %dma_start3A_407 = tpu.memref_slice %arg4[%squeeze3A_399, %dma_start3A_406] : memref<1000000x20xf32, #tpu.memory_space<hbm>> -> memref<1x20xf32, #tpu.memory_space<hbm>>
      tpu.enqueue_dma source(%dma_start3A_407 : memref<1x20xf32, #tpu.memory_space<hbm>>) target(%dma_start3A_405 : memref<1x20xf32, #tpu.memory_space<vmem>>) target_semaphore(%arg12 : memref<!tpu.dma_semaphore, #tpu.memory_space<semaphore_mem>>)
      %slice3A_408 = vector.extract_strided_slice %get3A_60 {offsets = [14], sizes = [1], strides = [1]} : vector<16xi32> to vector<1xi32>
      %squeeze3A_409 = vector.extract %slice3A_408[0] : i32 from vector<1xi32>
      %dma_start3A_410 = arith.constant 0 : i32
      %dma_start3A_411 = tpu.memref_slice %arg10[%add3A_397, %dma_start3A_410] : memref<256x20xf32, #tpu.memory_space<vmem>> -> memref<1x20xf32, #tpu.memory_space<vmem>>
      %dma_start3A_412 = arith.constant 0 : i32
      %dma_start3A_413 = tpu.memref_slice %arg5[%squeeze3A_409, %dma_start3A_412] : memref<100000x20xf32, #tpu.memory_space<hbm>> -> memref<1x20xf32, #tpu.memory_space<hbm>>
      %dma_start3A_414 = arith.constant 0 : i32
      %dma_start3A_415 = tpu.memref_slice %arg10[%add3A_397, %dma_start3A_414] : memref<256x20xf32, #tpu.memory_space<vmem>> -> memref<1x20xf32, #tpu.memory_space<vmem>>
      %dma_start3A_416 = arith.constant 0 : i32
      %dma_start3A_417 = tpu.memref_slice %arg5[%squeeze3A_409, %dma_start3A_416] : memref<100000x20xf32, #tpu.memory_space<hbm>> -> memref<1x20xf32, #tpu.memory_space<hbm>>
      tpu.enqueue_dma source(%dma_start3A_417 : memref<1x20xf32, #tpu.memory_space<hbm>>) target(%dma_start3A_415 : memref<1x20xf32, #tpu.memory_space<vmem>>) target_semaphore(%arg13 : memref<!tpu.dma_semaphore, #tpu.memory_space<semaphore_mem>>)
      %mul3A_418 = arith.constant 16 : i32
      %mul3A_419 = arith.muli %scan3A_49, %mul3A_418 : i32
      %add3A_420 = arith.constant 15 : i32
      %add3A_421 = arith.addi %mul3A_419, %add3A_420 : i32
      %slice3A_422 = vector.extract_strided_slice %get3A_54 {offsets = [15], sizes = [1], strides = [1]} : vector<16xi32> to vector<1xi32>
      %squeeze3A_423 = vector.extract %slice3A_422[0] : i32 from vector<1xi32>
      %dma_start3A_424 = arith.constant 0 : i32
      %dma_start3A_425 = tpu.memref_slice %arg9[%add3A_421, %dma_start3A_424] : memref<256x20xf32, #tpu.memory_space<vmem>> -> memref<1x20xf32, #tpu.memory_space<vmem>>
      %dma_start3A_426 = arith.constant 0 : i32
      %dma_start3A_427 = tpu.memref_slice %arg4[%squeeze3A_423, %dma_start3A_426] : memref<1000000x20xf32, #tpu.memory_space<hbm>> -> memref<1x20xf32, #tpu.memory_space<hbm>>
      %dma_start3A_428 = arith.constant 0 : i32
      %dma_start3A_429 = tpu.memref_slice %arg9[%add3A_421, %dma_start3A_428] : memref<256x20xf32, #tpu.memory_space<vmem>> -> memref<1x20xf32, #tpu.memory_space<vmem>>
      %dma_start3A_430 = arith.constant 0 : i32
      %dma_start3A_431 = tpu.memref_slice %arg4[%squeeze3A_423, %dma_start3A_430] : memref<1000000x20xf32, #tpu.memory_space<hbm>> -> memref<1x20xf32, #tpu.memory_space<hbm>>
      tpu.enqueue_dma source(%dma_start3A_431 : memref<1x20xf32, #tpu.memory_space<hbm>>) target(%dma_start3A_429 : memref<1x20xf32, #tpu.memory_space<vmem>>) target_semaphore(%arg12 : memref<!tpu.dma_semaphore, #tpu.memory_space<semaphore_mem>>)
      %slice3A_432 = vector.extract_strided_slice %get3A_60 {offsets = [15], sizes = [1], strides = [1]} : vector<16xi32> to vector<1xi32>
      %squeeze3A_433 = vector.extract %slice3A_432[0] : i32 from vector<1xi32>
      %dma_start3A_434 = arith.constant 0 : i32
      %dma_start3A_435 = tpu.memref_slice %arg10[%add3A_421, %dma_start3A_434] : memref<256x20xf32, #tpu.memory_space<vmem>> -> memref<1x20xf32, #tpu.memory_space<vmem>>
      %dma_start3A_436 = arith.constant 0 : i32
      %dma_start3A_437 = tpu.memref_slice %arg5[%squeeze3A_433, %dma_start3A_436] : memref<100000x20xf32, #tpu.memory_space<hbm>> -> memref<1x20xf32, #tpu.memory_space<hbm>>
      %dma_start3A_438 = arith.constant 0 : i32
      %dma_start3A_439 = tpu.memref_slice %arg10[%add3A_421, %dma_start3A_438] : memref<256x20xf32, #tpu.memory_space<vmem>> -> memref<1x20xf32, #tpu.memory_space<vmem>>
      %dma_start3A_440 = arith.constant 0 : i32
      %dma_start3A_441 = tpu.memref_slice %arg5[%squeeze3A_433, %dma_start3A_440] : memref<100000x20xf32, #tpu.memory_space<hbm>> -> memref<1x20xf32, #tpu.memory_space<hbm>>
      tpu.enqueue_dma source(%dma_start3A_441 : memref<1x20xf32, #tpu.memory_space<hbm>>) target(%dma_start3A_439 : memref<1x20xf32, #tpu.memory_space<vmem>>) target_semaphore(%arg13 : memref<!tpu.dma_semaphore, #tpu.memory_space<semaphore_mem>>)
    }
    %scan3A_7 = arith.constant 16 : i32
    %dma_wait3A = arith.constant 0 : i32
    %dma_wait3A_8 = arith.constant 0 : i32
    %dma_wait3A_9 = tpu.memref_slice %arg4[%dma_wait3A, %dma_wait3A_8] : memref<1000000x20xf32, #tpu.memory_space<hbm>> -> memref<256x20xf32, #tpu.memory_space<hbm>>
    %dma_wait3A_10 = arith.constant 0 : i32
    %dma_wait3A_11 = arith.constant 0 : i32
    %dma_wait3A_12 = tpu.memref_slice %arg4[%dma_wait3A_10, %dma_wait3A_11] : memref<1000000x20xf32, #tpu.memory_space<hbm>> -> memref<256x20xf32, #tpu.memory_space<hbm>>
    tpu.wait_dma2 semaphore(%arg12 : memref<!tpu.dma_semaphore, #tpu.memory_space<semaphore_mem>>) src(%dma_wait3A_12 : memref<256x20xf32, #tpu.memory_space<hbm>>) dst(%arg9 : memref<256x20xf32, #tpu.memory_space<vmem>>)
    %dma_wait3A_13 = arith.constant 0 : i32
    %dma_wait3A_14 = arith.constant 0 : i32
    %dma_wait3A_15 = tpu.memref_slice %arg5[%dma_wait3A_13, %dma_wait3A_14] : memref<100000x20xf32, #tpu.memory_space<hbm>> -> memref<256x20xf32, #tpu.memory_space<hbm>>
    %dma_wait3A_16 = arith.constant 0 : i32
    %dma_wait3A_17 = arith.constant 0 : i32
    %dma_wait3A_18 = tpu.memref_slice %arg5[%dma_wait3A_16, %dma_wait3A_17] : memref<100000x20xf32, #tpu.memory_space<hbm>> -> memref<256x20xf32, #tpu.memory_space<hbm>>
    tpu.wait_dma2 semaphore(%arg13 : memref<!tpu.dma_semaphore, #tpu.memory_space<semaphore_mem>>) src(%dma_wait3A_18 : memref<256x20xf32, #tpu.memory_space<hbm>>) dst(%arg10 : memref<256x20xf32, #tpu.memory_space<vmem>>)
    %scan3A_19 = arith.constant 0 : i32
    %scan3A_20 = arith.constant 0 : i32
    %scan3A_21 = arith.constant 16 : i32
    %scan3A_22 = arith.addi %scan3A_20, %scan3A_21 : i32
    %scan3A_23 = arith.constant 1 : i32
    scf.for %scan3A_49 = %scan3A_20 to %scan3A_22 step %scan3A_23  : i32 {
      %mul3A_50 = arith.constant 16 : i32
      %mul3A_51 = arith.muli %scan3A_49, %mul3A_50 : i32
      %add3A_52 = vector.broadcast %mul3A_51 : i32 to vector<16xi32>
      %add3A_53 = arith.addi %add3A_52, %iota3A : vector<16xi32>
      %broadcast_in_dim3A = arith.constant 0.000000e+00 : f32
      %broadcast_in_dim3A_54 = vector.broadcast %broadcast_in_dim3A : f32 to vector<16xf32>
      %broadcast_in_dim3A_55 = arith.constant 0.000000e+00 : f32
      %broadcast_in_dim3A_56 = vector.broadcast %broadcast_in_dim3A_55 : f32 to vector<16xf32>
      %broadcast_in_dim3A_57 = arith.constant 0.000000e+00 : f32
      %broadcast_in_dim3A_58 = vector.broadcast %broadcast_in_dim3A_57 : f32 to vector<16xf32>
      %broadcast_in_dim3A_59 = arith.constant 0 : i32
      %broadcast_in_dim3A_60 = vector.broadcast %broadcast_in_dim3A_59 : i32 to vector<16xi32>
      %gather3A = tpu.vector_load_idx %arg9[%add3A_53, %broadcast_in_dim3A_60] : memref<256x20xf32, #tpu.memory_space<vmem>>[vector<16xi32>, vector<16xi32>], vector<16xf32>,
      %gather3A_61 = tpu.vector_load_idx %arg10[%add3A_53, %broadcast_in_dim3A_60] : memref<256x20xf32, #tpu.memory_space<vmem>>[vector<16xi32>, vector<16xi32>], vector<16xf32>,
      %mul3A_62 = arith.mulf %gather3A, %gather3A_61 : vector<16xf32>
      %add3A_63 = arith.addf %broadcast_in_dim3A_54, %mul3A_62 : vector<16xf32>
      %mul3A_64 = arith.mulf %gather3A, %gather3A : vector<16xf32>
      %add3A_65 = arith.addf %broadcast_in_dim3A_56, %mul3A_64 : vector<16xf32>
      %mul3A_66 = arith.mulf %gather3A_61, %gather3A_61 : vector<16xf32>
      %add3A_67 = arith.addf %broadcast_in_dim3A_58, %mul3A_66 : vector<16xf32>
      %broadcast_in_dim3A_68 = arith.constant 1 : i32
      %broadcast_in_dim3A_69 = vector.broadcast %broadcast_in_dim3A_68 : i32 to vector<16xi32>
      %gather3A_70 = tpu.vector_load_idx %arg9[%add3A_53, %broadcast_in_dim3A_69] : memref<256x20xf32, #tpu.memory_space<vmem>>[vector<16xi32>, vector<16xi32>], vector<16xf32>,
      %gather3A_71 = tpu.vector_load_idx %arg10[%add3A_53, %broadcast_in_dim3A_69] : memref<256x20xf32, #tpu.memory_space<vmem>>[vector<16xi32>, vector<16xi32>], vector<16xf32>,
      %mul3A_72 = arith.mulf %gather3A_70, %gather3A_71 : vector<16xf32>
      %add3A_73 = arith.addf %add3A_63, %mul3A_72 : vector<16xf32>
      %mul3A_74 = arith.mulf %gather3A_70, %gather3A_70 : vector<16xf32>
      %add3A_75 = arith.addf %add3A_65, %mul3A_74 : vector<16xf32>
      %mul3A_76 = arith.mulf %gather3A_71, %gather3A_71 : vector<16xf32>
      %add3A_77 = arith.addf %add3A_67, %mul3A_76 : vector<16xf32>
      %broadcast_in_dim3A_78 = arith.constant 2 : i32
      %broadcast_in_dim3A_79 = vector.broadcast %broadcast_in_dim3A_78 : i32 to vector<16xi32>
      %gather3A_80 = tpu.vector_load_idx %arg9[%add3A_53, %broadcast_in_dim3A_79] : memref<256x20xf32, #tpu.memory_space<vmem>>[vector<16xi32>, vector<16xi32>], vector<16xf32>,
      %gather3A_81 = tpu.vector_load_idx %arg10[%add3A_53, %broadcast_in_dim3A_79] : memref<256x20xf32, #tpu.memory_space<vmem>>[vector<16xi32>, vector<16xi32>], vector<16xf32>,
      %mul3A_82 = arith.mulf %gather3A_80, %gather3A_81 : vector<16xf32>
      %add3A_83 = arith.addf %add3A_73, %mul3A_82 : vector<16xf32>
      %mul3A_84 = arith.mulf %gather3A_80, %gather3A_80 : vector<16xf32>
      %add3A_85 = arith.addf %add3A_75, %mul3A_84 : vector<16xf32>
      %mul3A_86 = arith.mulf %gather3A_81, %gather3A_81 : vector<16xf32>
      %add3A_87 = arith.addf %add3A_77, %mul3A_86 : vector<16xf32>
      %broadcast_in_dim3A_88 = arith.constant 3 : i32
      %broadcast_in_dim3A_89 = vector.broadcast %broadcast_in_dim3A_88 : i32 to vector<16xi32>
      %gather3A_90 = tpu.vector_load_idx %arg9[%add3A_53, %broadcast_in_dim3A_89] : memref<256x20xf32, #tpu.memory_space<vmem>>[vector<16xi32>, vector<16xi32>], vector<16xf32>,
      %gather3A_91 = tpu.vector_load_idx %arg10[%add3A_53, %broadcast_in_dim3A_89] : memref<256x20xf32, #tpu.memory_space<vmem>>[vector<16xi32>, vector<16xi32>], vector<16xf32>,
      %mul3A_92 = arith.mulf %gather3A_90, %gather3A_91 : vector<16xf32>
      %add3A_93 = arith.addf %add3A_83, %mul3A_92 : vector<16xf32>
      %mul3A_94 = arith.mulf %gather3A_90, %gather3A_90 : vector<16xf32>
      %add3A_95 = arith.addf %add3A_85, %mul3A_94 : vector<16xf32>
      %mul3A_96 = arith.mulf %gather3A_91, %gather3A_91 : vector<16xf32>
      %add3A_97 = arith.addf %add3A_87, %mul3A_96 : vector<16xf32>
      %broadcast_in_dim3A_98 = arith.constant 4 : i32
      %broadcast_in_dim3A_99 = vector.broadcast %broadcast_in_dim3A_98 : i32 to vector<16xi32>
      %gather3A_100 = tpu.vector_load_idx %arg9[%add3A_53, %broadcast_in_dim3A_99] : memref<256x20xf32, #tpu.memory_space<vmem>>[vector<16xi32>, vector<16xi32>], vector<16xf32>,
      %gather3A_101 = tpu.vector_load_idx %arg10[%add3A_53, %broadcast_in_dim3A_99] : memref<256x20xf32, #tpu.memory_space<vmem>>[vector<16xi32>, vector<16xi32>], vector<16xf32>,
      %mul3A_102 = arith.mulf %gather3A_100, %gather3A_101 : vector<16xf32>
      %add3A_103 = arith.addf %add3A_93, %mul3A_102 : vector<16xf32>
      %mul3A_104 = arith.mulf %gather3A_100, %gather3A_100 : vector<16xf32>
      %add3A_105 = arith.addf %add3A_95, %mul3A_104 : vector<16xf32>
      %mul3A_106 = arith.mulf %gather3A_101, %gather3A_101 : vector<16xf32>
      %add3A_107 = arith.addf %add3A_97, %mul3A_106 : vector<16xf32>
      %broadcast_in_dim3A_108 = arith.constant 5 : i32
      %broadcast_in_dim3A_109 = vector.broadcast %broadcast_in_dim3A_108 : i32 to vector<16xi32>
      %gather3A_110 = tpu.vector_load_idx %arg9[%add3A_53, %broadcast_in_dim3A_109] : memref<256x20xf32, #tpu.memory_space<vmem>>[vector<16xi32>, vector<16xi32>], vector<16xf32>,
      %gather3A_111 = tpu.vector_load_idx %arg10[%add3A_53, %broadcast_in_dim3A_109] : memref<256x20xf32, #tpu.memory_space<vmem>>[vector<16xi32>, vector<16xi32>], vector<16xf32>,
      %mul3A_112 = arith.mulf %gather3A_110, %gather3A_111 : vector<16xf32>
      %add3A_113 = arith.addf %add3A_103, %mul3A_112 : vector<16xf32>
      %mul3A_114 = arith.mulf %gather3A_110, %gather3A_110 : vector<16xf32>
      %add3A_115 = arith.addf %add3A_105, %mul3A_114 : vector<16xf32>
      %mul3A_116 = arith.mulf %gather3A_111, %gather3A_111 : vector<16xf32>
      %add3A_117 = arith.addf %add3A_107, %mul3A_116 : vector<16xf32>
      %broadcast_in_dim3A_118 = arith.constant 6 : i32
      %broadcast_in_dim3A_119 = vector.broadcast %broadcast_in_dim3A_118 : i32 to vector<16xi32>
      %gather3A_120 = tpu.vector_load_idx %arg9[%add3A_53, %broadcast_in_dim3A_119] : memref<256x20xf32, #tpu.memory_space<vmem>>[vector<16xi32>, vector<16xi32>], vector<16xf32>,
      %gather3A_121 = tpu.vector_load_idx %arg10[%add3A_53, %broadcast_in_dim3A_119] : memref<256x20xf32, #tpu.memory_space<vmem>>[vector<16xi32>, vector<16xi32>], vector<16xf32>,
      %mul3A_122 = arith.mulf %gather3A_120, %gather3A_121 : vector<16xf32>
      %add3A_123 = arith.addf %add3A_113, %mul3A_122 : vector<16xf32>
      %mul3A_124 = arith.mulf %gather3A_120, %gather3A_120 : vector<16xf32>
      %add3A_125 = arith.addf %add3A_115, %mul3A_124 : vector<16xf32>
      %mul3A_126 = arith.mulf %gather3A_121, %gather3A_121 : vector<16xf32>
      %add3A_127 = arith.addf %add3A_117, %mul3A_126 : vector<16xf32>
      %broadcast_in_dim3A_128 = arith.constant 7 : i32
      %broadcast_in_dim3A_129 = vector.broadcast %broadcast_in_dim3A_128 : i32 to vector<16xi32>
      %gather3A_130 = tpu.vector_load_idx %arg9[%add3A_53, %broadcast_in_dim3A_129] : memref<256x20xf32, #tpu.memory_space<vmem>>[vector<16xi32>, vector<16xi32>], vector<16xf32>,
      %gather3A_131 = tpu.vector_load_idx %arg10[%add3A_53, %broadcast_in_dim3A_129] : memref<256x20xf32, #tpu.memory_space<vmem>>[vector<16xi32>, vector<16xi32>], vector<16xf32>,
      %mul3A_132 = arith.mulf %gather3A_130, %gather3A_131 : vector<16xf32>
      %add3A_133 = arith.addf %add3A_123, %mul3A_132 : vector<16xf32>
      %mul3A_134 = arith.mulf %gather3A_130, %gather3A_130 : vector<16xf32>
      %add3A_135 = arith.addf %add3A_125, %mul3A_134 : vector<16xf32>
      %mul3A_136 = arith.mulf %gather3A_131, %gather3A_131 : vector<16xf32>
      %add3A_137 = arith.addf %add3A_127, %mul3A_136 : vector<16xf32>
      %broadcast_in_dim3A_138 = arith.constant 8 : i32
      %broadcast_in_dim3A_139 = vector.broadcast %broadcast_in_dim3A_138 : i32 to vector<16xi32>
      %gather3A_140 = tpu.vector_load_idx %arg9[%add3A_53, %broadcast_in_dim3A_139] : memref<256x20xf32, #tpu.memory_space<vmem>>[vector<16xi32>, vector<16xi32>], vector<16xf32>,
      %gather3A_141 = tpu.vector_load_idx %arg10[%add3A_53, %broadcast_in_dim3A_139] : memref<256x20xf32, #tpu.memory_space<vmem>>[vector<16xi32>, vector<16xi32>], vector<16xf32>,
      %mul3A_142 = arith.mulf %gather3A_140, %gather3A_141 : vector<16xf32>
      %add3A_143 = arith.addf %add3A_133, %mul3A_142 : vector<16xf32>
      %mul3A_144 = arith.mulf %gather3A_140, %gather3A_140 : vector<16xf32>
      %add3A_145 = arith.addf %add3A_135, %mul3A_144 : vector<16xf32>
      %mul3A_146 = arith.mulf %gather3A_141, %gather3A_141 : vector<16xf32>
      %add3A_147 = arith.addf %add3A_137, %mul3A_146 : vector<16xf32>
      %broadcast_in_dim3A_148 = arith.constant 9 : i32
      %broadcast_in_dim3A_149 = vector.broadcast %broadcast_in_dim3A_148 : i32 to vector<16xi32>
      %gather3A_150 = tpu.vector_load_idx %arg9[%add3A_53, %broadcast_in_dim3A_149] : memref<256x20xf32, #tpu.memory_space<vmem>>[vector<16xi32>, vector<16xi32>], vector<16xf32>,
      %gather3A_151 = tpu.vector_load_idx %arg10[%add3A_53, %broadcast_in_dim3A_149] : memref<256x20xf32, #tpu.memory_space<vmem>>[vector<16xi32>, vector<16xi32>], vector<16xf32>,
      %mul3A_152 = arith.mulf %gather3A_150, %gather3A_151 : vector<16xf32>
      %add3A_153 = arith.addf %add3A_143, %mul3A_152 : vector<16xf32>
      %mul3A_154 = arith.mulf %gather3A_150, %gather3A_150 : vector<16xf32>
      %add3A_155 = arith.addf %add3A_145, %mul3A_154 : vector<16xf32>
      %mul3A_156 = arith.mulf %gather3A_151, %gather3A_151 : vector<16xf32>
      %add3A_157 = arith.addf %add3A_147, %mul3A_156 : vector<16xf32>
      %broadcast_in_dim3A_158 = arith.constant 10 : i32
      %broadcast_in_dim3A_159 = vector.broadcast %broadcast_in_dim3A_158 : i32 to vector<16xi32>
      %gather3A_160 = tpu.vector_load_idx %arg9[%add3A_53, %broadcast_in_dim3A_159] : memref<256x20xf32, #tpu.memory_space<vmem>>[vector<16xi32>, vector<16xi32>], vector<16xf32>,
      %gather3A_161 = tpu.vector_load_idx %arg10[%add3A_53, %broadcast_in_dim3A_159] : memref<256x20xf32, #tpu.memory_space<vmem>>[vector<16xi32>, vector<16xi32>], vector<16xf32>,
      %mul3A_162 = arith.mulf %gather3A_160, %gather3A_161 : vector<16xf32>
      %add3A_163 = arith.addf %add3A_153, %mul3A_162 : vector<16xf32>
      %mul3A_164 = arith.mulf %gather3A_160, %gather3A_160 : vector<16xf32>
      %add3A_165 = arith.addf %add3A_155, %mul3A_164 : vector<16xf32>
      %mul3A_166 = arith.mulf %gather3A_161, %gather3A_161 : vector<16xf32>
      %add3A_167 = arith.addf %add3A_157, %mul3A_166 : vector<16xf32>
      %broadcast_in_dim3A_168 = arith.constant 11 : i32
      %broadcast_in_dim3A_169 = vector.broadcast %broadcast_in_dim3A_168 : i32 to vector<16xi32>
      %gather3A_170 = tpu.vector_load_idx %arg9[%add3A_53, %broadcast_in_dim3A_169] : memref<256x20xf32, #tpu.memory_space<vmem>>[vector<16xi32>, vector<16xi32>], vector<16xf32>,
      %gather3A_171 = tpu.vector_load_idx %arg10[%add3A_53, %broadcast_in_dim3A_169] : memref<256x20xf32, #tpu.memory_space<vmem>>[vector<16xi32>, vector<16xi32>], vector<16xf32>,
      %mul3A_172 = arith.mulf %gather3A_170, %gather3A_171 : vector<16xf32>
      %add3A_173 = arith.addf %add3A_163, %mul3A_172 : vector<16xf32>
      %mul3A_174 = arith.mulf %gather3A_170, %gather3A_170 : vector<16xf32>
      %add3A_175 = arith.addf %add3A_165, %mul3A_174 : vector<16xf32>
      %mul3A_176 = arith.mulf %gather3A_171, %gather3A_171 : vector<16xf32>
      %add3A_177 = arith.addf %add3A_167, %mul3A_176 : vector<16xf32>
      %broadcast_in_dim3A_178 = arith.constant 12 : i32
      %broadcast_in_dim3A_179 = vector.broadcast %broadcast_in_dim3A_178 : i32 to vector<16xi32>
      %gather3A_180 = tpu.vector_load_idx %arg9[%add3A_53, %broadcast_in_dim3A_179] : memref<256x20xf32, #tpu.memory_space<vmem>>[vector<16xi32>, vector<16xi32>], vector<16xf32>,
      %gather3A_181 = tpu.vector_load_idx %arg10[%add3A_53, %broadcast_in_dim3A_179] : memref<256x20xf32, #tpu.memory_space<vmem>>[vector<16xi32>, vector<16xi32>], vector<16xf32>,
      %mul3A_182 = arith.mulf %gather3A_180, %gather3A_181 : vector<16xf32>
      %add3A_183 = arith.addf %add3A_173, %mul3A_182 : vector<16xf32>
      %mul3A_184 = arith.mulf %gather3A_180, %gather3A_180 : vector<16xf32>
      %add3A_185 = arith.addf %add3A_175, %mul3A_184 : vector<16xf32>
      %mul3A_186 = arith.mulf %gather3A_181, %gather3A_181 : vector<16xf32>
      %add3A_187 = arith.addf %add3A_177, %mul3A_186 : vector<16xf32>
      %broadcast_in_dim3A_188 = arith.constant 13 : i32
      %broadcast_in_dim3A_189 = vector.broadcast %broadcast_in_dim3A_188 : i32 to vector<16xi32>
      %gather3A_190 = tpu.vector_load_idx %arg9[%add3A_53, %broadcast_in_dim3A_189] : memref<256x20xf32, #tpu.memory_space<vmem>>[vector<16xi32>, vector<16xi32>], vector<16xf32>,
      %gather3A_191 = tpu.vector_load_idx %arg10[%add3A_53, %broadcast_in_dim3A_189] : memref<256x20xf32, #tpu.memory_space<vmem>>[vector<16xi32>, vector<16xi32>], vector<16xf32>,
      %mul3A_192 = arith.mulf %gather3A_190, %gather3A_191 : vector<16xf32>
      %add3A_193 = arith.addf %add3A_183, %mul3A_192 : vector<16xf32>
      %mul3A_194 = arith.mulf %gather3A_190, %gather3A_190 : vector<16xf32>
      %add3A_195 = arith.addf %add3A_185, %mul3A_194 : vector<16xf32>
      %mul3A_196 = arith.mulf %gather3A_191, %gather3A_191 : vector<16xf32>
      %add3A_197 = arith.addf %add3A_187, %mul3A_196 : vector<16xf32>
      %broadcast_in_dim3A_198 = arith.constant 14 : i32
      %broadcast_in_dim3A_199 = vector.broadcast %broadcast_in_dim3A_198 : i32 to vector<16xi32>
      %gather3A_200 = tpu.vector_load_idx %arg9[%add3A_53, %broadcast_in_dim3A_199] : memref<256x20xf32, #tpu.memory_space<vmem>>[vector<16xi32>, vector<16xi32>], vector<16xf32>,
      %gather3A_201 = tpu.vector_load_idx %arg10[%add3A_53, %broadcast_in_dim3A_199] : memref<256x20xf32, #tpu.memory_space<vmem>>[vector<16xi32>, vector<16xi32>], vector<16xf32>,
      %mul3A_202 = arith.mulf %gather3A_200, %gather3A_201 : vector<16xf32>
      %add3A_203 = arith.addf %add3A_193, %mul3A_202 : vector<16xf32>
      %mul3A_204 = arith.mulf %gather3A_200, %gather3A_200 : vector<16xf32>
      %add3A_205 = arith.addf %add3A_195, %mul3A_204 : vector<16xf32>
      %mul3A_206 = arith.mulf %gather3A_201, %gather3A_201 : vector<16xf32>
      %add3A_207 = arith.addf %add3A_197, %mul3A_206 : vector<16xf32>
      %broadcast_in_dim3A_208 = arith.constant 15 : i32
      %broadcast_in_dim3A_209 = vector.broadcast %broadcast_in_dim3A_208 : i32 to vector<16xi32>
      %gather3A_210 = tpu.vector_load_idx %arg9[%add3A_53, %broadcast_in_dim3A_209] : memref<256x20xf32, #tpu.memory_space<vmem>>[vector<16xi32>, vector<16xi32>], vector<16xf32>,
      %gather3A_211 = tpu.vector_load_idx %arg10[%add3A_53, %broadcast_in_dim3A_209] : memref<256x20xf32, #tpu.memory_space<vmem>>[vector<16xi32>, vector<16xi32>], vector<16xf32>,
      %mul3A_212 = arith.mulf %gather3A_210, %gather3A_211 : vector<16xf32>
      %add3A_213 = arith.addf %add3A_203, %mul3A_212 : vector<16xf32>
      %mul3A_214 = arith.mulf %gather3A_210, %gather3A_210 : vector<16xf32>
      %add3A_215 = arith.addf %add3A_205, %mul3A_214 : vector<16xf32>
      %mul3A_216 = arith.mulf %gather3A_211, %gather3A_211 : vector<16xf32>
      %add3A_217 = arith.addf %add3A_207, %mul3A_216 : vector<16xf32>
      %broadcast_in_dim3A_218 = arith.constant 16 : i32
      %broadcast_in_dim3A_219 = vector.broadcast %broadcast_in_dim3A_218 : i32 to vector<16xi32>
      %gather3A_220 = tpu.vector_load_idx %arg9[%add3A_53, %broadcast_in_dim3A_219] : memref<256x20xf32, #tpu.memory_space<vmem>>[vector<16xi32>, vector<16xi32>], vector<16xf32>,
      %gather3A_221 = tpu.vector_load_idx %arg10[%add3A_53, %broadcast_in_dim3A_219] : memref<256x20xf32, #tpu.memory_space<vmem>>[vector<16xi32>, vector<16xi32>], vector<16xf32>,
      %mul3A_222 = arith.mulf %gather3A_220, %gather3A_221 : vector<16xf32>
      %add3A_223 = arith.addf %add3A_213, %mul3A_222 : vector<16xf32>
      %mul3A_224 = arith.mulf %gather3A_220, %gather3A_220 : vector<16xf32>
      %add3A_225 = arith.addf %add3A_215, %mul3A_224 : vector<16xf32>
      %mul3A_226 = arith.mulf %gather3A_221, %gather3A_221 : vector<16xf32>
      %add3A_227 = arith.addf %add3A_217, %mul3A_226 : vector<16xf32>
      %broadcast_in_dim3A_228 = arith.constant 17 : i32
      %broadcast_in_dim3A_229 = vector.broadcast %broadcast_in_dim3A_228 : i32 to vector<16xi32>
      %gather3A_230 = tpu.vector_load_idx %arg9[%add3A_53, %broadcast_in_dim3A_229] : memref<256x20xf32, #tpu.memory_space<vmem>>[vector<16xi32>, vector<16xi32>], vector<16xf32>,
      %gather3A_231 = tpu.vector_load_idx %arg10[%add3A_53, %broadcast_in_dim3A_229] : memref<256x20xf32, #tpu.memory_space<vmem>>[vector<16xi32>, vector<16xi32>], vector<16xf32>,
      %mul3A_232 = arith.mulf %gather3A_230, %gather3A_231 : vector<16xf32>
      %add3A_233 = arith.addf %add3A_223, %mul3A_232 : vector<16xf32>
      %mul3A_234 = arith.mulf %gather3A_230, %gather3A_230 : vector<16xf32>
      %add3A_235 = arith.addf %add3A_225, %mul3A_234 : vector<16xf32>
      %mul3A_236 = arith.mulf %gather3A_231, %gather3A_231 : vector<16xf32>
      %add3A_237 = arith.addf %add3A_227, %mul3A_236 : vector<16xf32>
      %broadcast_in_dim3A_238 = arith.constant 18 : i32
      %broadcast_in_dim3A_239 = vector.broadcast %broadcast_in_dim3A_238 : i32 to vector<16xi32>
      %gather3A_240 = tpu.vector_load_idx %arg9[%add3A_53, %broadcast_in_dim3A_239] : memref<256x20xf32, #tpu.memory_space<vmem>>[vector<16xi32>, vector<16xi32>], vector<16xf32>,
      %gather3A_241 = tpu.vector_load_idx %arg10[%add3A_53, %broadcast_in_dim3A_239] : memref<256x20xf32, #tpu.memory_space<vmem>>[vector<16xi32>, vector<16xi32>], vector<16xf32>,
      %mul3A_242 = arith.mulf %gather3A_240, %gather3A_241 : vector<16xf32>
      %add3A_243 = arith.addf %add3A_233, %mul3A_242 : vector<16xf32>
      %mul3A_244 = arith.mulf %gather3A_240, %gather3A_240 : vector<16xf32>
      %add3A_245 = arith.addf %add3A_235, %mul3A_244 : vector<16xf32>
      %mul3A_246 = arith.mulf %gather3A_241, %gather3A_241 : vector<16xf32>
      %add3A_247 = arith.addf %add3A_237, %mul3A_246 : vector<16xf32>
      %broadcast_in_dim3A_248 = arith.constant 19 : i32
      %broadcast_in_dim3A_249 = vector.broadcast %broadcast_in_dim3A_248 : i32 to vector<16xi32>
      %gather3A_250 = tpu.vector_load_idx %arg9[%add3A_53, %broadcast_in_dim3A_249] : memref<256x20xf32, #tpu.memory_space<vmem>>[vector<16xi32>, vector<16xi32>], vector<16xf32>,
      %gather3A_251 = tpu.vector_load_idx %arg10[%add3A_53, %broadcast_in_dim3A_249] : memref<256x20xf32, #tpu.memory_space<vmem>>[vector<16xi32>, vector<16xi32>], vector<16xf32>,
      %mul3A_252 = arith.mulf %gather3A_250, %gather3A_251 : vector<16xf32>
      %add3A_253 = arith.addf %add3A_243, %mul3A_252 : vector<16xf32>
      %mul3A_254 = arith.mulf %gather3A_250, %gather3A_250 : vector<16xf32>
      %add3A_255 = arith.addf %add3A_245, %mul3A_254 : vector<16xf32>
      %mul3A_256 = arith.mulf %gather3A_251, %gather3A_251 : vector<16xf32>
      %add3A_257 = arith.addf %add3A_247, %mul3A_256 : vector<16xf32>
      %mul3A_258 = arith.mulf %add3A_255, %add3A_257 : vector<16xf32>
      %bitcast3A = vector.bitcast %mul3A_258 : vector<16xf32> to vector<16xi32>
      %shift_right_arithmetic3A = arith.constant 1 : i32
      %shift_right_arithmetic3A_259 = vector.broadcast %shift_right_arithmetic3A : i32 to vector<16xi32>
      %shift_right_arithmetic3A_260 = arith.shrsi %bitcast3A, %shift_right_arithmetic3A_259 : vector<16xi32>
      %sub3A = arith.constant 1597463007 : i32
      %sub3A_261 = vector.broadcast %sub3A : i32 to vector<16xi32>
      %sub3A_262 = arith.subi %sub3A_261, %shift_right_arithmetic3A_260 : vector<16xi32>
      %bitcast3A_263 = vector.bitcast %sub3A_262 : vector<16xi32> to vector<16xf32>
      %mul3A_264 = arith.constant 5.000000e-01 : f32
      %mul3A_265 = vector.broadcast %mul3A_264 : f32 to vector<16xf32>
      %mul3A_266 = arith.mulf %mul3A_265, %mul3A_258 : vector<16xf32>
      %mul3A_267 = arith.mulf %mul3A_266, %bitcast3A_263 : vector<16xf32>
      %mul3A_268 = arith.mulf %mul3A_267, %bitcast3A_263 : vector<16xf32>
      %sub3A_269 = arith.constant 1.500000e+00 : f32
      %sub3A_270 = vector.broadcast %sub3A_269 : f32 to vector<16xf32>
      %sub3A_271 = arith.subf %sub3A_270, %mul3A_268 : vector<16xf32>
      %mul3A_272 = arith.mulf %bitcast3A_263, %sub3A_271 : vector<16xf32>
      %mul3A_273 = arith.constant 5.000000e-01 : f32
      %mul3A_274 = vector.broadcast %mul3A_273 : f32 to vector<16xf32>
      %mul3A_275 = arith.mulf %mul3A_274, %mul3A_258 : vector<16xf32>
      %mul3A_276 = arith.mulf %mul3A_275, %mul3A_272 : vector<16xf32>
      %mul3A_277 = arith.mulf %mul3A_276, %mul3A_272 : vector<16xf32>
      %sub3A_278 = arith.constant 1.500000e+00 : f32
      %sub3A_279 = vector.broadcast %sub3A_278 : f32 to vector<16xf32>
      %sub3A_280 = arith.subf %sub3A_279, %mul3A_277 : vector<16xf32>
      %mul3A_281 = arith.mulf %mul3A_272, %sub3A_280 : vector<16xf32>
      %mul3A_282 = arith.constant 5.000000e-01 : f32
      %mul3A_283 = vector.broadcast %mul3A_282 : f32 to vector<16xf32>
      %mul3A_284 = arith.mulf %mul3A_283, %mul3A_258 : vector<16xf32>
      %mul3A_285 = arith.mulf %mul3A_284, %mul3A_281 : vector<16xf32>
      %mul3A_286 = arith.mulf %mul3A_285, %mul3A_281 : vector<16xf32>
      %sub3A_287 = arith.constant 1.500000e+00 : f32
      %sub3A_288 = vector.broadcast %sub3A_287 : f32 to vector<16xf32>
      %sub3A_289 = arith.subf %sub3A_288, %mul3A_286 : vector<16xf32>
      %mul3A_290 = arith.mulf %mul3A_281, %sub3A_289 : vector<16xf32>
      %mul3A_291 = arith.mulf %mul3A_258, %mul3A_290 : vector<16xf32>
      %max3A = arith.constant 9.99999993E-9 : f32
      %max3A_292 = vector.broadcast %max3A : f32 to vector<16xf32>
      %max3A_293 = arith.maximumf %mul3A_291, %max3A_292 : vector<16xf32>
      %div3A = arith.divf %add3A_253, %max3A_293 : vector<16xf32>
      %mul3A_294 = arith.constant 16 : i32
      %mul3A_295 = arith.muli %scan3A_49, %mul3A_294 : i32
      %add3A_296 = arith.constant 0 : i32
      %add3A_297 = arith.addi %add3A_296, %mul3A_295 : i32
      %swap3A = arith.index_cast %add3A_297 : i32 to index
      %swap3A_298 = tpu.vector_load %arg11[%swap3A] {strides = array<i32>} : memref<512xf32, #tpu.memory_space<vmem>>, vector<16xf32>,
      tpu.vector_store %arg11[%swap3A], %div3A {strides = array<i32>} : memref<512xf32, #tpu.memory_space<vmem>>, vector<16xf32>,
    }
    %scan3A_24 = arith.constant 16 : i32
    %scan3A_25 = arith.constant 0 : i32
    %scan3A_26 = arith.constant 0 : i32
    %scan3A_27 = arith.constant 16 : i32
    %scan3A_28 = arith.addi %scan3A_26, %scan3A_27 : i32
    %scan3A_29 = arith.constant 1 : i32
    scf.for %scan3A_49 = %scan3A_26 to %scan3A_28 step %scan3A_29  : i32 {
      %mul3A_50 = arith.constant 16 : i32
      %mul3A_51 = arith.muli %scan3A_49, %mul3A_50 : i32
      %add3A_52 = arith.constant 256 : i32
      %add3A_53 = arith.addi %add3A_52, %mul3A_51 : i32
      %get3A = arith.index_cast %add3A_53 : i32 to index
      %get3A_54 = tpu.vector_load %arg7[%get3A] {strides = array<i32>} : memref<512xi32, #tpu.memory_space<vmem>>, vector<16xi32>,
      %mul3A_55 = arith.constant 16 : i32
      %mul3A_56 = arith.muli %scan3A_49, %mul3A_55 : i32
      %add3A_57 = arith.constant 256 : i32
      %add3A_58 = arith.addi %add3A_57, %mul3A_56 : i32
      %get3A_59 = arith.index_cast %add3A_58 : i32 to index
      %get3A_60 = tpu.vector_load %arg8[%get3A_59] {strides = array<i32>} : memref<512xi32, #tpu.memory_space<vmem>>, vector<16xi32>,
      %mul3A_61 = arith.constant 16 : i32
      %mul3A_62 = arith.muli %scan3A_49, %mul3A_61 : i32
      %add3A_63 = arith.constant 0 : i32
      %add3A_64 = arith.addi %mul3A_62, %add3A_63 : i32
      %slice3A = vector.extract_strided_slice %get3A_54 {offsets = [0], sizes = [1], strides = [1]} : vector<16xi32> to vector<1xi32>
      %squeeze3A = vector.extract %slice3A[0] : i32 from vector<1xi32>
      %dma_start3A = arith.constant 0 : i32
      %dma_start3A_65 = tpu.memref_slice %arg9[%add3A_64, %dma_start3A] : memref<256x20xf32, #tpu.memory_space<vmem>> -> memref<1x20xf32, #tpu.memory_space<vmem>>
      %dma_start3A_66 = arith.constant 0 : i32
      %dma_start3A_67 = tpu.memref_slice %arg4[%squeeze3A, %dma_start3A_66] : memref<1000000x20xf32, #tpu.memory_space<hbm>> -> memref<1x20xf32, #tpu.memory_space<hbm>>
      %dma_start3A_68 = arith.constant 0 : i32
      %dma_start3A_69 = tpu.memref_slice %arg9[%add3A_64, %dma_start3A_68] : memref<256x20xf32, #tpu.memory_space<vmem>> -> memref<1x20xf32, #tpu.memory_space<vmem>>
      %dma_start3A_70 = arith.constant 0 : i32
      %dma_start3A_71 = tpu.memref_slice %arg4[%squeeze3A, %dma_start3A_70] : memref<1000000x20xf32, #tpu.memory_space<hbm>> -> memref<1x20xf32, #tpu.memory_space<hbm>>
      tpu.enqueue_dma source(%dma_start3A_71 : memref<1x20xf32, #tpu.memory_space<hbm>>) target(%dma_start3A_69 : memref<1x20xf32, #tpu.memory_space<vmem>>) target_semaphore(%arg12 : memref<!tpu.dma_semaphore, #tpu.memory_space<semaphore_mem>>)
      %slice3A_72 = vector.extract_strided_slice %get3A_60 {offsets = [0], sizes = [1], strides = [1]} : vector<16xi32> to vector<1xi32>
      %squeeze3A_73 = vector.extract %slice3A_72[0] : i32 from vector<1xi32>
      %dma_start3A_74 = arith.constant 0 : i32
      %dma_start3A_75 = tpu.memref_slice %arg10[%add3A_64, %dma_start3A_74] : memref<256x20xf32, #tpu.memory_space<vmem>> -> memref<1x20xf32, #tpu.memory_space<vmem>>
      %dma_start3A_76 = arith.constant 0 : i32
      %dma_start3A_77 = tpu.memref_slice %arg5[%squeeze3A_73, %dma_start3A_76] : memref<100000x20xf32, #tpu.memory_space<hbm>> -> memref<1x20xf32, #tpu.memory_space<hbm>>
      %dma_start3A_78 = arith.constant 0 : i32
      %dma_start3A_79 = tpu.memref_slice %arg10[%add3A_64, %dma_start3A_78] : memref<256x20xf32, #tpu.memory_space<vmem>> -> memref<1x20xf32, #tpu.memory_space<vmem>>
      %dma_start3A_80 = arith.constant 0 : i32
      %dma_start3A_81 = tpu.memref_slice %arg5[%squeeze3A_73, %dma_start3A_80] : memref<100000x20xf32, #tpu.memory_space<hbm>> -> memref<1x20xf32, #tpu.memory_space<hbm>>
      tpu.enqueue_dma source(%dma_start3A_81 : memref<1x20xf32, #tpu.memory_space<hbm>>) target(%dma_start3A_79 : memref<1x20xf32, #tpu.memory_space<vmem>>) target_semaphore(%arg13 : memref<!tpu.dma_semaphore, #tpu.memory_space<semaphore_mem>>)
      %mul3A_82 = arith.constant 16 : i32
      %mul3A_83 = arith.muli %scan3A_49, %mul3A_82 : i32
      %add3A_84 = arith.constant 1 : i32
      %add3A_85 = arith.addi %mul3A_83, %add3A_84 : i32
      %slice3A_86 = vector.extract_strided_slice %get3A_54 {offsets = [1], sizes = [1], strides = [1]} : vector<16xi32> to vector<1xi32>
      %squeeze3A_87 = vector.extract %slice3A_86[0] : i32 from vector<1xi32>
      %dma_start3A_88 = arith.constant 0 : i32
      %dma_start3A_89 = tpu.memref_slice %arg9[%add3A_85, %dma_start3A_88] : memref<256x20xf32, #tpu.memory_space<vmem>> -> memref<1x20xf32, #tpu.memory_space<vmem>>
      %dma_start3A_90 = arith.constant 0 : i32
      %dma_start3A_91 = tpu.memref_slice %arg4[%squeeze3A_87, %dma_start3A_90] : memref<1000000x20xf32, #tpu.memory_space<hbm>> -> memref<1x20xf32, #tpu.memory_space<hbm>>
      %dma_start3A_92 = arith.constant 0 : i32
      %dma_start3A_93 = tpu.memref_slice %arg9[%add3A_85, %dma_start3A_92] : memref<256x20xf32, #tpu.memory_space<vmem>> -> memref<1x20xf32, #tpu.memory_space<vmem>>
      %dma_start3A_94 = arith.constant 0 : i32
      %dma_start3A_95 = tpu.memref_slice %arg4[%squeeze3A_87, %dma_start3A_94] : memref<1000000x20xf32, #tpu.memory_space<hbm>> -> memref<1x20xf32, #tpu.memory_space<hbm>>
      tpu.enqueue_dma source(%dma_start3A_95 : memref<1x20xf32, #tpu.memory_space<hbm>>) target(%dma_start3A_93 : memref<1x20xf32, #tpu.memory_space<vmem>>) target_semaphore(%arg12 : memref<!tpu.dma_semaphore, #tpu.memory_space<semaphore_mem>>)
      %slice3A_96 = vector.extract_strided_slice %get3A_60 {offsets = [1], sizes = [1], strides = [1]} : vector<16xi32> to vector<1xi32>
      %squeeze3A_97 = vector.extract %slice3A_96[0] : i32 from vector<1xi32>
      %dma_start3A_98 = arith.constant 0 : i32
      %dma_start3A_99 = tpu.memref_slice %arg10[%add3A_85, %dma_start3A_98] : memref<256x20xf32, #tpu.memory_space<vmem>> -> memref<1x20xf32, #tpu.memory_space<vmem>>
      %dma_start3A_100 = arith.constant 0 : i32
      %dma_start3A_101 = tpu.memref_slice %arg5[%squeeze3A_97, %dma_start3A_100] : memref<100000x20xf32, #tpu.memory_space<hbm>> -> memref<1x20xf32, #tpu.memory_space<hbm>>
      %dma_start3A_102 = arith.constant 0 : i32
      %dma_start3A_103 = tpu.memref_slice %arg10[%add3A_85, %dma_start3A_102] : memref<256x20xf32, #tpu.memory_space<vmem>> -> memref<1x20xf32, #tpu.memory_space<vmem>>
      %dma_start3A_104 = arith.constant 0 : i32
      %dma_start3A_105 = tpu.memref_slice %arg5[%squeeze3A_97, %dma_start3A_104] : memref<100000x20xf32, #tpu.memory_space<hbm>> -> memref<1x20xf32, #tpu.memory_space<hbm>>
      tpu.enqueue_dma source(%dma_start3A_105 : memref<1x20xf32, #tpu.memory_space<hbm>>) target(%dma_start3A_103 : memref<1x20xf32, #tpu.memory_space<vmem>>) target_semaphore(%arg13 : memref<!tpu.dma_semaphore, #tpu.memory_space<semaphore_mem>>)
      %mul3A_106 = arith.constant 16 : i32
      %mul3A_107 = arith.muli %scan3A_49, %mul3A_106 : i32
      %add3A_108 = arith.constant 2 : i32
      %add3A_109 = arith.addi %mul3A_107, %add3A_108 : i32
      %slice3A_110 = vector.extract_strided_slice %get3A_54 {offsets = [2], sizes = [1], strides = [1]} : vector<16xi32> to vector<1xi32>
      %squeeze3A_111 = vector.extract %slice3A_110[0] : i32 from vector<1xi32>
      %dma_start3A_112 = arith.constant 0 : i32
      %dma_start3A_113 = tpu.memref_slice %arg9[%add3A_109, %dma_start3A_112] : memref<256x20xf32, #tpu.memory_space<vmem>> -> memref<1x20xf32, #tpu.memory_space<vmem>>
      %dma_start3A_114 = arith.constant 0 : i32
      %dma_start3A_115 = tpu.memref_slice %arg4[%squeeze3A_111, %dma_start3A_114] : memref<1000000x20xf32, #tpu.memory_space<hbm>> -> memref<1x20xf32, #tpu.memory_space<hbm>>
      %dma_start3A_116 = arith.constant 0 : i32
      %dma_start3A_117 = tpu.memref_slice %arg9[%add3A_109, %dma_start3A_116] : memref<256x20xf32, #tpu.memory_space<vmem>> -> memref<1x20xf32, #tpu.memory_space<vmem>>
      %dma_start3A_118 = arith.constant 0 : i32
      %dma_start3A_119 = tpu.memref_slice %arg4[%squeeze3A_111, %dma_start3A_118] : memref<1000000x20xf32, #tpu.memory_space<hbm>> -> memref<1x20xf32, #tpu.memory_space<hbm>>
      tpu.enqueue_dma source(%dma_start3A_119 : memref<1x20xf32, #tpu.memory_space<hbm>>) target(%dma_start3A_117 : memref<1x20xf32, #tpu.memory_space<vmem>>) target_semaphore(%arg12 : memref<!tpu.dma_semaphore, #tpu.memory_space<semaphore_mem>>)
      %slice3A_120 = vector.extract_strided_slice %get3A_60 {offsets = [2], sizes = [1], strides = [1]} : vector<16xi32> to vector<1xi32>
      %squeeze3A_121 = vector.extract %slice3A_120[0] : i32 from vector<1xi32>
      %dma_start3A_122 = arith.constant 0 : i32
      %dma_start3A_123 = tpu.memref_slice %arg10[%add3A_109, %dma_start3A_122] : memref<256x20xf32, #tpu.memory_space<vmem>> -> memref<1x20xf32, #tpu.memory_space<vmem>>
      %dma_start3A_124 = arith.constant 0 : i32
      %dma_start3A_125 = tpu.memref_slice %arg5[%squeeze3A_121, %dma_start3A_124] : memref<100000x20xf32, #tpu.memory_space<hbm>> -> memref<1x20xf32, #tpu.memory_space<hbm>>
      %dma_start3A_126 = arith.constant 0 : i32
      %dma_start3A_127 = tpu.memref_slice %arg10[%add3A_109, %dma_start3A_126] : memref<256x20xf32, #tpu.memory_space<vmem>> -> memref<1x20xf32, #tpu.memory_space<vmem>>
      %dma_start3A_128 = arith.constant 0 : i32
      %dma_start3A_129 = tpu.memref_slice %arg5[%squeeze3A_121, %dma_start3A_128] : memref<100000x20xf32, #tpu.memory_space<hbm>> -> memref<1x20xf32, #tpu.memory_space<hbm>>
      tpu.enqueue_dma source(%dma_start3A_129 : memref<1x20xf32, #tpu.memory_space<hbm>>) target(%dma_start3A_127 : memref<1x20xf32, #tpu.memory_space<vmem>>) target_semaphore(%arg13 : memref<!tpu.dma_semaphore, #tpu.memory_space<semaphore_mem>>)
      %mul3A_130 = arith.constant 16 : i32
      %mul3A_131 = arith.muli %scan3A_49, %mul3A_130 : i32
      %add3A_132 = arith.constant 3 : i32
      %add3A_133 = arith.addi %mul3A_131, %add3A_132 : i32
      %slice3A_134 = vector.extract_strided_slice %get3A_54 {offsets = [3], sizes = [1], strides = [1]} : vector<16xi32> to vector<1xi32>
      %squeeze3A_135 = vector.extract %slice3A_134[0] : i32 from vector<1xi32>
      %dma_start3A_136 = arith.constant 0 : i32
      %dma_start3A_137 = tpu.memref_slice %arg9[%add3A_133, %dma_start3A_136] : memref<256x20xf32, #tpu.memory_space<vmem>> -> memref<1x20xf32, #tpu.memory_space<vmem>>
      %dma_start3A_138 = arith.constant 0 : i32
      %dma_start3A_139 = tpu.memref_slice %arg4[%squeeze3A_135, %dma_start3A_138] : memref<1000000x20xf32, #tpu.memory_space<hbm>> -> memref<1x20xf32, #tpu.memory_space<hbm>>
      %dma_start3A_140 = arith.constant 0 : i32
      %dma_start3A_141 = tpu.memref_slice %arg9[%add3A_133, %dma_start3A_140] : memref<256x20xf32, #tpu.memory_space<vmem>> -> memref<1x20xf32, #tpu.memory_space<vmem>>
      %dma_start3A_142 = arith.constant 0 : i32
      %dma_start3A_143 = tpu.memref_slice %arg4[%squeeze3A_135, %dma_start3A_142] : memref<1000000x20xf32, #tpu.memory_space<hbm>> -> memref<1x20xf32, #tpu.memory_space<hbm>>
      tpu.enqueue_dma source(%dma_start3A_143 : memref<1x20xf32, #tpu.memory_space<hbm>>) target(%dma_start3A_141 : memref<1x20xf32, #tpu.memory_space<vmem>>) target_semaphore(%arg12 : memref<!tpu.dma_semaphore, #tpu.memory_space<semaphore_mem>>)
      %slice3A_144 = vector.extract_strided_slice %get3A_60 {offsets = [3], sizes = [1], strides = [1]} : vector<16xi32> to vector<1xi32>
      %squeeze3A_145 = vector.extract %slice3A_144[0] : i32 from vector<1xi32>
      %dma_start3A_146 = arith.constant 0 : i32
      %dma_start3A_147 = tpu.memref_slice %arg10[%add3A_133, %dma_start3A_146] : memref<256x20xf32, #tpu.memory_space<vmem>> -> memref<1x20xf32, #tpu.memory_space<vmem>>
      %dma_start3A_148 = arith.constant 0 : i32
      %dma_start3A_149 = tpu.memref_slice %arg5[%squeeze3A_145, %dma_start3A_148] : memref<100000x20xf32, #tpu.memory_space<hbm>> -> memref<1x20xf32, #tpu.memory_space<hbm>>
      %dma_start3A_150 = arith.constant 0 : i32
      %dma_start3A_151 = tpu.memref_slice %arg10[%add3A_133, %dma_start3A_150] : memref<256x20xf32, #tpu.memory_space<vmem>> -> memref<1x20xf32, #tpu.memory_space<vmem>>
      %dma_start3A_152 = arith.constant 0 : i32
      %dma_start3A_153 = tpu.memref_slice %arg5[%squeeze3A_145, %dma_start3A_152] : memref<100000x20xf32, #tpu.memory_space<hbm>> -> memref<1x20xf32, #tpu.memory_space<hbm>>
      tpu.enqueue_dma source(%dma_start3A_153 : memref<1x20xf32, #tpu.memory_space<hbm>>) target(%dma_start3A_151 : memref<1x20xf32, #tpu.memory_space<vmem>>) target_semaphore(%arg13 : memref<!tpu.dma_semaphore, #tpu.memory_space<semaphore_mem>>)
      %mul3A_154 = arith.constant 16 : i32
      %mul3A_155 = arith.muli %scan3A_49, %mul3A_154 : i32
      %add3A_156 = arith.constant 4 : i32
      %add3A_157 = arith.addi %mul3A_155, %add3A_156 : i32
      %slice3A_158 = vector.extract_strided_slice %get3A_54 {offsets = [4], sizes = [1], strides = [1]} : vector<16xi32> to vector<1xi32>
      %squeeze3A_159 = vector.extract %slice3A_158[0] : i32 from vector<1xi32>
      %dma_start3A_160 = arith.constant 0 : i32
      %dma_start3A_161 = tpu.memref_slice %arg9[%add3A_157, %dma_start3A_160] : memref<256x20xf32, #tpu.memory_space<vmem>> -> memref<1x20xf32, #tpu.memory_space<vmem>>
      %dma_start3A_162 = arith.constant 0 : i32
      %dma_start3A_163 = tpu.memref_slice %arg4[%squeeze3A_159, %dma_start3A_162] : memref<1000000x20xf32, #tpu.memory_space<hbm>> -> memref<1x20xf32, #tpu.memory_space<hbm>>
      %dma_start3A_164 = arith.constant 0 : i32
      %dma_start3A_165 = tpu.memref_slice %arg9[%add3A_157, %dma_start3A_164] : memref<256x20xf32, #tpu.memory_space<vmem>> -> memref<1x20xf32, #tpu.memory_space<vmem>>
      %dma_start3A_166 = arith.constant 0 : i32
      %dma_start3A_167 = tpu.memref_slice %arg4[%squeeze3A_159, %dma_start3A_166] : memref<1000000x20xf32, #tpu.memory_space<hbm>> -> memref<1x20xf32, #tpu.memory_space<hbm>>
      tpu.enqueue_dma source(%dma_start3A_167 : memref<1x20xf32, #tpu.memory_space<hbm>>) target(%dma_start3A_165 : memref<1x20xf32, #tpu.memory_space<vmem>>) target_semaphore(%arg12 : memref<!tpu.dma_semaphore, #tpu.memory_space<semaphore_mem>>)
      %slice3A_168 = vector.extract_strided_slice %get3A_60 {offsets = [4], sizes = [1], strides = [1]} : vector<16xi32> to vector<1xi32>
      %squeeze3A_169 = vector.extract %slice3A_168[0] : i32 from vector<1xi32>
      %dma_start3A_170 = arith.constant 0 : i32
      %dma_start3A_171 = tpu.memref_slice %arg10[%add3A_157, %dma_start3A_170] : memref<256x20xf32, #tpu.memory_space<vmem>> -> memref<1x20xf32, #tpu.memory_space<vmem>>
      %dma_start3A_172 = arith.constant 0 : i32
      %dma_start3A_173 = tpu.memref_slice %arg5[%squeeze3A_169, %dma_start3A_172] : memref<100000x20xf32, #tpu.memory_space<hbm>> -> memref<1x20xf32, #tpu.memory_space<hbm>>
      %dma_start3A_174 = arith.constant 0 : i32
      %dma_start3A_175 = tpu.memref_slice %arg10[%add3A_157, %dma_start3A_174] : memref<256x20xf32, #tpu.memory_space<vmem>> -> memref<1x20xf32, #tpu.memory_space<vmem>>
      %dma_start3A_176 = arith.constant 0 : i32
      %dma_start3A_177 = tpu.memref_slice %arg5[%squeeze3A_169, %dma_start3A_176] : memref<100000x20xf32, #tpu.memory_space<hbm>> -> memref<1x20xf32, #tpu.memory_space<hbm>>
      tpu.enqueue_dma source(%dma_start3A_177 : memref<1x20xf32, #tpu.memory_space<hbm>>) target(%dma_start3A_175 : memref<1x20xf32, #tpu.memory_space<vmem>>) target_semaphore(%arg13 : memref<!tpu.dma_semaphore, #tpu.memory_space<semaphore_mem>>)
      %mul3A_178 = arith.constant 16 : i32
      %mul3A_179 = arith.muli %scan3A_49, %mul3A_178 : i32
      %add3A_180 = arith.constant 5 : i32
      %add3A_181 = arith.addi %mul3A_179, %add3A_180 : i32
      %slice3A_182 = vector.extract_strided_slice %get3A_54 {offsets = [5], sizes = [1], strides = [1]} : vector<16xi32> to vector<1xi32>
      %squeeze3A_183 = vector.extract %slice3A_182[0] : i32 from vector<1xi32>
      %dma_start3A_184 = arith.constant 0 : i32
      %dma_start3A_185 = tpu.memref_slice %arg9[%add3A_181, %dma_start3A_184] : memref<256x20xf32, #tpu.memory_space<vmem>> -> memref<1x20xf32, #tpu.memory_space<vmem>>
      %dma_start3A_186 = arith.constant 0 : i32
      %dma_start3A_187 = tpu.memref_slice %arg4[%squeeze3A_183, %dma_start3A_186] : memref<1000000x20xf32, #tpu.memory_space<hbm>> -> memref<1x20xf32, #tpu.memory_space<hbm>>
      %dma_start3A_188 = arith.constant 0 : i32
      %dma_start3A_189 = tpu.memref_slice %arg9[%add3A_181, %dma_start3A_188] : memref<256x20xf32, #tpu.memory_space<vmem>> -> memref<1x20xf32, #tpu.memory_space<vmem>>
      %dma_start3A_190 = arith.constant 0 : i32
      %dma_start3A_191 = tpu.memref_slice %arg4[%squeeze3A_183, %dma_start3A_190] : memref<1000000x20xf32, #tpu.memory_space<hbm>> -> memref<1x20xf32, #tpu.memory_space<hbm>>
      tpu.enqueue_dma source(%dma_start3A_191 : memref<1x20xf32, #tpu.memory_space<hbm>>) target(%dma_start3A_189 : memref<1x20xf32, #tpu.memory_space<vmem>>) target_semaphore(%arg12 : memref<!tpu.dma_semaphore, #tpu.memory_space<semaphore_mem>>)
      %slice3A_192 = vector.extract_strided_slice %get3A_60 {offsets = [5], sizes = [1], strides = [1]} : vector<16xi32> to vector<1xi32>
      %squeeze3A_193 = vector.extract %slice3A_192[0] : i32 from vector<1xi32>
      %dma_start3A_194 = arith.constant 0 : i32
      %dma_start3A_195 = tpu.memref_slice %arg10[%add3A_181, %dma_start3A_194] : memref<256x20xf32, #tpu.memory_space<vmem>> -> memref<1x20xf32, #tpu.memory_space<vmem>>
      %dma_start3A_196 = arith.constant 0 : i32
      %dma_start3A_197 = tpu.memref_slice %arg5[%squeeze3A_193, %dma_start3A_196] : memref<100000x20xf32, #tpu.memory_space<hbm>> -> memref<1x20xf32, #tpu.memory_space<hbm>>
      %dma_start3A_198 = arith.constant 0 : i32
      %dma_start3A_199 = tpu.memref_slice %arg10[%add3A_181, %dma_start3A_198] : memref<256x20xf32, #tpu.memory_space<vmem>> -> memref<1x20xf32, #tpu.memory_space<vmem>>
      %dma_start3A_200 = arith.constant 0 : i32
      %dma_start3A_201 = tpu.memref_slice %arg5[%squeeze3A_193, %dma_start3A_200] : memref<100000x20xf32, #tpu.memory_space<hbm>> -> memref<1x20xf32, #tpu.memory_space<hbm>>
      tpu.enqueue_dma source(%dma_start3A_201 : memref<1x20xf32, #tpu.memory_space<hbm>>) target(%dma_start3A_199 : memref<1x20xf32, #tpu.memory_space<vmem>>) target_semaphore(%arg13 : memref<!tpu.dma_semaphore, #tpu.memory_space<semaphore_mem>>)
      %mul3A_202 = arith.constant 16 : i32
      %mul3A_203 = arith.muli %scan3A_49, %mul3A_202 : i32
      %add3A_204 = arith.constant 6 : i32
      %add3A_205 = arith.addi %mul3A_203, %add3A_204 : i32
      %slice3A_206 = vector.extract_strided_slice %get3A_54 {offsets = [6], sizes = [1], strides = [1]} : vector<16xi32> to vector<1xi32>
      %squeeze3A_207 = vector.extract %slice3A_206[0] : i32 from vector<1xi32>
      %dma_start3A_208 = arith.constant 0 : i32
      %dma_start3A_209 = tpu.memref_slice %arg9[%add3A_205, %dma_start3A_208] : memref<256x20xf32, #tpu.memory_space<vmem>> -> memref<1x20xf32, #tpu.memory_space<vmem>>
      %dma_start3A_210 = arith.constant 0 : i32
      %dma_start3A_211 = tpu.memref_slice %arg4[%squeeze3A_207, %dma_start3A_210] : memref<1000000x20xf32, #tpu.memory_space<hbm>> -> memref<1x20xf32, #tpu.memory_space<hbm>>
      %dma_start3A_212 = arith.constant 0 : i32
      %dma_start3A_213 = tpu.memref_slice %arg9[%add3A_205, %dma_start3A_212] : memref<256x20xf32, #tpu.memory_space<vmem>> -> memref<1x20xf32, #tpu.memory_space<vmem>>
      %dma_start3A_214 = arith.constant 0 : i32
      %dma_start3A_215 = tpu.memref_slice %arg4[%squeeze3A_207, %dma_start3A_214] : memref<1000000x20xf32, #tpu.memory_space<hbm>> -> memref<1x20xf32, #tpu.memory_space<hbm>>
      tpu.enqueue_dma source(%dma_start3A_215 : memref<1x20xf32, #tpu.memory_space<hbm>>) target(%dma_start3A_213 : memref<1x20xf32, #tpu.memory_space<vmem>>) target_semaphore(%arg12 : memref<!tpu.dma_semaphore, #tpu.memory_space<semaphore_mem>>)
      %slice3A_216 = vector.extract_strided_slice %get3A_60 {offsets = [6], sizes = [1], strides = [1]} : vector<16xi32> to vector<1xi32>
      %squeeze3A_217 = vector.extract %slice3A_216[0] : i32 from vector<1xi32>
      %dma_start3A_218 = arith.constant 0 : i32
      %dma_start3A_219 = tpu.memref_slice %arg10[%add3A_205, %dma_start3A_218] : memref<256x20xf32, #tpu.memory_space<vmem>> -> memref<1x20xf32, #tpu.memory_space<vmem>>
      %dma_start3A_220 = arith.constant 0 : i32
      %dma_start3A_221 = tpu.memref_slice %arg5[%squeeze3A_217, %dma_start3A_220] : memref<100000x20xf32, #tpu.memory_space<hbm>> -> memref<1x20xf32, #tpu.memory_space<hbm>>
      %dma_start3A_222 = arith.constant 0 : i32
      %dma_start3A_223 = tpu.memref_slice %arg10[%add3A_205, %dma_start3A_222] : memref<256x20xf32, #tpu.memory_space<vmem>> -> memref<1x20xf32, #tpu.memory_space<vmem>>
      %dma_start3A_224 = arith.constant 0 : i32
      %dma_start3A_225 = tpu.memref_slice %arg5[%squeeze3A_217, %dma_start3A_224] : memref<100000x20xf32, #tpu.memory_space<hbm>> -> memref<1x20xf32, #tpu.memory_space<hbm>>
      tpu.enqueue_dma source(%dma_start3A_225 : memref<1x20xf32, #tpu.memory_space<hbm>>) target(%dma_start3A_223 : memref<1x20xf32, #tpu.memory_space<vmem>>) target_semaphore(%arg13 : memref<!tpu.dma_semaphore, #tpu.memory_space<semaphore_mem>>)
      %mul3A_226 = arith.constant 16 : i32
      %mul3A_227 = arith.muli %scan3A_49, %mul3A_226 : i32
      %add3A_228 = arith.constant 7 : i32
      %add3A_229 = arith.addi %mul3A_227, %add3A_228 : i32
      %slice3A_230 = vector.extract_strided_slice %get3A_54 {offsets = [7], sizes = [1], strides = [1]} : vector<16xi32> to vector<1xi32>
      %squeeze3A_231 = vector.extract %slice3A_230[0] : i32 from vector<1xi32>
      %dma_start3A_232 = arith.constant 0 : i32
      %dma_start3A_233 = tpu.memref_slice %arg9[%add3A_229, %dma_start3A_232] : memref<256x20xf32, #tpu.memory_space<vmem>> -> memref<1x20xf32, #tpu.memory_space<vmem>>
      %dma_start3A_234 = arith.constant 0 : i32
      %dma_start3A_235 = tpu.memref_slice %arg4[%squeeze3A_231, %dma_start3A_234] : memref<1000000x20xf32, #tpu.memory_space<hbm>> -> memref<1x20xf32, #tpu.memory_space<hbm>>
      %dma_start3A_236 = arith.constant 0 : i32
      %dma_start3A_237 = tpu.memref_slice %arg9[%add3A_229, %dma_start3A_236] : memref<256x20xf32, #tpu.memory_space<vmem>> -> memref<1x20xf32, #tpu.memory_space<vmem>>
      %dma_start3A_238 = arith.constant 0 : i32
      %dma_start3A_239 = tpu.memref_slice %arg4[%squeeze3A_231, %dma_start3A_238] : memref<1000000x20xf32, #tpu.memory_space<hbm>> -> memref<1x20xf32, #tpu.memory_space<hbm>>
      tpu.enqueue_dma source(%dma_start3A_239 : memref<1x20xf32, #tpu.memory_space<hbm>>) target(%dma_start3A_237 : memref<1x20xf32, #tpu.memory_space<vmem>>) target_semaphore(%arg12 : memref<!tpu.dma_semaphore, #tpu.memory_space<semaphore_mem>>)
      %slice3A_240 = vector.extract_strided_slice %get3A_60 {offsets = [7], sizes = [1], strides = [1]} : vector<16xi32> to vector<1xi32>
      %squeeze3A_241 = vector.extract %slice3A_240[0] : i32 from vector<1xi32>
      %dma_start3A_242 = arith.constant 0 : i32
      %dma_start3A_243 = tpu.memref_slice %arg10[%add3A_229, %dma_start3A_242] : memref<256x20xf32, #tpu.memory_space<vmem>> -> memref<1x20xf32, #tpu.memory_space<vmem>>
      %dma_start3A_244 = arith.constant 0 : i32
      %dma_start3A_245 = tpu.memref_slice %arg5[%squeeze3A_241, %dma_start3A_244] : memref<100000x20xf32, #tpu.memory_space<hbm>> -> memref<1x20xf32, #tpu.memory_space<hbm>>
      %dma_start3A_246 = arith.constant 0 : i32
      %dma_start3A_247 = tpu.memref_slice %arg10[%add3A_229, %dma_start3A_246] : memref<256x20xf32, #tpu.memory_space<vmem>> -> memref<1x20xf32, #tpu.memory_space<vmem>>
      %dma_start3A_248 = arith.constant 0 : i32
      %dma_start3A_249 = tpu.memref_slice %arg5[%squeeze3A_241, %dma_start3A_248] : memref<100000x20xf32, #tpu.memory_space<hbm>> -> memref<1x20xf32, #tpu.memory_space<hbm>>
      tpu.enqueue_dma source(%dma_start3A_249 : memref<1x20xf32, #tpu.memory_space<hbm>>) target(%dma_start3A_247 : memref<1x20xf32, #tpu.memory_space<vmem>>) target_semaphore(%arg13 : memref<!tpu.dma_semaphore, #tpu.memory_space<semaphore_mem>>)
      %mul3A_250 = arith.constant 16 : i32
      %mul3A_251 = arith.muli %scan3A_49, %mul3A_250 : i32
      %add3A_252 = arith.constant 8 : i32
      %add3A_253 = arith.addi %mul3A_251, %add3A_252 : i32
      %slice3A_254 = vector.extract_strided_slice %get3A_54 {offsets = [8], sizes = [1], strides = [1]} : vector<16xi32> to vector<1xi32>
      %squeeze3A_255 = vector.extract %slice3A_254[0] : i32 from vector<1xi32>
      %dma_start3A_256 = arith.constant 0 : i32
      %dma_start3A_257 = tpu.memref_slice %arg9[%add3A_253, %dma_start3A_256] : memref<256x20xf32, #tpu.memory_space<vmem>> -> memref<1x20xf32, #tpu.memory_space<vmem>>
      %dma_start3A_258 = arith.constant 0 : i32
      %dma_start3A_259 = tpu.memref_slice %arg4[%squeeze3A_255, %dma_start3A_258] : memref<1000000x20xf32, #tpu.memory_space<hbm>> -> memref<1x20xf32, #tpu.memory_space<hbm>>
      %dma_start3A_260 = arith.constant 0 : i32
      %dma_start3A_261 = tpu.memref_slice %arg9[%add3A_253, %dma_start3A_260] : memref<256x20xf32, #tpu.memory_space<vmem>> -> memref<1x20xf32, #tpu.memory_space<vmem>>
      %dma_start3A_262 = arith.constant 0 : i32
      %dma_start3A_263 = tpu.memref_slice %arg4[%squeeze3A_255, %dma_start3A_262] : memref<1000000x20xf32, #tpu.memory_space<hbm>> -> memref<1x20xf32, #tpu.memory_space<hbm>>
      tpu.enqueue_dma source(%dma_start3A_263 : memref<1x20xf32, #tpu.memory_space<hbm>>) target(%dma_start3A_261 : memref<1x20xf32, #tpu.memory_space<vmem>>) target_semaphore(%arg12 : memref<!tpu.dma_semaphore, #tpu.memory_space<semaphore_mem>>)
      %slice3A_264 = vector.extract_strided_slice %get3A_60 {offsets = [8], sizes = [1], strides = [1]} : vector<16xi32> to vector<1xi32>
      %squeeze3A_265 = vector.extract %slice3A_264[0] : i32 from vector<1xi32>
      %dma_start3A_266 = arith.constant 0 : i32
      %dma_start3A_267 = tpu.memref_slice %arg10[%add3A_253, %dma_start3A_266] : memref<256x20xf32, #tpu.memory_space<vmem>> -> memref<1x20xf32, #tpu.memory_space<vmem>>
      %dma_start3A_268 = arith.constant 0 : i32
      %dma_start3A_269 = tpu.memref_slice %arg5[%squeeze3A_265, %dma_start3A_268] : memref<100000x20xf32, #tpu.memory_space<hbm>> -> memref<1x20xf32, #tpu.memory_space<hbm>>
      %dma_start3A_270 = arith.constant 0 : i32
      %dma_start3A_271 = tpu.memref_slice %arg10[%add3A_253, %dma_start3A_270] : memref<256x20xf32, #tpu.memory_space<vmem>> -> memref<1x20xf32, #tpu.memory_space<vmem>>
      %dma_start3A_272 = arith.constant 0 : i32
      %dma_start3A_273 = tpu.memref_slice %arg5[%squeeze3A_265, %dma_start3A_272] : memref<100000x20xf32, #tpu.memory_space<hbm>> -> memref<1x20xf32, #tpu.memory_space<hbm>>
      tpu.enqueue_dma source(%dma_start3A_273 : memref<1x20xf32, #tpu.memory_space<hbm>>) target(%dma_start3A_271 : memref<1x20xf32, #tpu.memory_space<vmem>>) target_semaphore(%arg13 : memref<!tpu.dma_semaphore, #tpu.memory_space<semaphore_mem>>)
      %mul3A_274 = arith.constant 16 : i32
      %mul3A_275 = arith.muli %scan3A_49, %mul3A_274 : i32
      %add3A_276 = arith.constant 9 : i32
      %add3A_277 = arith.addi %mul3A_275, %add3A_276 : i32
      %slice3A_278 = vector.extract_strided_slice %get3A_54 {offsets = [9], sizes = [1], strides = [1]} : vector<16xi32> to vector<1xi32>
      %squeeze3A_279 = vector.extract %slice3A_278[0] : i32 from vector<1xi32>
      %dma_start3A_280 = arith.constant 0 : i32
      %dma_start3A_281 = tpu.memref_slice %arg9[%add3A_277, %dma_start3A_280] : memref<256x20xf32, #tpu.memory_space<vmem>> -> memref<1x20xf32, #tpu.memory_space<vmem>>
      %dma_start3A_282 = arith.constant 0 : i32
      %dma_start3A_283 = tpu.memref_slice %arg4[%squeeze3A_279, %dma_start3A_282] : memref<1000000x20xf32, #tpu.memory_space<hbm>> -> memref<1x20xf32, #tpu.memory_space<hbm>>
      %dma_start3A_284 = arith.constant 0 : i32
      %dma_start3A_285 = tpu.memref_slice %arg9[%add3A_277, %dma_start3A_284] : memref<256x20xf32, #tpu.memory_space<vmem>> -> memref<1x20xf32, #tpu.memory_space<vmem>>
      %dma_start3A_286 = arith.constant 0 : i32
      %dma_start3A_287 = tpu.memref_slice %arg4[%squeeze3A_279, %dma_start3A_286] : memref<1000000x20xf32, #tpu.memory_space<hbm>> -> memref<1x20xf32, #tpu.memory_space<hbm>>
      tpu.enqueue_dma source(%dma_start3A_287 : memref<1x20xf32, #tpu.memory_space<hbm>>) target(%dma_start3A_285 : memref<1x20xf32, #tpu.memory_space<vmem>>) target_semaphore(%arg12 : memref<!tpu.dma_semaphore, #tpu.memory_space<semaphore_mem>>)
      %slice3A_288 = vector.extract_strided_slice %get3A_60 {offsets = [9], sizes = [1], strides = [1]} : vector<16xi32> to vector<1xi32>
      %squeeze3A_289 = vector.extract %slice3A_288[0] : i32 from vector<1xi32>
      %dma_start3A_290 = arith.constant 0 : i32
      %dma_start3A_291 = tpu.memref_slice %arg10[%add3A_277, %dma_start3A_290] : memref<256x20xf32, #tpu.memory_space<vmem>> -> memref<1x20xf32, #tpu.memory_space<vmem>>
      %dma_start3A_292 = arith.constant 0 : i32
      %dma_start3A_293 = tpu.memref_slice %arg5[%squeeze3A_289, %dma_start3A_292] : memref<100000x20xf32, #tpu.memory_space<hbm>> -> memref<1x20xf32, #tpu.memory_space<hbm>>
      %dma_start3A_294 = arith.constant 0 : i32
      %dma_start3A_295 = tpu.memref_slice %arg10[%add3A_277, %dma_start3A_294] : memref<256x20xf32, #tpu.memory_space<vmem>> -> memref<1x20xf32, #tpu.memory_space<vmem>>
      %dma_start3A_296 = arith.constant 0 : i32
      %dma_start3A_297 = tpu.memref_slice %arg5[%squeeze3A_289, %dma_start3A_296] : memref<100000x20xf32, #tpu.memory_space<hbm>> -> memref<1x20xf32, #tpu.memory_space<hbm>>
      tpu.enqueue_dma source(%dma_start3A_297 : memref<1x20xf32, #tpu.memory_space<hbm>>) target(%dma_start3A_295 : memref<1x20xf32, #tpu.memory_space<vmem>>) target_semaphore(%arg13 : memref<!tpu.dma_semaphore, #tpu.memory_space<semaphore_mem>>)
      %mul3A_298 = arith.constant 16 : i32
      %mul3A_299 = arith.muli %scan3A_49, %mul3A_298 : i32
      %add3A_300 = arith.constant 10 : i32
      %add3A_301 = arith.addi %mul3A_299, %add3A_300 : i32
      %slice3A_302 = vector.extract_strided_slice %get3A_54 {offsets = [10], sizes = [1], strides = [1]} : vector<16xi32> to vector<1xi32>
      %squeeze3A_303 = vector.extract %slice3A_302[0] : i32 from vector<1xi32>
      %dma_start3A_304 = arith.constant 0 : i32
      %dma_start3A_305 = tpu.memref_slice %arg9[%add3A_301, %dma_start3A_304] : memref<256x20xf32, #tpu.memory_space<vmem>> -> memref<1x20xf32, #tpu.memory_space<vmem>>
      %dma_start3A_306 = arith.constant 0 : i32
      %dma_start3A_307 = tpu.memref_slice %arg4[%squeeze3A_303, %dma_start3A_306] : memref<1000000x20xf32, #tpu.memory_space<hbm>> -> memref<1x20xf32, #tpu.memory_space<hbm>>
      %dma_start3A_308 = arith.constant 0 : i32
      %dma_start3A_309 = tpu.memref_slice %arg9[%add3A_301, %dma_start3A_308] : memref<256x20xf32, #tpu.memory_space<vmem>> -> memref<1x20xf32, #tpu.memory_space<vmem>>
      %dma_start3A_310 = arith.constant 0 : i32
      %dma_start3A_311 = tpu.memref_slice %arg4[%squeeze3A_303, %dma_start3A_310] : memref<1000000x20xf32, #tpu.memory_space<hbm>> -> memref<1x20xf32, #tpu.memory_space<hbm>>
      tpu.enqueue_dma source(%dma_start3A_311 : memref<1x20xf32, #tpu.memory_space<hbm>>) target(%dma_start3A_309 : memref<1x20xf32, #tpu.memory_space<vmem>>) target_semaphore(%arg12 : memref<!tpu.dma_semaphore, #tpu.memory_space<semaphore_mem>>)
      %slice3A_312 = vector.extract_strided_slice %get3A_60 {offsets = [10], sizes = [1], strides = [1]} : vector<16xi32> to vector<1xi32>
      %squeeze3A_313 = vector.extract %slice3A_312[0] : i32 from vector<1xi32>
      %dma_start3A_314 = arith.constant 0 : i32
      %dma_start3A_315 = tpu.memref_slice %arg10[%add3A_301, %dma_start3A_314] : memref<256x20xf32, #tpu.memory_space<vmem>> -> memref<1x20xf32, #tpu.memory_space<vmem>>
      %dma_start3A_316 = arith.constant 0 : i32
      %dma_start3A_317 = tpu.memref_slice %arg5[%squeeze3A_313, %dma_start3A_316] : memref<100000x20xf32, #tpu.memory_space<hbm>> -> memref<1x20xf32, #tpu.memory_space<hbm>>
      %dma_start3A_318 = arith.constant 0 : i32
      %dma_start3A_319 = tpu.memref_slice %arg10[%add3A_301, %dma_start3A_318] : memref<256x20xf32, #tpu.memory_space<vmem>> -> memref<1x20xf32, #tpu.memory_space<vmem>>
      %dma_start3A_320 = arith.constant 0 : i32
      %dma_start3A_321 = tpu.memref_slice %arg5[%squeeze3A_313, %dma_start3A_320] : memref<100000x20xf32, #tpu.memory_space<hbm>> -> memref<1x20xf32, #tpu.memory_space<hbm>>
      tpu.enqueue_dma source(%dma_start3A_321 : memref<1x20xf32, #tpu.memory_space<hbm>>) target(%dma_start3A_319 : memref<1x20xf32, #tpu.memory_space<vmem>>) target_semaphore(%arg13 : memref<!tpu.dma_semaphore, #tpu.memory_space<semaphore_mem>>)
      %mul3A_322 = arith.constant 16 : i32
      %mul3A_323 = arith.muli %scan3A_49, %mul3A_322 : i32
      %add3A_324 = arith.constant 11 : i32
      %add3A_325 = arith.addi %mul3A_323, %add3A_324 : i32
      %slice3A_326 = vector.extract_strided_slice %get3A_54 {offsets = [11], sizes = [1], strides = [1]} : vector<16xi32> to vector<1xi32>
      %squeeze3A_327 = vector.extract %slice3A_326[0] : i32 from vector<1xi32>
      %dma_start3A_328 = arith.constant 0 : i32
      %dma_start3A_329 = tpu.memref_slice %arg9[%add3A_325, %dma_start3A_328] : memref<256x20xf32, #tpu.memory_space<vmem>> -> memref<1x20xf32, #tpu.memory_space<vmem>>
      %dma_start3A_330 = arith.constant 0 : i32
      %dma_start3A_331 = tpu.memref_slice %arg4[%squeeze3A_327, %dma_start3A_330] : memref<1000000x20xf32, #tpu.memory_space<hbm>> -> memref<1x20xf32, #tpu.memory_space<hbm>>
      %dma_start3A_332 = arith.constant 0 : i32
      %dma_start3A_333 = tpu.memref_slice %arg9[%add3A_325, %dma_start3A_332] : memref<256x20xf32, #tpu.memory_space<vmem>> -> memref<1x20xf32, #tpu.memory_space<vmem>>
      %dma_start3A_334 = arith.constant 0 : i32
      %dma_start3A_335 = tpu.memref_slice %arg4[%squeeze3A_327, %dma_start3A_334] : memref<1000000x20xf32, #tpu.memory_space<hbm>> -> memref<1x20xf32, #tpu.memory_space<hbm>>
      tpu.enqueue_dma source(%dma_start3A_335 : memref<1x20xf32, #tpu.memory_space<hbm>>) target(%dma_start3A_333 : memref<1x20xf32, #tpu.memory_space<vmem>>) target_semaphore(%arg12 : memref<!tpu.dma_semaphore, #tpu.memory_space<semaphore_mem>>)
      %slice3A_336 = vector.extract_strided_slice %get3A_60 {offsets = [11], sizes = [1], strides = [1]} : vector<16xi32> to vector<1xi32>
      %squeeze3A_337 = vector.extract %slice3A_336[0] : i32 from vector<1xi32>
      %dma_start3A_338 = arith.constant 0 : i32
      %dma_start3A_339 = tpu.memref_slice %arg10[%add3A_325, %dma_start3A_338] : memref<256x20xf32, #tpu.memory_space<vmem>> -> memref<1x20xf32, #tpu.memory_space<vmem>>
      %dma_start3A_340 = arith.constant 0 : i32
      %dma_start3A_341 = tpu.memref_slice %arg5[%squeeze3A_337, %dma_start3A_340] : memref<100000x20xf32, #tpu.memory_space<hbm>> -> memref<1x20xf32, #tpu.memory_space<hbm>>
      %dma_start3A_342 = arith.constant 0 : i32
      %dma_start3A_343 = tpu.memref_slice %arg10[%add3A_325, %dma_start3A_342] : memref<256x20xf32, #tpu.memory_space<vmem>> -> memref<1x20xf32, #tpu.memory_space<vmem>>
      %dma_start3A_344 = arith.constant 0 : i32
      %dma_start3A_345 = tpu.memref_slice %arg5[%squeeze3A_337, %dma_start3A_344] : memref<100000x20xf32, #tpu.memory_space<hbm>> -> memref<1x20xf32, #tpu.memory_space<hbm>>
      tpu.enqueue_dma source(%dma_start3A_345 : memref<1x20xf32, #tpu.memory_space<hbm>>) target(%dma_start3A_343 : memref<1x20xf32, #tpu.memory_space<vmem>>) target_semaphore(%arg13 : memref<!tpu.dma_semaphore, #tpu.memory_space<semaphore_mem>>)
      %mul3A_346 = arith.constant 16 : i32
      %mul3A_347 = arith.muli %scan3A_49, %mul3A_346 : i32
      %add3A_348 = arith.constant 12 : i32
      %add3A_349 = arith.addi %mul3A_347, %add3A_348 : i32
      %slice3A_350 = vector.extract_strided_slice %get3A_54 {offsets = [12], sizes = [1], strides = [1]} : vector<16xi32> to vector<1xi32>
      %squeeze3A_351 = vector.extract %slice3A_350[0] : i32 from vector<1xi32>
      %dma_start3A_352 = arith.constant 0 : i32
      %dma_start3A_353 = tpu.memref_slice %arg9[%add3A_349, %dma_start3A_352] : memref<256x20xf32, #tpu.memory_space<vmem>> -> memref<1x20xf32, #tpu.memory_space<vmem>>
      %dma_start3A_354 = arith.constant 0 : i32
      %dma_start3A_355 = tpu.memref_slice %arg4[%squeeze3A_351, %dma_start3A_354] : memref<1000000x20xf32, #tpu.memory_space<hbm>> -> memref<1x20xf32, #tpu.memory_space<hbm>>
      %dma_start3A_356 = arith.constant 0 : i32
      %dma_start3A_357 = tpu.memref_slice %arg9[%add3A_349, %dma_start3A_356] : memref<256x20xf32, #tpu.memory_space<vmem>> -> memref<1x20xf32, #tpu.memory_space<vmem>>
      %dma_start3A_358 = arith.constant 0 : i32
      %dma_start3A_359 = tpu.memref_slice %arg4[%squeeze3A_351, %dma_start3A_358] : memref<1000000x20xf32, #tpu.memory_space<hbm>> -> memref<1x20xf32, #tpu.memory_space<hbm>>
      tpu.enqueue_dma source(%dma_start3A_359 : memref<1x20xf32, #tpu.memory_space<hbm>>) target(%dma_start3A_357 : memref<1x20xf32, #tpu.memory_space<vmem>>) target_semaphore(%arg12 : memref<!tpu.dma_semaphore, #tpu.memory_space<semaphore_mem>>)
      %slice3A_360 = vector.extract_strided_slice %get3A_60 {offsets = [12], sizes = [1], strides = [1]} : vector<16xi32> to vector<1xi32>
      %squeeze3A_361 = vector.extract %slice3A_360[0] : i32 from vector<1xi32>
      %dma_start3A_362 = arith.constant 0 : i32
      %dma_start3A_363 = tpu.memref_slice %arg10[%add3A_349, %dma_start3A_362] : memref<256x20xf32, #tpu.memory_space<vmem>> -> memref<1x20xf32, #tpu.memory_space<vmem>>
      %dma_start3A_364 = arith.constant 0 : i32
      %dma_start3A_365 = tpu.memref_slice %arg5[%squeeze3A_361, %dma_start3A_364] : memref<100000x20xf32, #tpu.memory_space<hbm>> -> memref<1x20xf32, #tpu.memory_space<hbm>>
      %dma_start3A_366 = arith.constant 0 : i32
      %dma_start3A_367 = tpu.memref_slice %arg10[%add3A_349, %dma_start3A_366] : memref<256x20xf32, #tpu.memory_space<vmem>> -> memref<1x20xf32, #tpu.memory_space<vmem>>
      %dma_start3A_368 = arith.constant 0 : i32
      %dma_start3A_369 = tpu.memref_slice %arg5[%squeeze3A_361, %dma_start3A_368] : memref<100000x20xf32, #tpu.memory_space<hbm>> -> memref<1x20xf32, #tpu.memory_space<hbm>>
      tpu.enqueue_dma source(%dma_start3A_369 : memref<1x20xf32, #tpu.memory_space<hbm>>) target(%dma_start3A_367 : memref<1x20xf32, #tpu.memory_space<vmem>>) target_semaphore(%arg13 : memref<!tpu.dma_semaphore, #tpu.memory_space<semaphore_mem>>)
      %mul3A_370 = arith.constant 16 : i32
      %mul3A_371 = arith.muli %scan3A_49, %mul3A_370 : i32
      %add3A_372 = arith.constant 13 : i32
      %add3A_373 = arith.addi %mul3A_371, %add3A_372 : i32
      %slice3A_374 = vector.extract_strided_slice %get3A_54 {offsets = [13], sizes = [1], strides = [1]} : vector<16xi32> to vector<1xi32>
      %squeeze3A_375 = vector.extract %slice3A_374[0] : i32 from vector<1xi32>
      %dma_start3A_376 = arith.constant 0 : i32
      %dma_start3A_377 = tpu.memref_slice %arg9[%add3A_373, %dma_start3A_376] : memref<256x20xf32, #tpu.memory_space<vmem>> -> memref<1x20xf32, #tpu.memory_space<vmem>>
      %dma_start3A_378 = arith.constant 0 : i32
      %dma_start3A_379 = tpu.memref_slice %arg4[%squeeze3A_375, %dma_start3A_378] : memref<1000000x20xf32, #tpu.memory_space<hbm>> -> memref<1x20xf32, #tpu.memory_space<hbm>>
      %dma_start3A_380 = arith.constant 0 : i32
      %dma_start3A_381 = tpu.memref_slice %arg9[%add3A_373, %dma_start3A_380] : memref<256x20xf32, #tpu.memory_space<vmem>> -> memref<1x20xf32, #tpu.memory_space<vmem>>
      %dma_start3A_382 = arith.constant 0 : i32
      %dma_start3A_383 = tpu.memref_slice %arg4[%squeeze3A_375, %dma_start3A_382] : memref<1000000x20xf32, #tpu.memory_space<hbm>> -> memref<1x20xf32, #tpu.memory_space<hbm>>
      tpu.enqueue_dma source(%dma_start3A_383 : memref<1x20xf32, #tpu.memory_space<hbm>>) target(%dma_start3A_381 : memref<1x20xf32, #tpu.memory_space<vmem>>) target_semaphore(%arg12 : memref<!tpu.dma_semaphore, #tpu.memory_space<semaphore_mem>>)
      %slice3A_384 = vector.extract_strided_slice %get3A_60 {offsets = [13], sizes = [1], strides = [1]} : vector<16xi32> to vector<1xi32>
      %squeeze3A_385 = vector.extract %slice3A_384[0] : i32 from vector<1xi32>
      %dma_start3A_386 = arith.constant 0 : i32
      %dma_start3A_387 = tpu.memref_slice %arg10[%add3A_373, %dma_start3A_386] : memref<256x20xf32, #tpu.memory_space<vmem>> -> memref<1x20xf32, #tpu.memory_space<vmem>>
      %dma_start3A_388 = arith.constant 0 : i32
      %dma_start3A_389 = tpu.memref_slice %arg5[%squeeze3A_385, %dma_start3A_388] : memref<100000x20xf32, #tpu.memory_space<hbm>> -> memref<1x20xf32, #tpu.memory_space<hbm>>
      %dma_start3A_390 = arith.constant 0 : i32
      %dma_start3A_391 = tpu.memref_slice %arg10[%add3A_373, %dma_start3A_390] : memref<256x20xf32, #tpu.memory_space<vmem>> -> memref<1x20xf32, #tpu.memory_space<vmem>>
      %dma_start3A_392 = arith.constant 0 : i32
      %dma_start3A_393 = tpu.memref_slice %arg5[%squeeze3A_385, %dma_start3A_392] : memref<100000x20xf32, #tpu.memory_space<hbm>> -> memref<1x20xf32, #tpu.memory_space<hbm>>
      tpu.enqueue_dma source(%dma_start3A_393 : memref<1x20xf32, #tpu.memory_space<hbm>>) target(%dma_start3A_391 : memref<1x20xf32, #tpu.memory_space<vmem>>) target_semaphore(%arg13 : memref<!tpu.dma_semaphore, #tpu.memory_space<semaphore_mem>>)
      %mul3A_394 = arith.constant 16 : i32
      %mul3A_395 = arith.muli %scan3A_49, %mul3A_394 : i32
      %add3A_396 = arith.constant 14 : i32
      %add3A_397 = arith.addi %mul3A_395, %add3A_396 : i32
      %slice3A_398 = vector.extract_strided_slice %get3A_54 {offsets = [14], sizes = [1], strides = [1]} : vector<16xi32> to vector<1xi32>
      %squeeze3A_399 = vector.extract %slice3A_398[0] : i32 from vector<1xi32>
      %dma_start3A_400 = arith.constant 0 : i32
      %dma_start3A_401 = tpu.memref_slice %arg9[%add3A_397, %dma_start3A_400] : memref<256x20xf32, #tpu.memory_space<vmem>> -> memref<1x20xf32, #tpu.memory_space<vmem>>
      %dma_start3A_402 = arith.constant 0 : i32
      %dma_start3A_403 = tpu.memref_slice %arg4[%squeeze3A_399, %dma_start3A_402] : memref<1000000x20xf32, #tpu.memory_space<hbm>> -> memref<1x20xf32, #tpu.memory_space<hbm>>
      %dma_start3A_404 = arith.constant 0 : i32
      %dma_start3A_405 = tpu.memref_slice %arg9[%add3A_397, %dma_start3A_404] : memref<256x20xf32, #tpu.memory_space<vmem>> -> memref<1x20xf32, #tpu.memory_space<vmem>>
      %dma_start3A_406 = arith.constant 0 : i32
      %dma_start3A_407 = tpu.memref_slice %arg4[%squeeze3A_399, %dma_start3A_406] : memref<1000000x20xf32, #tpu.memory_space<hbm>> -> memref<1x20xf32, #tpu.memory_space<hbm>>
      tpu.enqueue_dma source(%dma_start3A_407 : memref<1x20xf32, #tpu.memory_space<hbm>>) target(%dma_start3A_405 : memref<1x20xf32, #tpu.memory_space<vmem>>) target_semaphore(%arg12 : memref<!tpu.dma_semaphore, #tpu.memory_space<semaphore_mem>>)
      %slice3A_408 = vector.extract_strided_slice %get3A_60 {offsets = [14], sizes = [1], strides = [1]} : vector<16xi32> to vector<1xi32>
      %squeeze3A_409 = vector.extract %slice3A_408[0] : i32 from vector<1xi32>
      %dma_start3A_410 = arith.constant 0 : i32
      %dma_start3A_411 = tpu.memref_slice %arg10[%add3A_397, %dma_start3A_410] : memref<256x20xf32, #tpu.memory_space<vmem>> -> memref<1x20xf32, #tpu.memory_space<vmem>>
      %dma_start3A_412 = arith.constant 0 : i32
      %dma_start3A_413 = tpu.memref_slice %arg5[%squeeze3A_409, %dma_start3A_412] : memref<100000x20xf32, #tpu.memory_space<hbm>> -> memref<1x20xf32, #tpu.memory_space<hbm>>
      %dma_start3A_414 = arith.constant 0 : i32
      %dma_start3A_415 = tpu.memref_slice %arg10[%add3A_397, %dma_start3A_414] : memref<256x20xf32, #tpu.memory_space<vmem>> -> memref<1x20xf32, #tpu.memory_space<vmem>>
      %dma_start3A_416 = arith.constant 0 : i32
      %dma_start3A_417 = tpu.memref_slice %arg5[%squeeze3A_409, %dma_start3A_416] : memref<100000x20xf32, #tpu.memory_space<hbm>> -> memref<1x20xf32, #tpu.memory_space<hbm>>
      tpu.enqueue_dma source(%dma_start3A_417 : memref<1x20xf32, #tpu.memory_space<hbm>>) target(%dma_start3A_415 : memref<1x20xf32, #tpu.memory_space<vmem>>) target_semaphore(%arg13 : memref<!tpu.dma_semaphore, #tpu.memory_space<semaphore_mem>>)
      %mul3A_418 = arith.constant 16 : i32
      %mul3A_419 = arith.muli %scan3A_49, %mul3A_418 : i32
      %add3A_420 = arith.constant 15 : i32
      %add3A_421 = arith.addi %mul3A_419, %add3A_420 : i32
      %slice3A_422 = vector.extract_strided_slice %get3A_54 {offsets = [15], sizes = [1], strides = [1]} : vector<16xi32> to vector<1xi32>
      %squeeze3A_423 = vector.extract %slice3A_422[0] : i32 from vector<1xi32>
      %dma_start3A_424 = arith.constant 0 : i32
      %dma_start3A_425 = tpu.memref_slice %arg9[%add3A_421, %dma_start3A_424] : memref<256x20xf32, #tpu.memory_space<vmem>> -> memref<1x20xf32, #tpu.memory_space<vmem>>
      %dma_start3A_426 = arith.constant 0 : i32
      %dma_start3A_427 = tpu.memref_slice %arg4[%squeeze3A_423, %dma_start3A_426] : memref<1000000x20xf32, #tpu.memory_space<hbm>> -> memref<1x20xf32, #tpu.memory_space<hbm>>
      %dma_start3A_428 = arith.constant 0 : i32
      %dma_start3A_429 = tpu.memref_slice %arg9[%add3A_421, %dma_start3A_428] : memref<256x20xf32, #tpu.memory_space<vmem>> -> memref<1x20xf32, #tpu.memory_space<vmem>>
      %dma_start3A_430 = arith.constant 0 : i32
      %dma_start3A_431 = tpu.memref_slice %arg4[%squeeze3A_423, %dma_start3A_430] : memref<1000000x20xf32, #tpu.memory_space<hbm>> -> memref<1x20xf32, #tpu.memory_space<hbm>>
      tpu.enqueue_dma source(%dma_start3A_431 : memref<1x20xf32, #tpu.memory_space<hbm>>) target(%dma_start3A_429 : memref<1x20xf32, #tpu.memory_space<vmem>>) target_semaphore(%arg12 : memref<!tpu.dma_semaphore, #tpu.memory_space<semaphore_mem>>)
      %slice3A_432 = vector.extract_strided_slice %get3A_60 {offsets = [15], sizes = [1], strides = [1]} : vector<16xi32> to vector<1xi32>
      %squeeze3A_433 = vector.extract %slice3A_432[0] : i32 from vector<1xi32>
      %dma_start3A_434 = arith.constant 0 : i32
      %dma_start3A_435 = tpu.memref_slice %arg10[%add3A_421, %dma_start3A_434] : memref<256x20xf32, #tpu.memory_space<vmem>> -> memref<1x20xf32, #tpu.memory_space<vmem>>
      %dma_start3A_436 = arith.constant 0 : i32
      %dma_start3A_437 = tpu.memref_slice %arg5[%squeeze3A_433, %dma_start3A_436] : memref<100000x20xf32, #tpu.memory_space<hbm>> -> memref<1x20xf32, #tpu.memory_space<hbm>>
      %dma_start3A_438 = arith.constant 0 : i32
      %dma_start3A_439 = tpu.memref_slice %arg10[%add3A_421, %dma_start3A_438] : memref<256x20xf32, #tpu.memory_space<vmem>> -> memref<1x20xf32, #tpu.memory_space<vmem>>
      %dma_start3A_440 = arith.constant 0 : i32
      %dma_start3A_441 = tpu.memref_slice %arg5[%squeeze3A_433, %dma_start3A_440] : memref<100000x20xf32, #tpu.memory_space<hbm>> -> memref<1x20xf32, #tpu.memory_space<hbm>>
      tpu.enqueue_dma source(%dma_start3A_441 : memref<1x20xf32, #tpu.memory_space<hbm>>) target(%dma_start3A_439 : memref<1x20xf32, #tpu.memory_space<vmem>>) target_semaphore(%arg13 : memref<!tpu.dma_semaphore, #tpu.memory_space<semaphore_mem>>)
    }
    %scan3A_30 = arith.constant 16 : i32
    %dma_wait3A_31 = arith.constant 0 : i32
    %dma_wait3A_32 = arith.constant 0 : i32
    %dma_wait3A_33 = tpu.memref_slice %arg4[%dma_wait3A_31, %dma_wait3A_32] : memref<1000000x20xf32, #tpu.memory_space<hbm>> -> memref<256x20xf32, #tpu.memory_space<hbm>>
    %dma_wait3A_34 = arith.constant 0 : i32
    %dma_wait3A_35 = arith.constant 0 : i32
    %dma_wait3A_36 = tpu.memref_slice %arg4[%dma_wait3A_34, %dma_wait3A_35] : memref<1000000x20xf32, #tpu.memory_space<hbm>> -> memref<256x20xf32, #tpu.memory_space<hbm>>
    tpu.wait_dma2 semaphore(%arg12 : memref<!tpu.dma_semaphore, #tpu.memory_space<semaphore_mem>>) src(%dma_wait3A_36 : memref<256x20xf32, #tpu.memory_space<hbm>>) dst(%arg9 : memref<256x20xf32, #tpu.memory_space<vmem>>)
    %dma_wait3A_37 = arith.constant 0 : i32
    %dma_wait3A_38 = arith.constant 0 : i32
    %dma_wait3A_39 = tpu.memref_slice %arg5[%dma_wait3A_37, %dma_wait3A_38] : memref<100000x20xf32, #tpu.memory_space<hbm>> -> memref<256x20xf32, #tpu.memory_space<hbm>>
    %dma_wait3A_40 = arith.constant 0 : i32
    %dma_wait3A_41 = arith.constant 0 : i32
    %dma_wait3A_42 = tpu.memref_slice %arg5[%dma_wait3A_40, %dma_wait3A_41] : memref<100000x20xf32, #tpu.memory_space<hbm>> -> memref<256x20xf32, #tpu.memory_space<hbm>>
    tpu.wait_dma2 semaphore(%arg13 : memref<!tpu.dma_semaphore, #tpu.memory_space<semaphore_mem>>) src(%dma_wait3A_42 : memref<256x20xf32, #tpu.memory_space<hbm>>) dst(%arg10 : memref<256x20xf32, #tpu.memory_space<vmem>>)
    %scan3A_43 = arith.constant 0 : i32
    %scan3A_44 = arith.constant 0 : i32
    %scan3A_45 = arith.constant 16 : i32
    %scan3A_46 = arith.addi %scan3A_44, %scan3A_45 : i32
    %scan3A_47 = arith.constant 1 : i32
    scf.for %scan3A_49 = %scan3A_44 to %scan3A_46 step %scan3A_47  : i32 {
      %mul3A_50 = arith.constant 16 : i32
      %mul3A_51 = arith.muli %scan3A_49, %mul3A_50 : i32
      %add3A_52 = vector.broadcast %mul3A_51 : i32 to vector<16xi32>
      %add3A_53 = arith.addi %add3A_52, %iota3A : vector<16xi32>
      %broadcast_in_dim3A = arith.constant 0.000000e+00 : f32
      %broadcast_in_dim3A_54 = vector.broadcast %broadcast_in_dim3A : f32 to vector<16xf32>
      %broadcast_in_dim3A_55 = arith.constant 0.000000e+00 : f32
      %broadcast_in_dim3A_56 = vector.broadcast %broadcast_in_dim3A_55 : f32 to vector<16xf32>
      %broadcast_in_dim3A_57 = arith.constant 0.000000e+00 : f32
      %broadcast_in_dim3A_58 = vector.broadcast %broadcast_in_dim3A_57 : f32 to vector<16xf32>
      %broadcast_in_dim3A_59 = arith.constant 0 : i32
      %broadcast_in_dim3A_60 = vector.broadcast %broadcast_in_dim3A_59 : i32 to vector<16xi32>
      %gather3A = tpu.vector_load_idx %arg9[%add3A_53, %broadcast_in_dim3A_60] : memref<256x20xf32, #tpu.memory_space<vmem>>[vector<16xi32>, vector<16xi32>], vector<16xf32>,
      %gather3A_61 = tpu.vector_load_idx %arg10[%add3A_53, %broadcast_in_dim3A_60] : memref<256x20xf32, #tpu.memory_space<vmem>>[vector<16xi32>, vector<16xi32>], vector<16xf32>,
      %mul3A_62 = arith.mulf %gather3A, %gather3A_61 : vector<16xf32>
      %add3A_63 = arith.addf %broadcast_in_dim3A_54, %mul3A_62 : vector<16xf32>
      %mul3A_64 = arith.mulf %gather3A, %gather3A : vector<16xf32>
      %add3A_65 = arith.addf %broadcast_in_dim3A_56, %mul3A_64 : vector<16xf32>
      %mul3A_66 = arith.mulf %gather3A_61, %gather3A_61 : vector<16xf32>
      %add3A_67 = arith.addf %broadcast_in_dim3A_58, %mul3A_66 : vector<16xf32>
      %broadcast_in_dim3A_68 = arith.constant 1 : i32
      %broadcast_in_dim3A_69 = vector.broadcast %broadcast_in_dim3A_68 : i32 to vector<16xi32>
      %gather3A_70 = tpu.vector_load_idx %arg9[%add3A_53, %broadcast_in_dim3A_69] : memref<256x20xf32, #tpu.memory_space<vmem>>[vector<16xi32>, vector<16xi32>], vector<16xf32>,
      %gather3A_71 = tpu.vector_load_idx %arg10[%add3A_53, %broadcast_in_dim3A_69] : memref<256x20xf32, #tpu.memory_space<vmem>>[vector<16xi32>, vector<16xi32>], vector<16xf32>,
      %mul3A_72 = arith.mulf %gather3A_70, %gather3A_71 : vector<16xf32>
      %add3A_73 = arith.addf %add3A_63, %mul3A_72 : vector<16xf32>
      %mul3A_74 = arith.mulf %gather3A_70, %gather3A_70 : vector<16xf32>
      %add3A_75 = arith.addf %add3A_65, %mul3A_74 : vector<16xf32>
      %mul3A_76 = arith.mulf %gather3A_71, %gather3A_71 : vector<16xf32>
      %add3A_77 = arith.addf %add3A_67, %mul3A_76 : vector<16xf32>
      %broadcast_in_dim3A_78 = arith.constant 2 : i32
      %broadcast_in_dim3A_79 = vector.broadcast %broadcast_in_dim3A_78 : i32 to vector<16xi32>
      %gather3A_80 = tpu.vector_load_idx %arg9[%add3A_53, %broadcast_in_dim3A_79] : memref<256x20xf32, #tpu.memory_space<vmem>>[vector<16xi32>, vector<16xi32>], vector<16xf32>,
      %gather3A_81 = tpu.vector_load_idx %arg10[%add3A_53, %broadcast_in_dim3A_79] : memref<256x20xf32, #tpu.memory_space<vmem>>[vector<16xi32>, vector<16xi32>], vector<16xf32>,
      %mul3A_82 = arith.mulf %gather3A_80, %gather3A_81 : vector<16xf32>
      %add3A_83 = arith.addf %add3A_73, %mul3A_82 : vector<16xf32>
      %mul3A_84 = arith.mulf %gather3A_80, %gather3A_80 : vector<16xf32>
      %add3A_85 = arith.addf %add3A_75, %mul3A_84 : vector<16xf32>
      %mul3A_86 = arith.mulf %gather3A_81, %gather3A_81 : vector<16xf32>
      %add3A_87 = arith.addf %add3A_77, %mul3A_86 : vector<16xf32>
      %broadcast_in_dim3A_88 = arith.constant 3 : i32
      %broadcast_in_dim3A_89 = vector.broadcast %broadcast_in_dim3A_88 : i32 to vector<16xi32>
      %gather3A_90 = tpu.vector_load_idx %arg9[%add3A_53, %broadcast_in_dim3A_89] : memref<256x20xf32, #tpu.memory_space<vmem>>[vector<16xi32>, vector<16xi32>], vector<16xf32>,
      %gather3A_91 = tpu.vector_load_idx %arg10[%add3A_53, %broadcast_in_dim3A_89] : memref<256x20xf32, #tpu.memory_space<vmem>>[vector<16xi32>, vector<16xi32>], vector<16xf32>,
      %mul3A_92 = arith.mulf %gather3A_90, %gather3A_91 : vector<16xf32>
      %add3A_93 = arith.addf %add3A_83, %mul3A_92 : vector<16xf32>
      %mul3A_94 = arith.mulf %gather3A_90, %gather3A_90 : vector<16xf32>
      %add3A_95 = arith.addf %add3A_85, %mul3A_94 : vector<16xf32>
      %mul3A_96 = arith.mulf %gather3A_91, %gather3A_91 : vector<16xf32>
      %add3A_97 = arith.addf %add3A_87, %mul3A_96 : vector<16xf32>
      %broadcast_in_dim3A_98 = arith.constant 4 : i32
      %broadcast_in_dim3A_99 = vector.broadcast %broadcast_in_dim3A_98 : i32 to vector<16xi32>
      %gather3A_100 = tpu.vector_load_idx %arg9[%add3A_53, %broadcast_in_dim3A_99] : memref<256x20xf32, #tpu.memory_space<vmem>>[vector<16xi32>, vector<16xi32>], vector<16xf32>,
      %gather3A_101 = tpu.vector_load_idx %arg10[%add3A_53, %broadcast_in_dim3A_99] : memref<256x20xf32, #tpu.memory_space<vmem>>[vector<16xi32>, vector<16xi32>], vector<16xf32>,
      %mul3A_102 = arith.mulf %gather3A_100, %gather3A_101 : vector<16xf32>
      %add3A_103 = arith.addf %add3A_93, %mul3A_102 : vector<16xf32>
      %mul3A_104 = arith.mulf %gather3A_100, %gather3A_100 : vector<16xf32>
      %add3A_105 = arith.addf %add3A_95, %mul3A_104 : vector<16xf32>
      %mul3A_106 = arith.mulf %gather3A_101, %gather3A_101 : vector<16xf32>
      %add3A_107 = arith.addf %add3A_97, %mul3A_106 : vector<16xf32>
      %broadcast_in_dim3A_108 = arith.constant 5 : i32
      %broadcast_in_dim3A_109 = vector.broadcast %broadcast_in_dim3A_108 : i32 to vector<16xi32>
      %gather3A_110 = tpu.vector_load_idx %arg9[%add3A_53, %broadcast_in_dim3A_109] : memref<256x20xf32, #tpu.memory_space<vmem>>[vector<16xi32>, vector<16xi32>], vector<16xf32>,
      %gather3A_111 = tpu.vector_load_idx %arg10[%add3A_53, %broadcast_in_dim3A_109] : memref<256x20xf32, #tpu.memory_space<vmem>>[vector<16xi32>, vector<16xi32>], vector<16xf32>,
      %mul3A_112 = arith.mulf %gather3A_110, %gather3A_111 : vector<16xf32>
      %add3A_113 = arith.addf %add3A_103, %mul3A_112 : vector<16xf32>
      %mul3A_114 = arith.mulf %gather3A_110, %gather3A_110 : vector<16xf32>
      %add3A_115 = arith.addf %add3A_105, %mul3A_114 : vector<16xf32>
      %mul3A_116 = arith.mulf %gather3A_111, %gather3A_111 : vector<16xf32>
      %add3A_117 = arith.addf %add3A_107, %mul3A_116 : vector<16xf32>
      %broadcast_in_dim3A_118 = arith.constant 6 : i32
      %broadcast_in_dim3A_119 = vector.broadcast %broadcast_in_dim3A_118 : i32 to vector<16xi32>
      %gather3A_120 = tpu.vector_load_idx %arg9[%add3A_53, %broadcast_in_dim3A_119] : memref<256x20xf32, #tpu.memory_space<vmem>>[vector<16xi32>, vector<16xi32>], vector<16xf32>,
      %gather3A_121 = tpu.vector_load_idx %arg10[%add3A_53, %broadcast_in_dim3A_119] : memref<256x20xf32, #tpu.memory_space<vmem>>[vector<16xi32>, vector<16xi32>], vector<16xf32>,
      %mul3A_122 = arith.mulf %gather3A_120, %gather3A_121 : vector<16xf32>
      %add3A_123 = arith.addf %add3A_113, %mul3A_122 : vector<16xf32>
      %mul3A_124 = arith.mulf %gather3A_120, %gather3A_120 : vector<16xf32>
      %add3A_125 = arith.addf %add3A_115, %mul3A_124 : vector<16xf32>
      %mul3A_126 = arith.mulf %gather3A_121, %gather3A_121 : vector<16xf32>
      %add3A_127 = arith.addf %add3A_117, %mul3A_126 : vector<16xf32>
      %broadcast_in_dim3A_128 = arith.constant 7 : i32
      %broadcast_in_dim3A_129 = vector.broadcast %broadcast_in_dim3A_128 : i32 to vector<16xi32>
      %gather3A_130 = tpu.vector_load_idx %arg9[%add3A_53, %broadcast_in_dim3A_129] : memref<256x20xf32, #tpu.memory_space<vmem>>[vector<16xi32>, vector<16xi32>], vector<16xf32>,
      %gather3A_131 = tpu.vector_load_idx %arg10[%add3A_53, %broadcast_in_dim3A_129] : memref<256x20xf32, #tpu.memory_space<vmem>>[vector<16xi32>, vector<16xi32>], vector<16xf32>,
      %mul3A_132 = arith.mulf %gather3A_130, %gather3A_131 : vector<16xf32>
      %add3A_133 = arith.addf %add3A_123, %mul3A_132 : vector<16xf32>
      %mul3A_134 = arith.mulf %gather3A_130, %gather3A_130 : vector<16xf32>
      %add3A_135 = arith.addf %add3A_125, %mul3A_134 : vector<16xf32>
      %mul3A_136 = arith.mulf %gather3A_131, %gather3A_131 : vector<16xf32>
      %add3A_137 = arith.addf %add3A_127, %mul3A_136 : vector<16xf32>
      %broadcast_in_dim3A_138 = arith.constant 8 : i32
      %broadcast_in_dim3A_139 = vector.broadcast %broadcast_in_dim3A_138 : i32 to vector<16xi32>
      %gather3A_140 = tpu.vector_load_idx %arg9[%add3A_53, %broadcast_in_dim3A_139] : memref<256x20xf32, #tpu.memory_space<vmem>>[vector<16xi32>, vector<16xi32>], vector<16xf32>,
      %gather3A_141 = tpu.vector_load_idx %arg10[%add3A_53, %broadcast_in_dim3A_139] : memref<256x20xf32, #tpu.memory_space<vmem>>[vector<16xi32>, vector<16xi32>], vector<16xf32>,
      %mul3A_142 = arith.mulf %gather3A_140, %gather3A_141 : vector<16xf32>
      %add3A_143 = arith.addf %add3A_133, %mul3A_142 : vector<16xf32>
      %mul3A_144 = arith.mulf %gather3A_140, %gather3A_140 : vector<16xf32>
      %add3A_145 = arith.addf %add3A_135, %mul3A_144 : vector<16xf32>
      %mul3A_146 = arith.mulf %gather3A_141, %gather3A_141 : vector<16xf32>
      %add3A_147 = arith.addf %add3A_137, %mul3A_146 : vector<16xf32>
      %broadcast_in_dim3A_148 = arith.constant 9 : i32
      %broadcast_in_dim3A_149 = vector.broadcast %broadcast_in_dim3A_148 : i32 to vector<16xi32>
      %gather3A_150 = tpu.vector_load_idx %arg9[%add3A_53, %broadcast_in_dim3A_149] : memref<256x20xf32, #tpu.memory_space<vmem>>[vector<16xi32>, vector<16xi32>], vector<16xf32>,
      %gather3A_151 = tpu.vector_load_idx %arg10[%add3A_53, %broadcast_in_dim3A_149] : memref<256x20xf32, #tpu.memory_space<vmem>>[vector<16xi32>, vector<16xi32>], vector<16xf32>,
      %mul3A_152 = arith.mulf %gather3A_150, %gather3A_151 : vector<16xf32>
      %add3A_153 = arith.addf %add3A_143, %mul3A_152 : vector<16xf32>
      %mul3A_154 = arith.mulf %gather3A_150, %gather3A_150 : vector<16xf32>
      %add3A_155 = arith.addf %add3A_145, %mul3A_154 : vector<16xf32>
      %mul3A_156 = arith.mulf %gather3A_151, %gather3A_151 : vector<16xf32>
      %add3A_157 = arith.addf %add3A_147, %mul3A_156 : vector<16xf32>
      %broadcast_in_dim3A_158 = arith.constant 10 : i32
      %broadcast_in_dim3A_159 = vector.broadcast %broadcast_in_dim3A_158 : i32 to vector<16xi32>
      %gather3A_160 = tpu.vector_load_idx %arg9[%add3A_53, %broadcast_in_dim3A_159] : memref<256x20xf32, #tpu.memory_space<vmem>>[vector<16xi32>, vector<16xi32>], vector<16xf32>,
      %gather3A_161 = tpu.vector_load_idx %arg10[%add3A_53, %broadcast_in_dim3A_159] : memref<256x20xf32, #tpu.memory_space<vmem>>[vector<16xi32>, vector<16xi32>], vector<16xf32>,
      %mul3A_162 = arith.mulf %gather3A_160, %gather3A_161 : vector<16xf32>
      %add3A_163 = arith.addf %add3A_153, %mul3A_162 : vector<16xf32>
      %mul3A_164 = arith.mulf %gather3A_160, %gather3A_160 : vector<16xf32>
      %add3A_165 = arith.addf %add3A_155, %mul3A_164 : vector<16xf32>
      %mul3A_166 = arith.mulf %gather3A_161, %gather3A_161 : vector<16xf32>
      %add3A_167 = arith.addf %add3A_157, %mul3A_166 : vector<16xf32>
      %broadcast_in_dim3A_168 = arith.constant 11 : i32
      %broadcast_in_dim3A_169 = vector.broadcast %broadcast_in_dim3A_168 : i32 to vector<16xi32>
      %gather3A_170 = tpu.vector_load_idx %arg9[%add3A_53, %broadcast_in_dim3A_169] : memref<256x20xf32, #tpu.memory_space<vmem>>[vector<16xi32>, vector<16xi32>], vector<16xf32>,
      %gather3A_171 = tpu.vector_load_idx %arg10[%add3A_53, %broadcast_in_dim3A_169] : memref<256x20xf32, #tpu.memory_space<vmem>>[vector<16xi32>, vector<16xi32>], vector<16xf32>,
      %mul3A_172 = arith.mulf %gather3A_170, %gather3A_171 : vector<16xf32>
      %add3A_173 = arith.addf %add3A_163, %mul3A_172 : vector<16xf32>
      %mul3A_174 = arith.mulf %gather3A_170, %gather3A_170 : vector<16xf32>
      %add3A_175 = arith.addf %add3A_165, %mul3A_174 : vector<16xf32>
      %mul3A_176 = arith.mulf %gather3A_171, %gather3A_171 : vector<16xf32>
      %add3A_177 = arith.addf %add3A_167, %mul3A_176 : vector<16xf32>
      %broadcast_in_dim3A_178 = arith.constant 12 : i32
      %broadcast_in_dim3A_179 = vector.broadcast %broadcast_in_dim3A_178 : i32 to vector<16xi32>
      %gather3A_180 = tpu.vector_load_idx %arg9[%add3A_53, %broadcast_in_dim3A_179] : memref<256x20xf32, #tpu.memory_space<vmem>>[vector<16xi32>, vector<16xi32>], vector<16xf32>,
      %gather3A_181 = tpu.vector_load_idx %arg10[%add3A_53, %broadcast_in_dim3A_179] : memref<256x20xf32, #tpu.memory_space<vmem>>[vector<16xi32>, vector<16xi32>], vector<16xf32>,
      %mul3A_182 = arith.mulf %gather3A_180, %gather3A_181 : vector<16xf32>
      %add3A_183 = arith.addf %add3A_173, %mul3A_182 : vector<16xf32>
      %mul3A_184 = arith.mulf %gather3A_180, %gather3A_180 : vector<16xf32>
      %add3A_185 = arith.addf %add3A_175, %mul3A_184 : vector<16xf32>
      %mul3A_186 = arith.mulf %gather3A_181, %gather3A_181 : vector<16xf32>
      %add3A_187 = arith.addf %add3A_177, %mul3A_186 : vector<16xf32>
      %broadcast_in_dim3A_188 = arith.constant 13 : i32
      %broadcast_in_dim3A_189 = vector.broadcast %broadcast_in_dim3A_188 : i32 to vector<16xi32>
      %gather3A_190 = tpu.vector_load_idx %arg9[%add3A_53, %broadcast_in_dim3A_189] : memref<256x20xf32, #tpu.memory_space<vmem>>[vector<16xi32>, vector<16xi32>], vector<16xf32>,
      %gather3A_191 = tpu.vector_load_idx %arg10[%add3A_53, %broadcast_in_dim3A_189] : memref<256x20xf32, #tpu.memory_space<vmem>>[vector<16xi32>, vector<16xi32>], vector<16xf32>,
      %mul3A_192 = arith.mulf %gather3A_190, %gather3A_191 : vector<16xf32>
      %add3A_193 = arith.addf %add3A_183, %mul3A_192 : vector<16xf32>
      %mul3A_194 = arith.mulf %gather3A_190, %gather3A_190 : vector<16xf32>
      %add3A_195 = arith.addf %add3A_185, %mul3A_194 : vector<16xf32>
      %mul3A_196 = arith.mulf %gather3A_191, %gather3A_191 : vector<16xf32>
      %add3A_197 = arith.addf %add3A_187, %mul3A_196 : vector<16xf32>
      %broadcast_in_dim3A_198 = arith.constant 14 : i32
      %broadcast_in_dim3A_199 = vector.broadcast %broadcast_in_dim3A_198 : i32 to vector<16xi32>
      %gather3A_200 = tpu.vector_load_idx %arg9[%add3A_53, %broadcast_in_dim3A_199] : memref<256x20xf32, #tpu.memory_space<vmem>>[vector<16xi32>, vector<16xi32>], vector<16xf32>,
      %gather3A_201 = tpu.vector_load_idx %arg10[%add3A_53, %broadcast_in_dim3A_199] : memref<256x20xf32, #tpu.memory_space<vmem>>[vector<16xi32>, vector<16xi32>], vector<16xf32>,
      %mul3A_202 = arith.mulf %gather3A_200, %gather3A_201 : vector<16xf32>
      %add3A_203 = arith.addf %add3A_193, %mul3A_202 : vector<16xf32>
      %mul3A_204 = arith.mulf %gather3A_200, %gather3A_200 : vector<16xf32>
      %add3A_205 = arith.addf %add3A_195, %mul3A_204 : vector<16xf32>
      %mul3A_206 = arith.mulf %gather3A_201, %gather3A_201 : vector<16xf32>
      %add3A_207 = arith.addf %add3A_197, %mul3A_206 : vector<16xf32>
      %broadcast_in_dim3A_208 = arith.constant 15 : i32
      %broadcast_in_dim3A_209 = vector.broadcast %broadcast_in_dim3A_208 : i32 to vector<16xi32>
      %gather3A_210 = tpu.vector_load_idx %arg9[%add3A_53, %broadcast_in_dim3A_209] : memref<256x20xf32, #tpu.memory_space<vmem>>[vector<16xi32>, vector<16xi32>], vector<16xf32>,
      %gather3A_211 = tpu.vector_load_idx %arg10[%add3A_53, %broadcast_in_dim3A_209] : memref<256x20xf32, #tpu.memory_space<vmem>>[vector<16xi32>, vector<16xi32>], vector<16xf32>,
      %mul3A_212 = arith.mulf %gather3A_210, %gather3A_211 : vector<16xf32>
      %add3A_213 = arith.addf %add3A_203, %mul3A_212 : vector<16xf32>
      %mul3A_214 = arith.mulf %gather3A_210, %gather3A_210 : vector<16xf32>
      %add3A_215 = arith.addf %add3A_205, %mul3A_214 : vector<16xf32>
      %mul3A_216 = arith.mulf %gather3A_211, %gather3A_211 : vector<16xf32>
      %add3A_217 = arith.addf %add3A_207, %mul3A_216 : vector<16xf32>
      %broadcast_in_dim3A_218 = arith.constant 16 : i32
      %broadcast_in_dim3A_219 = vector.broadcast %broadcast_in_dim3A_218 : i32 to vector<16xi32>
      %gather3A_220 = tpu.vector_load_idx %arg9[%add3A_53, %broadcast_in_dim3A_219] : memref<256x20xf32, #tpu.memory_space<vmem>>[vector<16xi32>, vector<16xi32>], vector<16xf32>,
      %gather3A_221 = tpu.vector_load_idx %arg10[%add3A_53, %broadcast_in_dim3A_219] : memref<256x20xf32, #tpu.memory_space<vmem>>[vector<16xi32>, vector<16xi32>], vector<16xf32>,
      %mul3A_222 = arith.mulf %gather3A_220, %gather3A_221 : vector<16xf32>
      %add3A_223 = arith.addf %add3A_213, %mul3A_222 : vector<16xf32>
      %mul3A_224 = arith.mulf %gather3A_220, %gather3A_220 : vector<16xf32>
      %add3A_225 = arith.addf %add3A_215, %mul3A_224 : vector<16xf32>
      %mul3A_226 = arith.mulf %gather3A_221, %gather3A_221 : vector<16xf32>
      %add3A_227 = arith.addf %add3A_217, %mul3A_226 : vector<16xf32>
      %broadcast_in_dim3A_228 = arith.constant 17 : i32
      %broadcast_in_dim3A_229 = vector.broadcast %broadcast_in_dim3A_228 : i32 to vector<16xi32>
      %gather3A_230 = tpu.vector_load_idx %arg9[%add3A_53, %broadcast_in_dim3A_229] : memref<256x20xf32, #tpu.memory_space<vmem>>[vector<16xi32>, vector<16xi32>], vector<16xf32>,
      %gather3A_231 = tpu.vector_load_idx %arg10[%add3A_53, %broadcast_in_dim3A_229] : memref<256x20xf32, #tpu.memory_space<vmem>>[vector<16xi32>, vector<16xi32>], vector<16xf32>,
      %mul3A_232 = arith.mulf %gather3A_230, %gather3A_231 : vector<16xf32>
      %add3A_233 = arith.addf %add3A_223, %mul3A_232 : vector<16xf32>
      %mul3A_234 = arith.mulf %gather3A_230, %gather3A_230 : vector<16xf32>
      %add3A_235 = arith.addf %add3A_225, %mul3A_234 : vector<16xf32>
      %mul3A_236 = arith.mulf %gather3A_231, %gather3A_231 : vector<16xf32>
      %add3A_237 = arith.addf %add3A_227, %mul3A_236 : vector<16xf32>
      %broadcast_in_dim3A_238 = arith.constant 18 : i32
      %broadcast_in_dim3A_239 = vector.broadcast %broadcast_in_dim3A_238 : i32 to vector<16xi32>
      %gather3A_240 = tpu.vector_load_idx %arg9[%add3A_53, %broadcast_in_dim3A_239] : memref<256x20xf32, #tpu.memory_space<vmem>>[vector<16xi32>, vector<16xi32>], vector<16xf32>,
      %gather3A_241 = tpu.vector_load_idx %arg10[%add3A_53, %broadcast_in_dim3A_239] : memref<256x20xf32, #tpu.memory_space<vmem>>[vector<16xi32>, vector<16xi32>], vector<16xf32>,
      %mul3A_242 = arith.mulf %gather3A_240, %gather3A_241 : vector<16xf32>
      %add3A_243 = arith.addf %add3A_233, %mul3A_242 : vector<16xf32>
      %mul3A_244 = arith.mulf %gather3A_240, %gather3A_240 : vector<16xf32>
      %add3A_245 = arith.addf %add3A_235, %mul3A_244 : vector<16xf32>
      %mul3A_246 = arith.mulf %gather3A_241, %gather3A_241 : vector<16xf32>
      %add3A_247 = arith.addf %add3A_237, %mul3A_246 : vector<16xf32>
      %broadcast_in_dim3A_248 = arith.constant 19 : i32
      %broadcast_in_dim3A_249 = vector.broadcast %broadcast_in_dim3A_248 : i32 to vector<16xi32>
      %gather3A_250 = tpu.vector_load_idx %arg9[%add3A_53, %broadcast_in_dim3A_249] : memref<256x20xf32, #tpu.memory_space<vmem>>[vector<16xi32>, vector<16xi32>], vector<16xf32>,
      %gather3A_251 = tpu.vector_load_idx %arg10[%add3A_53, %broadcast_in_dim3A_249] : memref<256x20xf32, #tpu.memory_space<vmem>>[vector<16xi32>, vector<16xi32>], vector<16xf32>,
      %mul3A_252 = arith.mulf %gather3A_250, %gather3A_251 : vector<16xf32>
      %add3A_253 = arith.addf %add3A_243, %mul3A_252 : vector<16xf32>
      %mul3A_254 = arith.mulf %gather3A_250, %gather3A_250 : vector<16xf32>
      %add3A_255 = arith.addf %add3A_245, %mul3A_254 : vector<16xf32>
      %mul3A_256 = arith.mulf %gather3A_251, %gather3A_251 : vector<16xf32>
      %add3A_257 = arith.addf %add3A_247, %mul3A_256 : vector<16xf32>
      %mul3A_258 = arith.mulf %add3A_255, %add3A_257 : vector<16xf32>
      %bitcast3A = vector.bitcast %mul3A_258 : vector<16xf32> to vector<16xi32>
      %shift_right_arithmetic3A = arith.constant 1 : i32
      %shift_right_arithmetic3A_259 = vector.broadcast %shift_right_arithmetic3A : i32 to vector<16xi32>
      %shift_right_arithmetic3A_260 = arith.shrsi %bitcast3A, %shift_right_arithmetic3A_259 : vector<16xi32>
      %sub3A = arith.constant 1597463007 : i32
      %sub3A_261 = vector.broadcast %sub3A : i32 to vector<16xi32>
      %sub3A_262 = arith.subi %sub3A_261, %shift_right_arithmetic3A_260 : vector<16xi32>
      %bitcast3A_263 = vector.bitcast %sub3A_262 : vector<16xi32> to vector<16xf32>
      %mul3A_264 = arith.constant 5.000000e-01 : f32
      %mul3A_265 = vector.broadcast %mul3A_264 : f32 to vector<16xf32>
      %mul3A_266 = arith.mulf %mul3A_265, %mul3A_258 : vector<16xf32>
      %mul3A_267 = arith.mulf %mul3A_266, %bitcast3A_263 : vector<16xf32>
      %mul3A_268 = arith.mulf %mul3A_267, %bitcast3A_263 : vector<16xf32>
      %sub3A_269 = arith.constant 1.500000e+00 : f32
      %sub3A_270 = vector.broadcast %sub3A_269 : f32 to vector<16xf32>
      %sub3A_271 = arith.subf %sub3A_270, %mul3A_268 : vector<16xf32>
      %mul3A_272 = arith.mulf %bitcast3A_263, %sub3A_271 : vector<16xf32>
      %mul3A_273 = arith.constant 5.000000e-01 : f32
      %mul3A_274 = vector.broadcast %mul3A_273 : f32 to vector<16xf32>
      %mul3A_275 = arith.mulf %mul3A_274, %mul3A_258 : vector<16xf32>
      %mul3A_276 = arith.mulf %mul3A_275, %mul3A_272 : vector<16xf32>
      %mul3A_277 = arith.mulf %mul3A_276, %mul3A_272 : vector<16xf32>
      %sub3A_278 = arith.constant 1.500000e+00 : f32
      %sub3A_279 = vector.broadcast %sub3A_278 : f32 to vector<16xf32>
      %sub3A_280 = arith.subf %sub3A_279, %mul3A_277 : vector<16xf32>
      %mul3A_281 = arith.mulf %mul3A_272, %sub3A_280 : vector<16xf32>
      %mul3A_282 = arith.constant 5.000000e-01 : f32
      %mul3A_283 = vector.broadcast %mul3A_282 : f32 to vector<16xf32>
      %mul3A_284 = arith.mulf %mul3A_283, %mul3A_258 : vector<16xf32>
      %mul3A_285 = arith.mulf %mul3A_284, %mul3A_281 : vector<16xf32>
      %mul3A_286 = arith.mulf %mul3A_285, %mul3A_281 : vector<16xf32>
      %sub3A_287 = arith.constant 1.500000e+00 : f32
      %sub3A_288 = vector.broadcast %sub3A_287 : f32 to vector<16xf32>
      %sub3A_289 = arith.subf %sub3A_288, %mul3A_286 : vector<16xf32>
      %mul3A_290 = arith.mulf %mul3A_281, %sub3A_289 : vector<16xf32>
      %mul3A_291 = arith.mulf %mul3A_258, %mul3A_290 : vector<16xf32>
      %max3A = arith.constant 9.99999993E-9 : f32
      %max3A_292 = vector.broadcast %max3A : f32 to vector<16xf32>
      %max3A_293 = arith.maximumf %mul3A_291, %max3A_292 : vector<16xf32>
      %div3A = arith.divf %add3A_253, %max3A_293 : vector<16xf32>
      %mul3A_294 = arith.constant 16 : i32
      %mul3A_295 = arith.muli %scan3A_49, %mul3A_294 : i32
      %add3A_296 = arith.constant 256 : i32
      %add3A_297 = arith.addi %add3A_296, %mul3A_295 : i32
      %swap3A = arith.index_cast %add3A_297 : i32 to index
      %swap3A_298 = tpu.vector_load %arg11[%swap3A] {strides = array<i32>} : memref<512xf32, #tpu.memory_space<vmem>>, vector<16xf32>,
      tpu.vector_store %arg11[%swap3A], %div3A {strides = array<i32>} : memref<512xf32, #tpu.memory_space<vmem>>, vector<16xf32>,
    }
    %scan3A_48 = arith.constant 16 : i32
    "tpu.region"() ({
      %run_scoped3A = tpu.sem_alloc : memref<!tpu.dma_semaphore, #tpu.memory_space<semaphore_mem>>
      %dma_start3A = tpu.memref_slice %arg6[%mul3A_2] : memref<16384xf32, #tpu.memory_space<hbm>> -> memref<512xf32, #tpu.memory_space<hbm>>
      %dma_start3A_49 = tpu.memref_slice %arg6[%mul3A_2] : memref<16384xf32, #tpu.memory_space<hbm>> -> memref<512xf32, #tpu.memory_space<hbm>>
      tpu.enqueue_dma source(%arg11 : memref<512xf32, #tpu.memory_space<vmem>>) target(%dma_start3A_49 : memref<512xf32, #tpu.memory_space<hbm>>) target_semaphore(%run_scoped3A : memref<!tpu.dma_semaphore, #tpu.memory_space<semaphore_mem>>)
      %dma_wait3A_50 = tpu.memref_slice %arg6[%mul3A_2] : memref<16384xf32, #tpu.memory_space<hbm>> -> memref<512xf32, #tpu.memory_space<hbm>>
      %dma_wait3A_51 = tpu.memref_slice %arg6[%mul3A_2] : memref<16384xf32, #tpu.memory_space<hbm>> -> memref<512xf32, #tpu.memory_space<hbm>>
      tpu.wait_dma2 semaphore(%run_scoped3A : memref<!tpu.dma_semaphore, #tpu.memory_space<semaphore_mem>>) src(%arg11 : memref<512xf32, #tpu.memory_space<vmem>>) dst(%dma_wait3A_51 : memref<512xf32, #tpu.memory_space<hbm>>)
      tpu.yield
    }) : () -> ()
    return
  }
}

</mosaic_0001>

<sc_bundles>
// kernel: _cosine_lookup.3.cloned.1.call-start
scs
__scs_entry_jumppad:
0x0: {  	(pc) =	sbr.rel $0x88, $3  }
0x1: {  	(tag) =	ssettag $0x0;
	lr =	simm.s32 $0x1  }
0x2: {  	[smem:$0x3F9D] =	sst lr;
	_ =	strace $0xD0000000  }
0x3: {  	_ = 	snop  }
0x4: {  	_ = 	snop  }
0x5: {  	_ = 	snop  }
0x6: {  	_ = 	snop  }
0x7: {  	_ = 	snop  }
__scs_overlays_trampoline_lowered:
0x8: {  	[smem:$0x3FAC] =	sst s0  }
0x9: {  	[smem:$0x3FAD] =	sst s1  }
0xa: {  	[smem:$0x3FAE] =	sst s2  }
0xb: {  	[smem:$0x3FAF] =	sst s3  }
0xc: {  	[smem:$0x3FB0] =	sst s4  }
0xd: {  	[smem:$0x3FB1] =	sst s5  }
0xe: {  	[smem:$0x3FB2] =	sst s6  }
0xf: {  	[smem:$0x3FB3] =	sst s7  }
0x10: {  	[smem:$0x3FB4] =	sst s8  }
0x11: {  	[smem:$0x3FB5] =	sst s9;
	s0 =	simm.s32 @!p0 $0x0  }
0x12: {  	s1 =	sld [smem:$0x3F9B];
	s0 =	simm.s32 @p0 $0x1  }
0x13: {  	[smem:$0x3FB6] =	sst s0;
	s0 =	simm.s32 @!p1 $0x0  }
0x14: {  	s2 =	sld [smem:$0x3F9A];
	s0 =	simm.s32 @p1 $0x1  }
0x15: {  	[smem:$0x3FB7] =	sst s0;
	s0 =	simm.s32 @!p2 $0x0  }
0x16: {  	s3 =	sld [smem:$0x3FDB];
	s0 =	simm.s32 @p2 $0x1  }
0x17: {  	s4 =	simm.s32 $0x1BF5;
	[smem:$0x3FB9] =	sst s0  }
0x18: {  	s0 =	sld [smem:$0x3F9C];
	_ =	swait.ge [sflag:s4], $0x0  }
0x19: {  	s7 =	sld [smem:$0x3F9D]  }
0x1a: {  	s8 =	sadd.s32 $0xFFFFE003, lr  }
0x1b: {  	s9 =	sadd.s32 $0xFFFFFEF7, lr;
	s5 =	simm.s32 $0xFFFFFFFF;
	p2 =	slt.u32 s8, $0xFFFFF086  }
0x1c: {  	p1 =	slt.u32 s9, $0xF7A;
	s5 =	simm.s32 @!p2 $0x0  }
0x1d: {  	s5 =	simm.s32 @p1 $0x1;
	p0 =	seq.s32 s7, s2  }
0x1e: {  	s7 =	smul.u32 @!p0 $0xF7A, s2;
	p2 =	seq.s32 @!p0 s5, $0x0  }
0x1f: {  	s9 =	smul.u32 $0xF7A, s1;
	s8 =	simm.s32 @!p0 $0x1BF5;
	p2 =	por !p2, p0  }
0x20: {  	[sflag:s8] =	ssyncset.s32 @!p0 $0xFFFFF086;
	s6 =	sadd.s32 @!p0 s3, s7;
	s7 =	simm.s32 @!p0 $0x108  }
0x21: {  	s3 =	sadd.s32 s3, s9;
	s6 =	sadd.s32 @!p0 $0x88, s6;
	s7 =	simm.s32 @p2 $0x1082  }
0x22: {  	[simem:s7], [sflag:s8] =	dma.local @!p0 [hbm:s6], $0xF7A  }
0x23: {  	s9 =	sor.u32 $0xD0000000, s2;
	s6 =	simm.s32 $0x108;
	_ =	swait.ge @!p0 [sflag:s8], $0x0  }
0x24: {  	s3 =	sadd.s32 $0x88, s3;
	s6 =	simm.s32 @!p1 $0x1082;
	[sflag:s4] =	ssyncset.s32 $0xFFFFF086  }
0x25: {  	[simem:s6], [sflag:s4] =	dma.local [hbm:s3], $0xF7A  }
0x26: {  	[smem:$0x3F9D] =	sst s1;
	(tag) =	ssettag s2;
	_ =	strace s9  }
0x27: {  	s1 =	sld [smem:$0x3FAD]  }
0x28: {  	s2 =	sld [smem:$0x3FAE]  }
0x29: {  	s4 =	sld [smem:$0x3FB0]  }
0x2a: {  	p0 =	seq.s32 s5, $0x0;
	s5 =	sld [smem:$0x3FB1]  }
0x2b: {  	s6 =	sld [smem:$0x3FB2]  }
0x2c: {  	s7 =	sld [smem:$0x3FB3]  }
0x2d: {  	s3 =	simm.s32 $0x108;
	s8 =	sld [smem:$0x3FB4]  }
0x2e: {  	s3 =	simm.s32 @!p0 $0x1082;
	s9 =	sld [smem:$0x3FB5]  }
0x2f: {  	lr =	sadd.s32 s0, s3;
	s0 =	sld [smem:$0x3FAC]  }
0x30: {  	s3 =	sld [smem:$0x3FAF]  }
0x31: {  	[smem:$0x3FB8] =	sst s10  }
0x32: {  	s10 =	sld [smem:$0x3FB6];
	_ =	sdelay $0x3  }
0x33: {  	p0 =	seq.s32 s10, $0x1;
	s10 =	sld [smem:$0x3FB8];
	_ =	sdelay $0x3  }
0x34: {  	[smem:$0x3FB8] =	sst s10  }
0x35: {  	s10 =	sld [smem:$0x3FB7];
	_ =	sdelay $0x3  }
0x36: {  	p1 =	seq.s32 s10, $0x1;
	s10 =	sld [smem:$0x3FB8];
	_ =	sdelay $0x3  }
0x37: {  	[smem:$0x3FB8] =	sst s10  }
0x38: {  	s10 =	sld [smem:$0x3FB9]  }
0x39: {  	_ = 	snop;
	(pc) =	sbr.ind lr, $3  }
0x3a: {  	_ = 	snop  }
0x3b: {  	_ = 	snop  }
0x3c: {  	p2 =	seq.s32 s10, $0x1;
	s10 =	sld [smem:$0x3FB8]  }
0x3d: {  	_ =	shalt  }
0x3e: {  	_ =	shalt  }
0x3f: {  	_ =	shalt  }
0x40: {  	_ =	shalt  }
0x41: {  	_ =	shalt  }
0x42: {  	_ =	shalt  }
0x43: {  	_ =	shalt  }
0x44: {  	_ =	shalt  }
0x45: {  	_ =	shalt  }
0x46: {  	_ =	shalt  }
0x47: {  	_ =	shalt  }
0x48: {  	_ =	shalt  }
0x49: {  	_ =	shalt  }
0x4a: {  	_ =	shalt  }
0x4b: {  	_ =	shalt  }
0x4c: {  	_ =	shalt  }
0x4d: {  	_ =	shalt  }
0x4e: {  	_ =	shalt  }
0x4f: {  	_ =	shalt  }
0x50: {  	_ =	shalt  }
0x51: {  	_ =	shalt  }
0x52: {  	_ =	shalt  }
0x53: {  	_ =	shalt  }
0x54: {  	_ =	shalt  }
0x55: {  	_ =	shalt  }
0x56: {  	_ =	shalt  }
0x57: {  	_ =	shalt  }
0x58: {  	_ =	shalt  }
0x59: {  	_ =	shalt  }
0x5a: {  	_ =	shalt  }
0x5b: {  	_ =	shalt  }
0x5c: {  	_ =	shalt  }
0x5d: {  	_ =	shalt  }
0x5e: {  	_ =	shalt  }
0x5f: {  	_ =	shalt  }
0x60: {  	_ =	shalt  }
0x61: {  	_ =	shalt  }
0x62: {  	_ =	shalt  }
0x63: {  	_ =	shalt  }
0x64: {  	_ =	shalt  }
0x65: {  	_ =	shalt  }
0x66: {  	_ =	shalt  }
0x67: {  	_ =	shalt  }
0x68: {  	_ =	shalt  }
0x69: {  	_ =	shalt  }
0x6a: {  	_ =	shalt  }
0x6b: {  	_ =	shalt  }
0x6c: {  	_ =	shalt  }
0x6d: {  	_ =	shalt  }
0x6e: {  	_ =	shalt  }
0x6f: {  	_ =	shalt  }
0x70: {  	_ =	shalt  }
0x71: {  	_ =	shalt  }
0x72: {  	_ =	shalt  }
0x73: {  	_ =	shalt  }
0x74: {  	_ =	shalt  }
0x75: {  	_ =	shalt  }
0x76: {  	_ =	shalt  }
0x77: {  	_ =	shalt  }
0x78: {  	_ =	shalt  }
0x79: {  	_ =	shalt  }
0x7a: {  	_ =	shalt  }
0x7b: {  	_ =	shalt  }
0x7c: {  	_ =	shalt  }
0x7d: {  	_ =	shalt  }
0x7e: {  	_ =	shalt  }
0x7f: {  	_ =	shalt  }
0x80: {  	_ =	shalt  }
0x81: {  	_ =	shalt  }
0x82: {  	_ =	shalt  }
0x83: {  	_ =	shalt  }
0x84: {  	_ =	shalt  }
0x85: {  	_ =	shalt  }
0x86: {  	_ =	shalt  }
0x87: {  	_ =	shalt  }
.Lfunc_end0:
.L_simem_size_0:
called_computation_lowered:
.L_overlay_start_0:
0x88: {  	s2 =	sld [smem:$0x3FD9]  }
0x89: {  	s3 =	sld [smem:$0x3FFE];
	_ =	sdelay $0x1  }
0x8a: {  	s1 =	srdreg.scid  }
0x8b: {  	s0 =	sand.u32 $0x1, s1  }
0x8c: {  	s17 =	sshll.u32 s0, $0xA;
	s2 =	sadd.s32 s3, s2  }
0x8d: {  	s2 =	sadd.s32 s2, s17  }
0x8e: {  	[smem:$0x3FC4] =	sst s2  }
0x8f: {  	_ = 	snop  }
0x90: {  	s2 =	sld [smem:$0x3FC9]  }
0x91: {  	s18 =	sld [smem:$0x3FC8]  }
0x92: {  	s4 =	sld [smem:$0x3FD0];
	(tm) =	ssettm $0x1  }
0x93: {  	s5 =	sld [smem:$0x3FFB];
	_ =	sdelay $0x3  }
0x94: {  	_ =	strace s5  }
0x95: {  	s5 =	sld [smem:$0x3FFC];
	_ =	sdelay $0x3  }
0x96: {  	_ =	strace s5  }
0x97: {  	s5 =	sld [smem:$0x3FFD];
	_ =	sdelay $0x3  }
0x98: {  	_ =	strace s5  }
0x99: {  	_ =	strace $0x8FFFFFFF  }
0x9a: {  	s19 =	sld [smem:$0x3FDB];
	_ =	sdelay $0x1  }
0x9b: {  	s6 =	simm.s32 $_scs_section_size  }
0x9c: {  	s7 =	simm.s32 $_size__tile_overlayer_lowered;
	s8 =	simm.s32 $_tile_overlayer_lowered  }
0x9d: {  	s22 =	simm.s32 $0x1BFF;
	s21 =	sshll.u32 s8, $0x1;
	s5 =	sadd.s32 s6, s19  }
0x9e: {  	s9 =	simm.s32 $0x0;
	s20 =	sshll.u32 s7, $0x1;
	s7 =	sadd.s32 s21, s5  }
0x9f: {  	[timem:s9], [sflag:s22] =	dma.local [hbm:s7], s20  }
0xa0: {  	_ =	swait.ge [sflag:s22], s20  }
0xa1: {  	s6 =	ssub.s32 $0x0, s20;
	[sflag:s22] =	ssyncset.done $0x0  }
0xa2: {  	[sflag:s22] =	ssyncadd.s32 s6;
	_ =	sdelay $0x1  }
0xa3: {  	s23 =	simm.s32 $0x1B8B  }
0xa4: {  	_ =	swait.ge [sflag:s23], $0x1  }
0xa5: {  	[sflag:s23] =	ssyncset.done $0x0  }
0xa6: {  	s25 =	simm.s32 $0x1B8E;
	s24 =	sld [smem:$0x3FFE];
	[sflag:s23] =	ssyncadd.s32 $0xFFFFFFFF  }
0xa7: {  	s26 =	simm.s32 $execute0_lowered;
	[smem:$0x3FD2] =	sst s25  }
0xa8: {  	s7 =	sshll.u32 s26, $0x1;
	_ =	strace $0x80000046;
	[dreg:$0x1] =	wrdreg $0xFFFFFFFF  }
0xa9: {  	s28 =	simm.s32 $_size_execute0_lowered;
	s5 =	sadd.s32 s5, s7;
	[dreg:$0x0] =	wrdreg $0x0  }
0xaa: {  	s7 =	sshll.u32 s28, $0x1;
	[dreg:$0x2] =	wrdreg s5  }
0xab: {  	[dreg:$0x3] =	wrdreg s7  }
0xac: {  	[dreg:$0x4] =	wrdreg $0xC0  }
0xad: {  	_ =	task [dreg:s9], $0x5FFFF  }
0xae: {  	[dreg:$0x1] =	wrdreg $0xFFFFFFFF  }
0xaf: {  	[dreg:$0x0] =	wrdreg $0x60  }
0xb0: {  	[dreg:$0x2] =	wrdreg s2  }
0xb1: {  	[dreg:$0x3] =	wrdreg s18  }
0xb2: {  	[dreg:$0x4] =	wrdreg s24  }
0xb3: {  	[dreg:$0x5] =	wrdreg s4  }
0xb4: {  	[dreg:$0x6] =	wrdreg $0x9  }
0xb5: {  	_ =	task.clear_ibuf [dreg:s9], $0x7FFFF;
	_ =	strace $0x90000046  }
0xb6: {  	s29 =	simm.s32 $0x9;
	_ =	strace $0x80000048  }
0xb7: {  	_ =	swait.ge [sflag:s29], $0x1  }
0xb8: {  	[sflag:s29] =	ssyncadd.s32 $0xFFFFFFFF  }
0xb9: {  	_ =	strace $0x90000048  }
0xba: {  	_ =	sfence  }
0xbb: {  	s30 =	sld [smem:$0x0];
	_ =	sdelay $0x2  }
0xbc: {  	s31 =	sshll.u32 s1, $0xD;
	s1 =	sshrl.u32 s1, $0x2  }
0xbd: {  	s3 =	sand.u32 $0x4000, s31;
	s1 =	sadd.s32 s1, s30  }
0xbe: {  	s0 =	sor.u32 s3, s0;
	s1 =	sshll.u32 s1, $0x11  }
0xbf: {  	s0 =	sor.u32 s1, s0  }
0xc0: {  	s0 =	sadd.s32 $0x8F2B, s0  }
0xc1: {  	[sflag:s0] =	ssyncadd.remote.s32 $0x1  }
0xc2: {  	_ =	sfence.sel $0xFFFF  }
0xc3: {  	[dreg:$0x0] =	wrdreg $0xFFFFFFFF;
	(pc) =	sbr.abs _section_cstart, $3  }
0xc4: {  	[dreg:$0x1] =	wrdreg $0xFFFFFFFF  }
0xc5: {  	_ =	task.clear_ibuf [dreg:s9], $0x2FFFF;
	_ =	strace $0x9FFFFFFF  }
0xc6: {  	(tm) =	ssettm $0x7FFFFFFF  }
0xc7: {  	_ =	shalt  }
tec
execute0_lowered:
.L_overlay_start_1:
0x0: {  	(tag) =	ssettag $0x1  }
0x1: {  	s0 =	rddreg [dreg:$0x0]  }
0x2: {  	s2 =	rddreg [dreg:$0x1]  }
0x3: {  	s4 =	rddreg [dreg:$0x2]  }
0x4: {  	s5 =	rddreg [dreg:$0x3];
	s1 =	simm.s32 $0x0;
	s6 =	srdreg.scid  }
0x5: {  	s8 =	stileid.u32;
	[smem:$0x7FF] =	sst s1  }
0x6: {  	s3 =	sadd.s32 $0x186E00, s4;
	s6 =	sand.u32 $0x1, s6;
	s8 =	sshll.u32 s8, $0x7  }
0x7: {  	s28 =	sadd.s32 $0x400, s4;
	s7 =	ssub.s32 $0x2, s6;
	s6 =	sshll.u32 s6, $0x6  }
0x8: {  	_ =	strace $0x80000047;
	[dreg:$0x5] =	wrdreg s3;
	s6 =	sor.u32 s6, s8  }
0x9: {  	[dreg:$0x6] =	wrdreg s28;
	s0 =	sadd.s32 s0, s6  }
0xa: {  	s9 =	sshrl.u32 s7, $0x1;
	s29 =	sadd.s32 s2, s6;
	[dreg:$0x19] =	wrdreg s0  }
0xb: {  	s7 =	ssub.s32 s7, s9;
	s30 =	sadd.s32 s5, s6;
	[dreg:$0x1a] =	wrdreg s29  }
0xc: {  	v0 =	vlaneseq.u32;
	[dreg:$0x1b] =	wrdreg s30;
	s31 =	smax.u32 s7, $0x1  }
0xd: {  	v0 =	vmul.u32 $0x80, v0;
	s5 =	simm.s32 $0x3;
	s2 =	simm.s32 $0x0;
	[dreg:$0x1c] =	wrdreg s31  }
.LBB2_1:
0xe: {  	[dreg:$0x1d] =	wrdreg s2  }
0xf: {  	s0 =	rddreg [dreg:$0x19]  }
0x10: {  	[tilespmem:s1], [sflag:$0x3] =	stream.linear.gather [hbm4b:s0+s1], $0x200, $0x38;
	[tilespmem:$0x10600] =	vst v63  }
0x11: {  	_ =	swait.ge [sflag:s5], $0x200  }
0x12: {  	[sflag:s5] =	ssyncset.done $0x0  }
0x13: {  	s24 =	simm.s32 $0x200;
	s25 =	rddreg [dreg:$0x1a];
	[sflag:s5] =	ssyncadd.s32 $0xFFFFFE00  }
0x14: {  	[tilespmem:s24], [sflag:$0x3] =	stream.linear.gather [hbm4b:s25+s1], $0x200, $0x38;
	[tilespmem:$0x10600] =	vst v63  }
0x15: {  	_ =	swait.ge [sflag:s5], $0x200  }
0x16: {  	[sflag:s5] =	ssyncset.done $0x0  }
0x17: {  	[sflag:s5] =	ssyncadd.s32 $0xFFFFFE00  }
0x18: {  	v1 =	vld [tilespmem:s1+$0x0]  }
0x19: {  	v3 =	vld [tilespmem:s24+$0x0];
	_ =	sdelay $0x3  }
0x1a: {  	v2 =	vshll.u32 v1, $0x4  }
0x1b: {  	v1 =	vshll.u32 v3, $0x4;
	(v2sf) =	vpush v2, $0x0  }
0x1c: {  	(v2sf) =	vpush v1, $0x0  }
0x1d: {  	(v2sf) =	vpush v2, $0x1;
	_ =	sdelay $0x1  }
0x1e: {  	(v2sf) =	vpush v1, $0x1;
	_ =	sdelay $0x3  }
0x1f: {  	(v2sf) =	vpush v2, $0x2;
	_ =	sdelay $0x1  }
0x20: {  	(v2sf) =	vpush v1, $0x2  }
0x21: {  	s17 =	simm.s32 $0x2000;
	s16 =	simm.s32 $0x0;
	s6 =	simm.s32 $0x8400;
	(v2sf) =	vpush v2, $0x3  }
0x22: {  	s2 =	simm.s32 $0x880;
	s7 =	simm.s32 $0x400;
	s9 =	simm.s32 $0x600  }
0x23: {  	s10 =	simm.s32 $0x580;
	s29 =	simm.s32 $0x480;
	s13 =	simm.s32 $0x500  }
0x24: {  	s18 =	simm.s32 $0x8500;
	s23 =	simm.s32 $0x8600;
	s3 =	rddreg [dreg:$0x5]  }
0x25: {  	s0 =	simm.s32 $0x8900;
	s4 =	rddreg [dreg:$0x6];
	s8 =	spop (v2sf);
	(v2sf) =	vpush v1, $0x3  }
0x26: {  	s5 =	simm.s32 $0x680;
	s8 =	sand.u32 $0x1FFFFFF0, s8;
	s11 =	spop (v2sf)  }
0x27: {  	(v2sf) =	vpush v2, $0x4;
	s8 =	sadd.s32 s3, s8;
	s26 =	sand.u32 $0x1FFFFFF0, s11;
	s28 =	spop (v2sf)  }
0x28: {  	(v2sf) =	vpush v1, $0x4;
	[tilespmem:s7], [sflag:$0x1] =	stream.linear.gather [hbm4b:s8+s1], $0x80, $0x38;
	[tilespmem:$0x10600] =	vst v63  }
0x29: {  	s8 =	sadd.s32 s4, s26;
	s11 =	sand.u32 $0x1FFFFFF0, s28;
	s12 =	spop (v2sf)  }
0x2a: {  	(v2sf) =	vpush v2, $0x5;
	[tilespmem:s6], [sflag:$0x2] =	stream.linear.gather [hbm4b:s8+s1], $0x80, $0x38;
	[tilespmem:$0x10600] =	vst v63  }
0x2b: {  	s7 =	simm.s32 $0x8580;
	s30 =	sadd.s32 s3, s11;
	s31 =	sand.u32 $0x1FFFFFF0, s12;
	(v2sf) =	vpush v1, $0x5  }
0x2c: {  	[tilespmem:s29], [sflag:$0x1] =	stream.linear.gather [hbm4b:s30+s1], $0x80, $0x38;
	[tilespmem:$0x10600] =	vst v63  }
0x2d: {  	s12 =	spop (v2sf);
	s8 =	simm.s32 $0x8480;
	s11 =	sadd.s32 s4, s31;
	(v2sf) =	vpush v2, $0x6  }
0x2e: {  	[tilespmem:s8], [sflag:$0x2] =	stream.linear.gather [hbm4b:s11+s1], $0x80, $0x38;
	[tilespmem:$0x10600] =	vst v63  }
0x2f: {  	s14 =	spop (v2sf);
	s31 =	simm.s32 $0x700;
	s8 =	sand.u32 $0x1FFFFFF0, s12  }
0x30: {  	s15 =	spop (v2sf);
	s11 =	sand.u32 $0x1FFFFFF0, s14;
	s8 =	sadd.s32 s3, s8  }
0x31: {  	(v2sf) =	vpush v1, $0x6;
	[tilespmem:s13], [sflag:$0x1] =	stream.linear.gather [hbm4b:s8+s1], $0x80, $0x38;
	[tilespmem:$0x10600] =	vst v63  }
0x32: {  	s20 =	sand.u32 $0x1FFFFFF0, s15;
	s29 =	simm.s32 $0x8680;
	s19 =	sadd.s32 s4, s11  }
0x33: {  	[tilespmem:s18], [sflag:$0x2] =	stream.linear.gather [hbm4b:s19+s1], $0x80, $0x38;
	[tilespmem:$0x10600] =	vst v63  }
0x34: {  	s22 =	sadd.s32 s3, s20;
	s20 =	simm.s32 $0x8700;
	s21 =	spop (v2sf)  }
0x35: {  	(v2sf) =	vpush v2, $0x7;
	[tilespmem:s10], [sflag:$0x1] =	stream.linear.gather [hbm4b:s22+s1], $0x80, $0x38;
	[tilespmem:$0x10600] =	vst v63  }
0x36: {  	s12 =	simm.s32 $0x8A00;
	s6 =	sand.u32 $0x1FFFFFF0, s21;
	s24 =	spop (v2sf)  }
0x37: {  	s13 =	simm.s32 $0xA80;
	(v2sf) =	vpush v1, $0x7;
	s6 =	sadd.s32 s4, s6;
	s25 =	spop (v2sf)  }
0x38: {  	(v2sf) =	vpush v2, $0x8;
	[tilespmem:s7], [sflag:$0x2] =	stream.linear.gather [hbm4b:s6+s1], $0x80, $0x38;
	[tilespmem:$0x10600] =	vst v63  }
0x39: {  	s10 =	sand.u32 $0x1FFFFFF0, s24;
	s28 =	sand.u32 $0x1FFFFFF0, s25;
	s30 =	spop (v2sf)  }
0x3a: {  	s26 =	sadd.s32 s3, s10;
	(v2sf) =	vpush v1, $0x8;
	s7 =	sadd.s32 s4, s28;
	s10 =	spop (v2sf)  }
0x3b: {  	(v2sf) =	vpush v2, $0x9;
	[tilespmem:s9], [sflag:$0x1] =	stream.linear.gather [hbm4b:s26+s1], $0x80, $0x38;
	[tilespmem:$0x10600] =	vst v63  }
0x3c: {  	s9 =	sand.u32 $0x1FFFFFF0, s30;
	s11 =	spop (v2sf);
	s26 =	simm.s32 $0x8780  }
0x3d: {  	(v2sf) =	vpush v1, $0x9;
	[tilespmem:s23], [sflag:$0x2] =	stream.linear.gather [hbm4b:s7+s1], $0x80, $0x38;
	[tilespmem:$0x10600] =	vst v63  }
0x3e: {  	s8 =	sadd.s32 s3, s9;
	s9 =	sand.u32 $0x1FFFFFF0, s10;
	s15 =	sand.u32 $0x1FFFFFF0, s11;
	(v2sf) =	vpush v2, $0xA  }
0x3f: {  	[tilespmem:s5], [sflag:$0x1] =	stream.linear.gather [hbm4b:s8+s1], $0x80, $0x38;
	[tilespmem:$0x10600] =	vst v63  }
0x40: {  	s10 =	simm.s32 $0x8A80;
	s18 =	spop (v2sf);
	s14 =	sadd.s32 s4, s9;
	(v2sf) =	vpush v1, $0xA  }
0x41: {  	[tilespmem:s29], [sflag:$0x2] =	stream.linear.gather [hbm4b:s14+s1], $0x80, $0x38;
	[tilespmem:$0x10600] =	vst v63  }
0x42: {  	s11 =	simm.s32 $0x8880;
	s19 =	sadd.s32 s3, s15;
	s6 =	sand.u32 $0x1FFFFFF0, s18  }
0x43: {  	[tilespmem:s31], [sflag:$0x1] =	stream.linear.gather [hbm4b:s19+s1], $0x80, $0x38;
	[tilespmem:$0x10600] =	vst v63  }
0x44: {  	s23 =	simm.s32 $0x780;
	s6 =	sadd.s32 s4, s6;
	s21 =	spop (v2sf)  }
0x45: {  	[tilespmem:s20], [sflag:$0x2] =	stream.linear.gather [hbm4b:s6+s1], $0x80, $0x38;
	[tilespmem:$0x10600] =	vst v63  }
0x46: {  	s15 =	simm.s32 $0x900;
	(v2sf) =	vpush v2, $0xB;
	s8 =	sand.u32 $0x1FFFFFF0, s21;
	s22 =	spop (v2sf)  }
0x47: {  	s5 =	simm.s32 $0x8980;
	s24 =	sadd.s32 s3, s8;
	s28 =	spop (v2sf)  }
0x48: {  	(v2sf) =	vpush v1, $0xB;
	[tilespmem:s23], [sflag:$0x1] =	stream.linear.gather [hbm4b:s24+s1], $0x80, $0x38;
	[tilespmem:$0x10600] =	vst v63  }
0x49: {  	s29 =	simm.s32 $0x800;
	s25 =	sand.u32 $0x1FFFFFF0, s22;
	s30 =	spop (v2sf)  }
0x4a: {  	s8 =	sadd.s32 s4, s25;
	s7 =	sand.u32 $0x1FFFFFF0, s28;
	s31 =	spop (v2sf)  }
0x4b: {  	(v2sf) =	vpush v2, $0xC;
	[tilespmem:s26], [sflag:$0x2] =	stream.linear.gather [hbm4b:s8+s1], $0x80, $0x38;
	[tilespmem:$0x10600] =	vst v63  }
0x4c: {  	s7 =	sadd.s32 s3, s7;
	s8 =	sand.u32 $0x1FFFFFF0, s30;
	s14 =	spop (v2sf)  }
0x4d: {  	(v2sf) =	vpush v1, $0xC;
	s9 =	sand.u32 $0x1FFFFFF0, s31;
	s26 =	simm.s32 $0x980;
	s18 =	spop (v2sf)  }
0x4e: {  	[tilespmem:s29], [sflag:$0x1] =	stream.linear.gather [hbm4b:s7+s1], $0x80, $0x38;
	[tilespmem:$0x10600] =	vst v63  }
0x4f: {  	s8 =	sadd.s32 s4, s8;
	s7 =	simm.s32 $0x8800;
	s19 =	spop (v2sf)  }
0x50: {  	[tilespmem:s7], [sflag:$0x2] =	stream.linear.gather [hbm4b:s8+s1], $0x80, $0x38;
	[tilespmem:$0x10600] =	vst v63  }
0x51: {  	s21 =	sand.u32 $0x1FFFFFF0, s19;
	s8 =	sadd.s32 s3, s9;
	s7 =	sand.u32 $0x1FFFFFF0, s14  }
0x52: {  	[tilespmem:s2], [sflag:$0x1] =	stream.linear.gather [hbm4b:s8+s1], $0x80, $0x38;
	[tilespmem:$0x10600] =	vst v63  }
0x53: {  	s23 =	sadd.s32 s4, s21;
	s7 =	sadd.s32 s4, s7;
	s8 =	sand.u32 $0x1FFFFFF0, s18  }
0x54: {  	[tilespmem:s11], [sflag:$0x2] =	stream.linear.gather [hbm4b:s7+s1], $0x80, $0x38;
	[tilespmem:$0x10600] =	vst v63  }
0x55: {  	s21 =	simm.s32 $0x10;
	s20 =	sadd.s32 s3, s8;
	s22 =	spop (v2sf)  }
0x56: {  	[tilespmem:s15], [sflag:$0x1] =	stream.linear.gather [hbm4b:s20+s1], $0x80, $0x38;
	[tilespmem:$0x10600] =	vst v63  }
0x57: {  	s24 =	sand.u32 $0x1FFFFFF0, s22;
	s25 =	spop (v2sf);
	s22 =	simm.s32 $0x210  }
0x58: {  	(v2sf) =	vpush v2, $0xD;
	[tilespmem:s0], [sflag:$0x2] =	stream.linear.gather [hbm4b:s23+s1], $0x80, $0x38;
	[tilespmem:$0x10600] =	vst v63  }
0x59: {  	(v2sf) =	vpush v1, $0xD;
	s28 =	sadd.s32 s3, s24;
	s29 =	sand.u32 $0x1FFFFFF0, s25;
	s25 =	simm.s32 $0xA00  }
0x5a: {  	(v2sf) =	vpush v2, $0xE;
	s24 =	simm.s32 $0xB00;
	s23 =	simm.s32 $0x8B00;
	s31 =	spop (v2sf)  }
0x5b: {  	(v2sf) =	vpush v1, $0xE;
	[tilespmem:s26], [sflag:$0x1] =	stream.linear.gather [hbm4b:s28+s1], $0x80, $0x38;
	[tilespmem:$0x10600] =	vst v63  }
0x5c: {  	s30 =	sadd.s32 s4, s29;
	(v2sf) =	vpush v2, $0xF;
	s0 =	sand.u32 $0x1FFFFFF0, s31;
	s2 =	spop (v2sf)  }
0x5d: {  	(v2sf) =	vpush v1, $0xF;
	[tilespmem:s5], [sflag:$0x2] =	stream.linear.gather [hbm4b:s30+s1], $0x80, $0x38;
	[tilespmem:$0x10600] =	vst v63  }
.LBB2_2:
0x5e: {  	_ =	sdelay $0x3  }
0x5f: {  	s3 =	rddreg [dreg:$0x5]  }
0x60: {  	s2 =	sand.u32 $0x1FFFFFF0, s2;
	s4 =	rddreg [dreg:$0x6];
	s0 =	sadd.s32 s3, s0  }
0x61: {  	[tilespmem:s25], [sflag:$0x1] =	stream.linear.gather [hbm4b:s0+s1], $0x80, $0x38;
	[tilespmem:$0x10600] =	vst v63  }
0x62: {  	s25 =	sadd.s32 s4, s2  }
0x63: {  	[tilespmem:s12], [sflag:$0x2] =	stream.linear.gather [hbm4b:s25+s1], $0x80, $0x38;
	[tilespmem:$0x10600] =	vst v63  }
0x64: {  	s5 =	spop (v2sf)  }
0x65: {  	s26 =	sand.u32 $0x1FFFFFF0, s5;
	s28 =	spop (v2sf)  }
0x66: {  	s29 =	sadd.s32 s3, s26;
	s30 =	sand.u32 $0x1FFFFFF0, s28;
	s31 =	spop (v2sf)  }
0x67: {  	[tilespmem:s13], [sflag:$0x1] =	stream.linear.gather [hbm4b:s29+s1], $0x80, $0x38;
	[tilespmem:$0x10600] =	vst v63  }
0x68: {  	s6 =	sadd.s32 s4, s30;
	s7 =	sand.u32 $0x1FFFFFF0, s31;
	s8 =	spop (v2sf)  }
0x69: {  	[tilespmem:s10], [sflag:$0x2] =	stream.linear.gather [hbm4b:s6+s1], $0x80, $0x38;
	[tilespmem:$0x10600] =	vst v63  }
0x6a: {  	s9 =	sadd.s32 s3, s7;
	s11 =	spop (v2sf);
	s10 =	sand.u32 $0x1FFFFFF0, s8  }
0x6b: {  	[tilespmem:s24], [sflag:$0x1] =	stream.linear.gather [hbm4b:s9+s1], $0x80, $0x38;
	[tilespmem:$0x10600] =	vst v63  }
0x6c: {  	s13 =	sand.u32 $0x1FFFFFF0, s11;
	s14 =	spop (v2sf);
	s12 =	sadd.s32 s4, s10  }
0x6d: {  	[tilespmem:s23], [sflag:$0x2] =	stream.linear.gather [hbm4b:s12+s1], $0x80, $0x38;
	[tilespmem:$0x10600] =	vst v63  }
0x6e: {  	s15 =	sadd.s32 $0xB80, s16;
	s2 =	sadd.s32 s3, s13;
	s5 =	sand.u32 $0x1FFFFFF0, s14  }
0x6f: {  	[tilespmem:s15], [sflag:$0x1] =	stream.linear.gather [hbm4b:s2+s1], $0x80, $0x38;
	[tilespmem:$0x10600] =	vst v63  }
0x70: {  	s16 =	sadd.s32 $0x8B80, s16;
	s18 =	sadd.s32 s4, s5  }
0x71: {  	[tilespmem:s16], [sflag:$0x2] =	stream.linear.gather [hbm4b:s18+s1], $0x80, $0x38;
	[tilespmem:$0x10600] =	vst v63  }
0x72: {  	v1 =	vld [tilespmem:s21+$0x0]  }
0x73: {  	v3 =	vld [tilespmem:s22+$0x0];
	_ =	sdelay $0x3  }
0x74: {  	v2 =	vshll.u32 v1, $0x4  }
0x75: {  	v1 =	vshll.u32 v3, $0x4;
	(v2sf) =	vpush v2, $0x0  }
0x76: {  	p0 =	sne.s32 s17, $0x1E000;
	s19 =	smov.u32 s17;
	(v2sf) =	vpush v1, $0x0  }
0x77: {  	s17 =	sadd.s32 $0x2000, s17;
	s16 =	sshra.s32 s19, $0x2;
	s1 =	simm.s32 $0x0;
	(v2sf) =	vpush v2, $0x1  }
0x78: {  	s28 =	sadd.s32 $0x8400, s16;
	s5 =	sadd.s32 $0x680, s16;
	s0 =	sadd.s32 $0x880, s16  }
0x79: {  	s30 =	sadd.s32 $0x400, s16;
	s9 =	sadd.s32 $0x600, s16;
	s20 =	sadd.s32 $0x8900, s16;
	(v2sf) =	vpush v1, $0x1  }
0x7a: {  	s13 =	sadd.s32 $0x580, s16;
	s12 =	sadd.s32 $0x8580, s16;
	s7 =	sadd.s32 $0x8A00, s16  }
0x7b: {  	s18 =	sadd.s32 $0x500, s16;
	s15 =	sadd.s32 $0x8600, s16;
	s2 =	sadd.s32 $0xA80, s16;
	(v2sf) =	vpush v2, $0x2  }
0x7c: {  	s29 =	sadd.s32 $0x8480, s16;
	s11 =	sadd.s32 $0x8680, s16;
	s6 =	sadd.s32 $0x700, s16  }
0x7d: {  	s8 =	sadd.s32 $0x8980, s16;
	s10 =	sadd.s32 $0x8A80, s16;
	[dreg:$0xb] =	wrdreg s0;
	(v2sf) =	vpush v1, $0x2  }
0x7e: {  	s14 =	sadd.s32 $0x8880, s16;
	s23 =	sadd.s32 $0x900, s16;
	[dreg:$0x7] =	wrdreg s20;
	(v2sf) =	vpush v2, $0x3  }
0x7f: {  	s19 =	sadd.s32 $0x8800, s16;
	s25 =	sadd.s32 $0xA00, s16;
	[dreg:$0x9] =	wrdreg s8  }
0x80: {  	s31 =	sadd.s32 $0x480, s16;
	s24 =	sadd.s32 $0x8780, s16;
	[dreg:$0xf] =	wrdreg s14;
	(v2sf) =	vpush v1, $0x3  }
0x81: {  	s26 =	sadd.s32 $0x800, s16;
	s21 =	sadd.s32 $0x10, s21;
	[dreg:$0xd] =	wrdreg s23  }
0x82: {  	s22 =	sadd.s32 $0x10, s22;
	s0 =	sadd.s32 $0x8500, s16;
	[dreg:$0x13] =	wrdreg s19;
	(v2sf) =	vpush v2, $0x4  }
0x83: {  	s8 =	sadd.s32 $0x8700, s16;
	s14 =	sadd.s32 $0x780, s16;
	[dreg:$0x17] =	wrdreg s24  }
0x84: {  	[dreg:$0x15] =	wrdreg s26;
	s20 =	sadd.s32 $0x980, s16;
	s26 =	spop (v2sf)  }
0x85: {  	[dreg:$0x11] =	wrdreg s20;
	s26 =	sand.u32 $0x1FFFFFF0, s26;
	s20 =	spop (v2sf)  }
0x86: {  	(v2sf) =	vpush v1, $0x4;
	s26 =	sadd.s32 s3, s26;
	s19 =	sand.u32 $0x1FFFFFF0, s20;
	s20 =	spop (v2sf)  }
0x87: {  	[tilespmem:s30], [sflag:$0x1] =	stream.linear.gather [hbm4b:s26+s1], $0x80, $0x38;
	[tilespmem:$0x10600] =	vst v63  }
0x88: {  	(v2sf) =	vpush v2, $0x5;
	s19 =	sadd.s32 s4, s19;
	s20 =	sand.u32 $0x1FFFFFF0, s20;
	s30 =	spop (v2sf)  }
0x89: {  	[tilespmem:s28], [sflag:$0x2] =	stream.linear.gather [hbm4b:s19+s1], $0x80, $0x38;
	[tilespmem:$0x10600] =	vst v63  }
0x8a: {  	(v2sf) =	vpush v1, $0x5;
	s20 =	sadd.s32 s3, s20;
	s28 =	sand.u32 $0x1FFFFFF0, s30;
	s30 =	spop (v2sf)  }
0x8b: {  	(v2sf) =	vpush v2, $0x6;
	[tilespmem:s31], [sflag:$0x1] =	stream.linear.gather [hbm4b:s20+s1], $0x80, $0x38;
	[tilespmem:$0x10600] =	vst v63  }
0x8c: {  	s24 =	sadd.s32 $0xB00, s16;
	s20 =	sadd.s32 s4, s28;
	s28 =	spop (v2sf)  }
0x8d: {  	s23 =	sadd.s32 $0x8B00, s16;
	s26 =	sand.u32 $0x1FFFFFF0, s30;
	(v2sf) =	vpush v1, $0x6;
	s31 =	spop (v2sf)  }
0x8e: {  	[tilespmem:s29], [sflag:$0x2] =	stream.linear.gather [hbm4b:s20+s1], $0x80, $0x38;
	[tilespmem:$0x10600] =	vst v63  }
0x8f: {  	s30 =	sand.u32 $0x1FFFFFF0, s28;
	(v2sf) =	vpush v2, $0x7;
	s29 =	sadd.s32 s3, s26;
	s28 =	spop (v2sf)  }
0x90: {  	[tilespmem:s18], [sflag:$0x1] =	stream.linear.gather [hbm4b:s29+s1], $0x80, $0x38;
	[tilespmem:$0x10600] =	vst v63  }
0x91: {  	s20 =	sadd.s32 s4, s30;
	s26 =	sand.u32 $0x1FFFFFF0, s31;
	s31 =	spop (v2sf)  }
0x92: {  	(v2sf) =	vpush v1, $0x7;
	[tilespmem:s0], [sflag:$0x2] =	stream.linear.gather [hbm4b:s20+s1], $0x80, $0x38;
	[tilespmem:$0x10600] =	vst v63  }
0x93: {  	s30 =	sand.u32 $0x1FFFFFF0, s28;
	s29 =	sadd.s32 s3, s26;
	s26 =	sand.u32 $0x1FFFFFF0, s31  }
0x94: {  	(v2sf) =	vpush v2, $0x8;
	[tilespmem:s13], [sflag:$0x1] =	stream.linear.gather [hbm4b:s29+s1], $0x80, $0x38;
	[tilespmem:$0x10600] =	vst v63  }
0x95: {  	s20 =	sadd.s32 s4, s30;
	s29 =	sadd.s32 s3, s26;
	s28 =	spop (v2sf)  }
0x96: {  	[tilespmem:s12], [sflag:$0x2] =	stream.linear.gather [hbm4b:s20+s1], $0x80, $0x38;
	[tilespmem:$0x10600] =	vst v63  }
0x97: {  	s13 =	smov.u32 s2;
	s30 =	sand.u32 $0x1FFFFFF0, s28;
	s31 =	spop (v2sf)  }
0x98: {  	(v2sf) =	vpush v1, $0x8;
	[tilespmem:s9], [sflag:$0x1] =	stream.linear.gather [hbm4b:s29+s1], $0x80, $0x38;
	[tilespmem:$0x10600] =	vst v63  }
0x99: {  	(v2sf) =	vpush v2, $0x9;
	s12 =	sand.u32 $0x1FFFFFF0, s31;
	s18 =	spop (v2sf);
	s9 =	sadd.s32 s4, s30  }
0x9a: {  	s19 =	sadd.s32 s3, s12;
	s20 =	sand.u32 $0x1FFFFFF0, s18;
	s26 =	spop (v2sf)  }
0x9b: {  	(v2sf) =	vpush v1, $0x9;
	[tilespmem:s15], [sflag:$0x2] =	stream.linear.gather [hbm4b:s9+s1], $0x80, $0x38;
	[tilespmem:$0x10600] =	vst v63  }
0x9c: {  	s12 =	smov.u32 s7;
	s29 =	sand.u32 $0x1FFFFFF0, s26;
	s30 =	spop (v2sf)  }
0x9d: {  	[tilespmem:s5], [sflag:$0x1] =	stream.linear.gather [hbm4b:s19+s1], $0x80, $0x38;
	[tilespmem:$0x10600] =	vst v63  }
0x9e: {  	s28 =	sadd.s32 s4, s20;
	s31 =	sadd.s32 s3, s29;
	s7 =	spop (v2sf)  }
0x9f: {  	(v2sf) =	vpush v2, $0xA;
	s1 =	simm.s32 $0x0;
	s2 =	sand.u32 $0x1FFFFFF0, s30;
	s15 =	sand.u32 $0x1FFFFFF0, s7  }
0xa0: {  	[tilespmem:s11], [sflag:$0x2] =	stream.linear.gather [hbm4b:s28+s1], $0x80, $0x38;
	[tilespmem:$0x10600] =	vst v63  }
0xa1: {  	(v2sf) =	vpush v1, $0xA;
	s18 =	spop (v2sf);
	s11 =	sadd.s32 s4, s2;
	s19 =	sadd.s32 s3, s15  }
0xa2: {  	[tilespmem:s6], [sflag:$0x1] =	stream.linear.gather [hbm4b:s31+s1], $0x80, $0x38;
	[tilespmem:$0x10600] =	vst v63  }
0xa3: {  	(v2sf) =	vpush v2, $0xB;
	s20 =	sand.u32 $0x1FFFFFF0, s18;
	s26 =	spop (v2sf);
	s15 =	rddreg [dreg:$0x13]  }
0xa4: {  	[tilespmem:s8], [sflag:$0x2] =	stream.linear.gather [hbm4b:s11+s1], $0x80, $0x38;
	[tilespmem:$0x10600] =	vst v63  }
0xa5: {  	(v2sf) =	vpush v1, $0xB;
	s28 =	sadd.s32 s4, s20;
	s29 =	sand.u32 $0x1FFFFFF0, s26;
	s26 =	rddreg [dreg:$0xb]  }
0xa6: {  	[tilespmem:s14], [sflag:$0x1] =	stream.linear.gather [hbm4b:s19+s1], $0x80, $0x38;
	[tilespmem:$0x10600] =	vst v63  }
0xa7: {  	s31 =	rddreg [dreg:$0x17];
	s5 =	sadd.s32 s3, s29;
	s30 =	spop (v2sf)  }
0xa8: {  	(v2sf) =	vpush v2, $0xC;
	s8 =	rddreg [dreg:$0x15];
	s6 =	sand.u32 $0x1FFFFFF0, s30;
	s7 =	spop (v2sf)  }
0xa9: {  	[tilespmem:s31], [sflag:$0x2] =	stream.linear.gather [hbm4b:s28+s1], $0x80, $0x38;
	[tilespmem:$0x10600] =	vst v63  }
0xaa: {  	(v2sf) =	vpush v1, $0xC;
	s9 =	sadd.s32 s4, s6;
	s11 =	sand.u32 $0x1FFFFFF0, s7;
	s14 =	spop (v2sf)  }
0xab: {  	[tilespmem:s8], [sflag:$0x1] =	stream.linear.gather [hbm4b:s5+s1], $0x80, $0x38;
	[tilespmem:$0x10600] =	vst v63  }
0xac: {  	s31 =	rddreg [dreg:$0xf];
	s18 =	sadd.s32 s3, s11;
	s19 =	sand.u32 $0x1FFFFFF0, s14  }
0xad: {  	[tilespmem:s15], [sflag:$0x2] =	stream.linear.gather [hbm4b:s9+s1], $0x80, $0x38;
	[tilespmem:$0x10600] =	vst v63  }
0xae: {  	s11 =	rddreg [dreg:$0xd];
	s20 =	spop (v2sf);
	s28 =	sadd.s32 s4, s19  }
0xaf: {  	[tilespmem:s26], [sflag:$0x1] =	stream.linear.gather [hbm4b:s18+s1], $0x80, $0x38;
	[tilespmem:$0x10600] =	vst v63  }
0xb0: {  	s19 =	rddreg [dreg:$0x7];
	s29 =	sand.u32 $0x1FFFFFF0, s20;
	s30 =	spop (v2sf)  }
0xb1: {  	[tilespmem:s31], [sflag:$0x2] =	stream.linear.gather [hbm4b:s28+s1], $0x80, $0x38;
	[tilespmem:$0x10600] =	vst v63  }
0xb2: {  	s7 =	sadd.s32 s3, s29;
	s8 =	sand.u32 $0x1FFFFFF0, s30;
	s9 =	spop (v2sf)  }
0xb3: {  	[tilespmem:s11], [sflag:$0x1] =	stream.linear.gather [hbm4b:s7+s1], $0x80, $0x38;
	[tilespmem:$0x10600] =	vst v63  }
0xb4: {  	s29 =	rddreg [dreg:$0x11];
	s14 =	sadd.s32 s4, s8;
	s18 =	spop (v2sf)  }
0xb5: {  	(v2sf) =	vpush v2, $0xD;
	[tilespmem:s19], [sflag:$0x2] =	stream.linear.gather [hbm4b:s14+s1], $0x80, $0x38;
	[tilespmem:$0x10600] =	vst v63  }
.Ltmp0:
0xb6: {  	(v2sf) =	vpush v1, $0xD;
	s15 =	sand.u32 $0x1FFFFFF0, s9;
	s26 =	sand.u32 $0x1FFFFFF0, s18;
	(pc) =	sbr.rel @p0 .LBB2_2-.Ltmp0, $4  }
0xb7: {  	(v2sf) =	vpush v2, $0xE;
	s20 =	sadd.s32 s3, s15;
	s28 =	spop (v2sf);
	s30 =	sadd.s32 s4, s26  }
0xb8: {  	(v2sf) =	vpush v1, $0xE;
	[tilespmem:s29], [sflag:$0x1] =	stream.linear.gather [hbm4b:s20+s1], $0x80, $0x38;
	[tilespmem:$0x10600] =	vst v63  }
0xb9: {  	(v2sf) =	vpush v2, $0xF;
	s31 =	rddreg [dreg:$0x9];
	s0 =	sand.u32 $0x1FFFFFF0, s28;
	s2 =	spop (v2sf)  }
0xba: {  	(v2sf) =	vpush v1, $0xF;
	[tilespmem:s31], [sflag:$0x2] =	stream.linear.gather [hbm4b:s30+s1], $0x80, $0x38;
	[tilespmem:$0x10600] =	vst v63  }
0xbb: {  	_ =	sdelay $0x3  }
0xbc: {  	s3 =	rddreg [dreg:$0x5]  }
0xbd: {  	s2 =	sand.u32 $0x1FFFFFF0, s2;
	s4 =	rddreg [dreg:$0x6];
	s0 =	sadd.s32 s3, s0  }
0xbe: {  	[tilespmem:s25], [sflag:$0x1] =	stream.linear.gather [hbm4b:s0+s1], $0x80, $0x38;
	[tilespmem:$0x10600] =	vst v63  }
0xbf: {  	s6 =	sadd.s32 s4, s2  }
0xc0: {  	[tilespmem:s12], [sflag:$0x2] =	stream.linear.gather [hbm4b:s6+s1], $0x80, $0x38;
	[tilespmem:$0x10600] =	vst v63  }
0xc1: {  	s5 =	spop (v2sf)  }
0xc2: {  	s7 =	sand.u32 $0x1FFFFFF0, s5;
	s8 =	spop (v2sf)  }
0xc3: {  	s9 =	sadd.s32 s3, s7;
	s11 =	sand.u32 $0x1FFFFFF0, s8;
	s12 =	spop (v2sf)  }
0xc4: {  	[tilespmem:s13], [sflag:$0x1] =	stream.linear.gather [hbm4b:s9+s1], $0x80, $0x38;
	[tilespmem:$0x10600] =	vst v63  }
0xc5: {  	s14 =	sadd.s32 s4, s11;
	s15 =	sand.u32 $0x1FFFFFF0, s12;
	s17 =	spop (v2sf)  }
0xc6: {  	[tilespmem:s10], [sflag:$0x2] =	stream.linear.gather [hbm4b:s14+s1], $0x80, $0x38;
	[tilespmem:$0x10600] =	vst v63  }
0xc7: {  	s18 =	sadd.s32 s3, s15;
	s19 =	sand.u32 $0x1FFFFFF0, s17  }
0xc8: {  	[tilespmem:s24], [sflag:$0x1] =	stream.linear.gather [hbm4b:s18+s1], $0x80, $0x38;
	[tilespmem:$0x10600] =	vst v63  }
0xc9: {  	s20 =	spop (v2sf);
	s21 =	sadd.s32 s4, s19  }
0xca: {  	[tilespmem:s23], [sflag:$0x2] =	stream.linear.gather [hbm4b:s21+s1], $0x80, $0x38;
	[tilespmem:$0x10600] =	vst v63  }
0xcb: {  	s25 =	simm.s32 $0x0;
	s22 =	sand.u32 $0x1FFFFFF0, s20;
	s23 =	spop (v2sf)  }
0xcc: {  	s2 =	sadd.s32 s3, s22;
	s24 =	sadd.s32 $0xB80, s16;
	s0 =	sand.u32 $0x1FFFFFF0, s23  }
0xcd: {  	[tilespmem:s24], [sflag:$0x1] =	stream.linear.gather [hbm4b:s2+s1], $0x80, $0x38;
	[tilespmem:$0x10600] =	vst v63  }
0xce: {  	s26 =	sadd.s32 $0x8B80, s16;
	s28 =	simm.s32 $0x1;
	v1 =	vmov s25;
	s0 =	sadd.s32 s4, s0  }
0xcf: {  	v1 =	vshll.u32 v1, $0x7;
	[tilespmem:s26], [sflag:$0x2] =	stream.linear.gather [hbm4b:s0+s1], $0x80, $0x38;
	[tilespmem:$0x10600] =	vst v63  }
0xd0: {  	v12 =	vor.u32 v0, v1;
	_ =	swait.ge [sflag:s28], $0x8000  }
0xd1: {  	v2 =	vor.u32 $0x1, v12;
	[sflag:s28] =	ssyncset.done $0x0  }
0xd2: {  	s29 =	simm.s32 $0x2;
	[sflag:s28] =	ssyncadd.s32 $0xFFFF8000  }
0xd3: {  	_ =	swait.ge [sflag:s29], $0x8000  }
0xd4: {  	[sflag:s29] =	ssyncset.done $0x0  }
0xd5: {  	v3 =	vor.u32 $0x2, v12;
	s5 =	simm.s32 $0x8400;
	[sflag:s29] =	ssyncadd.s32 $0xFFFF8000  }
0xd6: {  	s2 =	simm.s32 $0x400;
	v1 =	vld.idx.msk [tilespmem:v2+s5+$0x0], $0xffff  }
0xd7: {  	v5 =	vor.u32 $0x3, v12;
	v2 =	vld.idx.msk [tilespmem:v2+s2+$0x0], $0xffff  }
0xd8: {  	v8 =	vld.idx.msk [tilespmem:v12+s5+$0x0], $0xffff  }
0xd9: {  	v9 =	vor.u32 $0x4, v12;
	v11 =	vld.idx.msk [tilespmem:v12+s2+$0x0], $0xffff  }
0xda: {  	v4 =	vld.idx.msk [tilespmem:v3+s5+$0x0], $0xffff  }
0xdb: {  	v13 =	vor.u32 $0x5, v12;
	v6 =	vld.idx.msk [tilespmem:v3+s2+$0x0], $0xffff  }
0xdc: {  	v3 =	vld.idx.msk [tilespmem:v5+s5+$0x0], $0xffff  }
0xdd: {  	v14 =	vor.u32 $0x6, v12;
	v5 =	vld.idx.msk [tilespmem:v5+s2+$0x0], $0xffff  }
0xde: {  	v7 =	vld.idx.msk [tilespmem:v9+s5+$0x0], $0xffff;
	v15 =	vmul.f32 v2, v2;
	v16 =	vmul.f32 v1, v1  }
0xdf: {  	v19 =	vor.u32 $0x7, v12;
	v9 =	vld.idx.msk [tilespmem:v9+s2+$0x0], $0xffff;
	v17 =	vmul.f32 v11, v11;
	v18 =	vmul.f32 v8, v8  }
0xe0: {  	v10 =	vld.idx.msk [tilespmem:v13+s5+$0x0], $0xffff;
	v20 =	vmul.f32 v4, v4  }
0xe1: {  	v13 =	vld.idx.msk [tilespmem:v13+s2+$0x0], $0xffff;
	v29 =	vmul.f32 v6, v6;
	v15 =	vadd.f32 v15, v17;
	v16 =	vadd.f32 v16, v18  }
0xe2: {  	v30 =	vor.u32 $0x8, v12;
	v22 =	vld.idx.msk [tilespmem:v14+s5+$0x0], $0xffff;
	v21 =	vmul.f32 v3, v3  }
0xe3: {  	v14 =	vld.idx.msk [tilespmem:v14+s2+$0x0], $0xffff;
	v31 =	vmul.f32 v5, v5;
	v15 =	vadd.f32 v29, v15;
	v16 =	vadd.f32 v20, v16  }
0xe4: {  	v32 =	vor.u32 $0x9, v12;
	v24 =	vld.idx.msk [tilespmem:v19+s5+$0x0], $0xffff;
	v23 =	vmul.f32 v7, v7  }
0xe5: {  	v19 =	vld.idx.msk [tilespmem:v19+s2+$0x0], $0xffff;
	v33 =	vmul.f32 v9, v9;
	v15 =	vadd.f32 v31, v15;
	v16 =	vadd.f32 v21, v16  }
0xe6: {  	v34 =	vor.u32 $0xA, v12;
	v25 =	vmul.f32 v10, v10  }
0xe7: {  	v26 =	vld.idx.msk [tilespmem:v30+s5+$0x0], $0xffff;
	v35 =	vmul.f32 v13, v13;
	v15 =	vadd.f32 v33, v15;
	v16 =	vadd.f32 v23, v16  }
0xe8: {  	v36 =	vor.u32 $0xB, v12;
	v27 =	vmul.f32 v22, v22;
	v18 =	vld.idx.msk [tilespmem:v30+s2+$0x0], $0xffff  }
0xe9: {  	v28 =	vld.idx.msk [tilespmem:v32+s5+$0x0], $0xffff;
	v37 =	vmul.f32 v14, v14;
	v15 =	vadd.f32 v35, v15;
	v16 =	vadd.f32 v25, v16  }
0xea: {  	v38 =	vor.u32 $0xC, v12;
	v39 =	vmul.f32 v19, v19;
	v20 =	vld.idx.msk [tilespmem:v32+s2+$0x0], $0xffff  }
0xeb: {  	v30 =	vld.idx.msk [tilespmem:v34+s5+$0x0], $0xffff;
	v29 =	vmul.f32 v24, v24;
	v15 =	vadd.f32 v37, v15;
	v16 =	vadd.f32 v27, v16  }
0xec: {  	v40 =	vor.u32 $0xD, v12;
	v21 =	vld.idx.msk [tilespmem:v34+s2+$0x0], $0xffff;
	v31 =	vmul.f32 v26, v26  }
0xed: {  	v32 =	vld.idx.msk [tilespmem:v36+s5+$0x0], $0xffff;
	v41 =	vmul.f32 v18, v18;
	v15 =	vadd.f32 v39, v15;
	v16 =	vadd.f32 v29, v16  }
0xee: {  	v42 =	vor.u32 $0xE, v12;
	v23 =	vld.idx.msk [tilespmem:v36+s2+$0x0], $0xffff;
	v33 =	vmul.f32 v28, v28  }
0xef: {  	v34 =	vld.idx.msk [tilespmem:v38+s5+$0x0], $0xffff;
	v43 =	vmul.f32 v20, v20;
	v15 =	vadd.f32 v41, v15;
	v16 =	vadd.f32 v31, v16  }
0xf0: {  	v44 =	vor.u32 $0xF, v12;
	v25 =	vld.idx.msk [tilespmem:v38+s2+$0x0], $0xffff;
	v35 =	vmul.f32 v30, v30  }
0xf1: {  	v36 =	vld.idx.msk [tilespmem:v40+s5+$0x0], $0xffff;
	v45 =	vmul.f32 v21, v21;
	v15 =	vadd.f32 v43, v15;
	v16 =	vadd.f32 v33, v16  }
0xf2: {  	v46 =	vor.u32 $0x10, v12;
	v27 =	vld.idx.msk [tilespmem:v40+s2+$0x0], $0xffff;
	v37 =	vmul.f32 v32, v32  }
0xf3: {  	v38 =	vld.idx.msk [tilespmem:v42+s5+$0x0], $0xffff;
	v47 =	vmul.f32 v23, v23;
	v15 =	vadd.f32 v45, v15;
	v16 =	vadd.f32 v35, v16  }
0xf4: {  	v48 =	vor.u32 $0x11, v12;
	v29 =	vld.idx.msk [tilespmem:v42+s2+$0x0], $0xffff;
	v39 =	vmul.f32 v34, v34  }
0xf5: {  	v40 =	vld.idx.msk [tilespmem:v44+s5+$0x0], $0xffff;
	v49 =	vmul.f32 v25, v25;
	v15 =	vadd.f32 v47, v15;
	v16 =	vadd.f32 v37, v16  }
0xf6: {  	v50 =	vor.u32 $0x12, v12;
	v31 =	vld.idx.msk [tilespmem:v44+s2+$0x0], $0xffff;
	v41 =	vmul.f32 v36, v36  }
0xf7: {  	v42 =	vld.idx.msk [tilespmem:v46+s5+$0x0], $0xffff;
	v51 =	vmul.f32 v27, v27;
	v15 =	vadd.f32 v49, v15;
	v16 =	vadd.f32 v39, v16  }
0xf8: {  	v12 =	vor.u32 $0x13, v12;
	v52 =	vmul.f32 v38, v38;
	v33 =	vld.idx.msk [tilespmem:v46+s2+$0x0], $0xffff  }
0xf9: {  	v43 =	vld.idx.msk [tilespmem:v48+s5+$0x0], $0xffff;
	v53 =	vmul.f32 v29, v29;
	v15 =	vadd.f32 v51, v15;
	v16 =	vadd.f32 v41, v16  }
0xfa: {  	v54 =	vmul.f32 v40, v40;
	v35 =	vld.idx.msk [tilespmem:v48+s2+$0x0], $0xffff  }
0xfb: {  	v44 =	vld.idx.msk [tilespmem:v50+s5+$0x0], $0xffff;
	v55 =	vmul.f32 v31, v31;
	v15 =	vadd.f32 v53, v15;
	v16 =	vadd.f32 v52, v16  }
0xfc: {  	v56 =	vmul.f32 v42, v42;
	v37 =	vld.idx.msk [tilespmem:v50+s2+$0x0], $0xffff  }
0xfd: {  	v45 =	vld.idx.msk [tilespmem:v12+s5+$0x0], $0xffff;
	v57 =	vmul.f32 v33, v33;
	v15 =	vadd.f32 v55, v15;
	v16 =	vadd.f32 v54, v16  }
0xfe: {  	v12 =	vld.idx.msk [tilespmem:v12+s2+$0x0], $0xffff;
	v58 =	vmul.f32 v43, v43  }
0xff: {  	v59 =	vmul.f32 v35, v35;
	v15 =	vadd.f32 v57, v15;
	v16 =	vadd.f32 v56, v16  }
0x100: {  	v60 =	vmul.f32 v44, v44  }
0x101: {  	v61 =	vmul.f32 v37, v37;
	v15 =	vadd.f32 v59, v15;
	v16 =	vadd.f32 v58, v16  }
0x102: {  	v62 =	vmul.f32 v45, v45  }
0x103: {  	v63 =	vmul.f32 v12, v12;
	v15 =	vadd.f32 v61, v15;
	v16 =	vadd.f32 v60, v16;
	_ =	sdelay $0x1  }
0x104: {  	v8 =	vmul.f32 v8, v11;
	v15 =	vadd.f32 v63, v15;
	v16 =	vadd.f32 v62, v16;
	_ =	sdelay $0x1  }
0x105: {  	v1 =	vmul.f32 v1, v2;
	v8 =	vadd.f32 $0.0e+00, v8;
	v39 =	vmul.f32 v16, v15  }
0x106: {  	v4 =	vmul.f32 v4, v6  }
0x107: {  	v1 =	vadd.f32 v1, v8;
	v2 =	vshra.s32 v39, $0x1;
	v15 =	vmul.f32 $5.000000000e-01, v39  }
0x108: {  	v2 =	vsub.s32 $0x5F3759DF, v2  }
0x109: {  	v3 =	vmul.f32 v3, v5;
	v1 =	vadd.f32 v4, v1;
	v41 =	vmul.f32 v2, v15;
	_ =	sdelay $0x1  }
0x10a: {  	v1 =	vadd.f32 v3, v1;
	v3 =	vmul.f32 v7, v9;
	v4 =	vmul.f32 v2, v41;
	_ =	sdelay $0x1  }
0x10b: {  	v1 =	vadd.f32 v3, v1;
	v3 =	vmul.f32 v10, v13;
	v4 =	vsub.f32 $1.500000000e+00, v4;
	_ =	sdelay $0x1  }
0x10c: {  	v1 =	vadd.f32 v3, v1;
	v3 =	vmul.f32 v22, v14;
	v2 =	vmul.f32 v2, v4;
	_ =	sdelay $0x1  }
0x10d: {  	v1 =	vadd.f32 v3, v1;
	v3 =	vmul.f32 v24, v19;
	v4 =	vmul.f32 v2, v15;
	_ =	sdelay $0x1  }
0x10e: {  	v1 =	vadd.f32 v3, v1;
	v3 =	vmul.f32 v26, v18;
	v4 =	vmul.f32 v4, v2;
	_ =	sdelay $0x1  }
0x10f: {  	v1 =	vadd.f32 v3, v1;
	v3 =	vmul.f32 v28, v20;
	v4 =	vsub.f32 $1.500000000e+00, v4;
	_ =	sdelay $0x1  }
0x110: {  	v1 =	vadd.f32 v3, v1;
	v3 =	vmul.f32 v30, v21;
	v2 =	vmul.f32 v4, v2;
	_ =	sdelay $0x1  }
0x111: {  	v1 =	vadd.f32 v3, v1;
	v3 =	vmul.f32 v32, v23;
	v4 =	vmul.f32 v2, v15;
	_ =	sdelay $0x1  }
0x112: {  	v1 =	vadd.f32 v3, v1;
	v3 =	vmul.f32 v34, v25;
	v4 =	vmul.f32 v4, v2;
	_ =	sdelay $0x1  }
0x113: {  	v1 =	vadd.f32 v3, v1;
	v3 =	vmul.f32 v36, v27;
	v4 =	vsub.f32 $1.500000000e+00, v4;
	_ =	sdelay $0x1  }
0x114: {  	v1 =	vadd.f32 v3, v1;
	v3 =	vmul.f32 v38, v29;
	v2 =	vmul.f32 v4, v2;
	_ =	sdelay $0x1  }
0x115: {  	v1 =	vadd.f32 v3, v1;
	v3 =	vmul.f32 v40, v31;
	v2 =	vmul.f32 v2, v39;
	_ =	sdelay $0x1  }
0x116: {  	v1 =	vadd.f32 v3, v1;
	v3 =	vmul.f32 v42, v33;
	v2 =	vmax.f32 v2, $9.999999930e-09  }
0x117: {  	(erf) = vrcp.f32 v2  }
0x118: {  	v1 =	vadd.f32 v3, v1;
	v2 =	vmul.f32 v43, v35;
	_ =	sdelay $0x1  }
0x119: {  	v1 =	vadd.f32 v2, v1;
	v2 =	vmul.f32 v44, v37  }
0x11a: {  	s30 =	simm.s32 $0x10  }
0x11b: {  	v3 =	vmov s30;
	v1 =	vadd.f32 v2, v1;
	v2 =	vmul.f32 v45, v12  }
0x11c: {  	v3 =	vshll.u32 v3, $0x7  }
0x11d: {  	v4 =	vor.u32 v0, v3  }
0x11e: {  	v3 =	vor.u32 $0x1, v4;
	v1 =	vadd.f32 v2, v1  }
0x11f: {  	v2 =	vpop (erf)  }
0x120: {  	v1 =	vmul.f32 v2, v1  }
0x121: {  	s16 =	simm.s32 $0x10400  }
0x122: {  	v2 =	vor.u32 $0x2, v4;
	[tilespmem:s16+$0x0] =	vst v1  }
0x123: {  	v5 =	vld.idx.msk [tilespmem:v3+s5+$0x0], $0xffff  }
0x124: {  	v6 =	vld.idx.msk [tilespmem:v3+s2+$0x0], $0xffff;
	v3 =	vor.u32 $0x3, v4  }
0x125: {  	v8 =	vld.idx.msk [tilespmem:v4+s2+$0x0], $0xffff  }
0x126: {  	v44 =	vor.u32 $0x4, v4;
	v7 =	vld.idx.msk [tilespmem:v4+s5+$0x0], $0xffff  }
0x127: {  	v11 =	vld.idx.msk [tilespmem:v2+s2+$0x0], $0xffff  }
0x128: {  	v45 =	vor.u32 $0x5, v4;
	v10 =	vld.idx.msk [tilespmem:v2+s5+$0x0], $0xffff  }
0x129: {  	v1 =	vld.idx.msk [tilespmem:v3+s5+$0x0], $0xffff  }
0x12a: {  	v46 =	vor.u32 $0x6, v4;
	v2 =	vld.idx.msk [tilespmem:v3+s2+$0x0], $0xffff;
	v47 =	vmul.f32 v6, v6;
	v49 =	vmul.f32 v8, v8  }
0x12b: {  	v9 =	vld.idx.msk [tilespmem:v44+s2+$0x0], $0xffff;
	v48 =	vmul.f32 v5, v5;
	v50 =	vmul.f32 v7, v7  }
0x12c: {  	v51 =	vor.u32 $0x7, v4;
	v3 =	vld.idx.msk [tilespmem:v44+s5+$0x0], $0xffff;
	v14 =	vadd.f32 v47, v49;
	v53 =	vmul.f32 v11, v11  }
0x12d: {  	v20 =	vld.idx.msk [tilespmem:v45+s5+$0x0], $0xffff;
	v52 =	vmul.f32 v10, v10;
	v15 =	vadd.f32 v48, v50  }
0x12e: {  	v54 =	vor.u32 $0x8, v4;
	v12 =	vld.idx.msk [tilespmem:v45+s2+$0x0], $0xffff;
	v14 =	vadd.f32 v53, v14  }
0x12f: {  	v22 =	vld.idx.msk [tilespmem:v46+s5+$0x0], $0xffff;
	v15 =	vadd.f32 v52, v15;
	v55 =	vmul.f32 v1, v1;
	v56 =	vmul.f32 v2, v2  }
0x130: {  	v57 =	vor.u32 $0x9, v4;
	v13 =	vld.idx.msk [tilespmem:v46+s2+$0x0], $0xffff;
	v59 =	vmul.f32 v9, v9  }
0x131: {  	v24 =	vld.idx.msk [tilespmem:v51+s5+$0x0], $0xffff;
	v58 =	vmul.f32 v3, v3;
	v14 =	vadd.f32 v56, v14;
	v15 =	vadd.f32 v55, v15  }
0x132: {  	v60 =	vor.u32 $0xA, v4;
	v18 =	vld.idx.msk [tilespmem:v51+s2+$0x0], $0xffff;
	v61 =	vmul.f32 v20, v20  }
0x133: {  	v26 =	vld.idx.msk [tilespmem:v54+s5+$0x0], $0xffff;
	v62 =	vmul.f32 v12, v12;
	v14 =	vadd.f32 v59, v14;
	v15 =	vadd.f32 v58, v15  }
0x134: {  	v63 =	vor.u32 $0xB, v4;
	v17 =	vld.idx.msk [tilespmem:v54+s2+$0x0], $0xffff;
	v36 =	vmul.f32 v22, v22  }
0x135: {  	v28 =	vld.idx.msk [tilespmem:v57+s5+$0x0], $0xffff;
	v37 =	vmul.f32 v13, v13;
	v14 =	vadd.f32 v62, v14;
	v15 =	vadd.f32 v61, v15  }
0x136: {  	v38 =	vor.u32 $0xC, v4;
	v19 =	vld.idx.msk [tilespmem:v57+s2+$0x0], $0xffff;
	v39 =	vmul.f32 v24, v24  }
0x137: {  	v30 =	vld.idx.msk [tilespmem:v60+s5+$0x0], $0xffff;
	v40 =	vmul.f32 v18, v18;
	v14 =	vadd.f32 v37, v14;
	v15 =	vadd.f32 v36, v15  }
0x138: {  	v41 =	vor.u32 $0xD, v4;
	v21 =	vld.idx.msk [tilespmem:v60+s2+$0x0], $0xffff;
	v42 =	vmul.f32 v26, v26  }
0x139: {  	v32 =	vld.idx.msk [tilespmem:v63+s5+$0x0], $0xffff;
	v43 =	vmul.f32 v17, v17;
	v14 =	vadd.f32 v40, v14;
	v15 =	vadd.f32 v39, v15  }
0x13a: {  	v23 =	vld.idx.msk [tilespmem:v63+s2+$0x0], $0xffff;
	v44 =	vor.u32 $0xE, v4;
	v45 =	vmul.f32 v28, v28  }
0x13b: {  	v34 =	vld.idx.msk [tilespmem:v38+s5+$0x0], $0xffff;
	v46 =	vmul.f32 v19, v19;
	v14 =	vadd.f32 v43, v14;
	v15 =	vadd.f32 v42, v15  }
0x13c: {  	v25 =	vld.idx.msk [tilespmem:v38+s2+$0x0], $0xffff;
	v47 =	vor.u32 $0xF, v4;
	v48 =	vmul.f32 v30, v30  }
0x13d: {  	v27 =	vld.idx.msk [tilespmem:v41+s2+$0x0], $0xffff;
	v49 =	vmul.f32 v21, v21;
	v14 =	vadd.f32 v46, v14;
	v15 =	vadd.f32 v45, v15  }
0x13e: {  	v51 =	vmul.f32 v32, v32;
	v50 =	vor.u32 $0x10, v4;
	v36 =	vld.idx.msk [tilespmem:v41+s5+$0x0], $0xffff  }
0x13f: {  	v52 =	vmul.f32 v23, v23;
	v38 =	vld.idx.msk [tilespmem:v44+s5+$0x0], $0xffff;
	v14 =	vadd.f32 v49, v14;
	v15 =	vadd.f32 v48, v15  }
0x140: {  	v54 =	vmul.f32 v34, v34;
	v53 =	vor.u32 $0x11, v4;
	v29 =	vld.idx.msk [tilespmem:v44+s2+$0x0], $0xffff  }
0x141: {  	v55 =	vmul.f32 v25, v25;
	v31 =	vld.idx.msk [tilespmem:v47+s2+$0x0], $0xffff;
	v14 =	vadd.f32 v52, v14;
	v15 =	vadd.f32 v51, v15  }
0x142: {  	v56 =	vor.u32 $0x12, v4;
	v58 =	vmul.f32 v27, v27;
	v40 =	vld.idx.msk [tilespmem:v47+s5+$0x0], $0xffff  }
0x143: {  	v33 =	vld.idx.msk [tilespmem:v50+s2+$0x0], $0xffff;
	v57 =	vmul.f32 v36, v36;
	v14 =	vadd.f32 v55, v14;
	v15 =	vadd.f32 v54, v15  }
0x144: {  	v4 =	vor.u32 $0x13, v4;
	v59 =	vmul.f32 v38, v38;
	v42 =	vld.idx.msk [tilespmem:v50+s5+$0x0], $0xffff  }
0x145: {  	v35 =	vld.idx.msk [tilespmem:v53+s2+$0x0], $0xffff;
	v60 =	vmul.f32 v29, v29;
	v14 =	vadd.f32 v58, v14;
	v15 =	vadd.f32 v57, v15  }
0x146: {  	v62 =	vmul.f32 v31, v31;
	v43 =	vld.idx.msk [tilespmem:v53+s5+$0x0], $0xffff  }
0x147: {  	v44 =	vld.idx.msk [tilespmem:v56+s5+$0x0], $0xffff;
	v61 =	vmul.f32 v40, v40;
	v14 =	vadd.f32 v60, v14;
	v15 =	vadd.f32 v59, v15  }
0x148: {  	v37 =	vld.idx.msk [tilespmem:v56+s2+$0x0], $0xffff;
	v49 =	vmul.f32 v33, v33  }
0x149: {  	v48 =	vld.idx.msk [tilespmem:v4+s5+$0x0], $0xffff;
	v63 =	vmul.f32 v42, v42;
	v14 =	vadd.f32 v62, v14;
	v15 =	vadd.f32 v61, v15  }
0x14a: {  	v53 =	vmul.f32 v35, v35;
	v4 =	vld.idx.msk [tilespmem:v4+s2+$0x0], $0xffff  }
0x14b: {  	v50 =	vmul.f32 v43, v43;
	v51 =	vadd.f32 v49, v14;
	v52 =	vadd.f32 v63, v15  }
0x14c: {  	v7 =	vmul.f32 v7, v8;
	v54 =	vmul.f32 v44, v44  }
0x14d: {  	v57 =	vmul.f32 v37, v37;
	v55 =	vadd.f32 v53, v51;
	v56 =	vadd.f32 v50, v52  }
0x14e: {  	v5 =	vmul.f32 v5, v6;
	v7 =	vadd.f32 $0.0e+00, v7;
	v58 =	vmul.f32 v48, v48  }
0x14f: {  	v60 =	vmul.f32 v4, v4;
	v6 =	vadd.f32 v57, v55;
	v8 =	vadd.f32 v54, v56  }
0x150: {  	v5 =	vadd.f32 v5, v7;
	v1 =	vmul.f32 v1, v2  }
0x151: {  	v59 =	vmul.f32 v10, v11;
	v2 =	vadd.f32 v60, v6;
	v61 =	vadd.f32 v58, v8;
	_ =	sdelay $0x1  }
0x152: {  	v5 =	vadd.f32 v59, v5;
	v2 =	vmul.f32 v61, v2;
	_ =	sdelay $0x1  }
0x153: {  	v1 =	vadd.f32 v1, v5;
	v5 =	vshra.s32 v2, $0x1;
	v6 =	vmul.f32 $5.000000000e-01, v2  }
0x154: {  	v5 =	vsub.s32 $0x5F3759DF, v5  }
0x155: {  	v62 =	vmul.f32 v5, v6;
	_ =	sdelay $0x1  }
0x156: {  	v7 =	vmul.f32 v5, v62  }
0x157: {  	v3 =	vmul.f32 v3, v9  }
0x158: {  	v7 =	vsub.f32 $1.500000000e+00, v7  }
0x159: {  	v1 =	vadd.f32 v3, v1;
	v3 =	vmul.f32 v20, v12  }
0x15a: {  	v5 =	vmul.f32 v5, v7  }
0x15b: {  	v1 =	vadd.f32 v3, v1;
	v3 =	vmul.f32 v22, v13  }
0x15c: {  	v7 =	vmul.f32 v5, v6  }
0x15d: {  	v1 =	vadd.f32 v3, v1;
	v3 =	vmul.f32 v24, v18  }
0x15e: {  	v7 =	vmul.f32 v7, v5  }
0x15f: {  	v1 =	vadd.f32 v3, v1;
	v3 =	vmul.f32 v26, v17  }
0x160: {  	v7 =	vsub.f32 $1.500000000e+00, v7  }
0x161: {  	v1 =	vadd.f32 v3, v1;
	v3 =	vmul.f32 v28, v19  }
0x162: {  	v5 =	vmul.f32 v7, v5  }
0x163: {  	v1 =	vadd.f32 v3, v1;
	v3 =	vmul.f32 v30, v21  }
0x164: {  	v6 =	vmul.f32 v5, v6  }
0x165: {  	v1 =	vadd.f32 v3, v1;
	v3 =	vmul.f32 v32, v23  }
0x166: {  	v6 =	vmul.f32 v6, v5  }
0x167: {  	v1 =	vadd.f32 v3, v1;
	v3 =	vmul.f32 v34, v25  }
0x168: {  	v6 =	vsub.f32 $1.500000000e+00, v6  }
0x169: {  	v1 =	vadd.f32 v3, v1;
	v3 =	vmul.f32 v36, v27  }
0x16a: {  	v5 =	vmul.f32 v6, v5  }
0x16b: {  	v1 =	vadd.f32 v3, v1;
	v3 =	vmul.f32 v38, v29  }
0x16c: {  	v2 =	vmul.f32 v5, v2  }
0x16d: {  	v1 =	vadd.f32 v3, v1;
	v3 =	vmul.f32 v40, v31  }
0x16e: {  	v2 =	vmax.f32 v2, $9.999999930e-09  }
0x16f: {  	v1 =	vadd.f32 v3, v1;
	v3 =	vmul.f32 v42, v33;
	(erf) = vrcp.f32 v2;
	_ =	sdelay $0x1  }
0x170: {  	v1 =	vadd.f32 v3, v1;
	v3 =	vmul.f32 v43, v35;
	_ =	sdelay $0x1  }
0x171: {  	s31 =	simm.s32 $0x20;
	v1 =	vadd.f32 v3, v1;
	v3 =	vmul.f32 v44, v37  }
0x172: {  	v5 =	vmov s31  }
0x173: {  	v4 =	vmul.f32 v48, v4;
	v63 =	vadd.f32 v3, v1;
	v5 =	vshll.u32 v5, $0x7  }
0x174: {  	v1 =	vor.u32 v0, v5  }
0x175: {  	s17 =	simm.s32 $0x30;
	v3 =	vor.u32 $0x1, v1;
	v2 =	vadd.f32 v4, v63  }
.LBB2_4:
0x176: {  	p0 =	sne.s32 s17, $0xF0;
	v4 =	vpop (erf)  }
0x177: {  	v2 =	vmul.f32 v4, v2  }
0x178: {  	s16 =	sadd.s32 $0x10, s16  }
0x179: {  	v4 =	vor.u32 $0x2, v1;
	[tilespmem:s16+$0x0] =	vst v2  }
0x17a: {  	v2 =	vld.idx.msk [tilespmem:v3+s5+$0x0], $0xffff  }
0x17b: {  	v6 =	vor.u32 $0x3, v1;
	v3 =	vld.idx.msk [tilespmem:v3+s2+$0x0], $0xffff  }
0x17c: {  	v11 =	vld.idx.msk [tilespmem:v1+s5+$0x0], $0xffff  }
0x17d: {  	v9 =	vor.u32 $0x4, v1;
	v12 =	vld.idx.msk [tilespmem:v1+s2+$0x0], $0xffff  }
0x17e: {  	v5 =	vld.idx.msk [tilespmem:v4+s5+$0x0], $0xffff  }
0x17f: {  	v13 =	vor.u32 $0x5, v1;
	v8 =	vld.idx.msk [tilespmem:v4+s2+$0x0], $0xffff  }
0x180: {  	v4 =	vld.idx.msk [tilespmem:v6+s5+$0x0], $0xffff  }
0x181: {  	v15 =	vor.u32 $0x6, v1;
	v6 =	vld.idx.msk [tilespmem:v6+s2+$0x0], $0xffff  }
0x182: {  	v16 =	vmul.f32 v2, v2;
	v14 =	vmul.f32 v3, v3;
	v7 =	vld.idx.msk [tilespmem:v9+s5+$0x0], $0xffff  }
0x183: {  	v19 =	vor.u32 $0x7, v1;
	v18 =	vmul.f32 v11, v11;
	v17 =	vmul.f32 v12, v12;
	v10 =	vld.idx.msk [tilespmem:v9+s2+$0x0], $0xffff  }
0x184: {  	v21 =	vor.u32 $0x8, v1;
	v20 =	vmul.f32 v5, v5;
	v9 =	vld.idx.msk [tilespmem:v13+s5+$0x0], $0xffff  }
0x185: {  	v16 =	vadd.f32 v16, v18;
	v17 =	vadd.f32 v14, v17;
	v18 =	vmul.f32 v8, v8;
	v14 =	vld.idx.msk [tilespmem:v13+s2+$0x0], $0xffff  }
0x186: {  	v23 =	vor.u32 $0x9, v1;
	v22 =	vmul.f32 v4, v4;
	v13 =	vld.idx.msk [tilespmem:v15+s5+$0x0], $0xffff  }
0x187: {  	v17 =	vadd.f32 v18, v17;
	v18 =	vadd.f32 v20, v16;
	v20 =	vmul.f32 v6, v6;
	v16 =	vld.idx.msk [tilespmem:v15+s2+$0x0], $0xffff  }
0x188: {  	v25 =	vor.u32 $0xA, v1;
	v24 =	vmul.f32 v7, v7;
	v15 =	vld.idx.msk [tilespmem:v19+s5+$0x0], $0xffff  }
0x189: {  	v20 =	vadd.f32 v20, v17;
	v22 =	vadd.f32 v22, v18;
	v26 =	vmul.f32 v10, v10;
	v18 =	vld.idx.msk [tilespmem:v19+s2+$0x0], $0xffff  }
0x18a: {  	v28 =	vor.u32 $0xB, v1;
	v27 =	vmul.f32 v9, v9;
	v17 =	vld.idx.msk [tilespmem:v21+s5+$0x0], $0xffff  }
0x18b: {  	v26 =	vadd.f32 v26, v20;
	v22 =	vadd.f32 v24, v22;
	v24 =	vmul.f32 v14, v14;
	v20 =	vld.idx.msk [tilespmem:v21+s2+$0x0], $0xffff  }
0x18c: {  	v30 =	vor.u32 $0xC, v1;
	v29 =	vmul.f32 v13, v13;
	v19 =	vld.idx.msk [tilespmem:v23+s5+$0x0], $0xffff  }
0x18d: {  	v24 =	vadd.f32 v24, v26;
	v26 =	vadd.f32 v27, v22;
	v27 =	vmul.f32 v16, v16;
	v22 =	vld.idx.msk [tilespmem:v23+s2+$0x0], $0xffff  }
0x18e: {  	v32 =	vor.u32 $0xD, v1;
	v31 =	vmul.f32 v15, v15;
	v21 =	vld.idx.msk [tilespmem:v25+s5+$0x0], $0xffff  }
0x18f: {  	v27 =	vadd.f32 v27, v24;
	v26 =	vadd.f32 v29, v26;
	v29 =	vmul.f32 v18, v18;
	v24 =	vld.idx.msk [tilespmem:v25+s2+$0x0], $0xffff  }
0x190: {  	v34 =	vor.u32 $0xE, v1;
	v33 =	vmul.f32 v17, v17;
	v23 =	vld.idx.msk [tilespmem:v28+s5+$0x0], $0xffff  }
0x191: {  	v27 =	vadd.f32 v29, v27;
	v29 =	vadd.f32 v31, v26;
	v31 =	vmul.f32 v20, v20;
	v26 =	vld.idx.msk [tilespmem:v28+s2+$0x0], $0xffff  }
0x192: {  	v36 =	vor.u32 $0xF, v1;
	v35 =	vmul.f32 v19, v19;
	v25 =	vld.idx.msk [tilespmem:v30+s5+$0x0], $0xffff  }
0x193: {  	v31 =	vadd.f32 v31, v27;
	v29 =	vadd.f32 v33, v29;
	v33 =	vmul.f32 v22, v22;
	v28 =	vld.idx.msk [tilespmem:v30+s2+$0x0], $0xffff  }
0x194: {  	v38 =	vor.u32 $0x10, v1;
	v37 =	vmul.f32 v21, v21;
	v27 =	vld.idx.msk [tilespmem:v32+s5+$0x0], $0xffff  }
0x195: {  	v31 =	vadd.f32 v33, v31;
	v33 =	vadd.f32 v35, v29;
	v35 =	vmul.f32 v24, v24;
	v30 =	vld.idx.msk [tilespmem:v32+s2+$0x0], $0xffff  }
0x196: {  	v40 =	vor.u32 $0x11, v1;
	v39 =	vmul.f32 v23, v23;
	v29 =	vld.idx.msk [tilespmem:v34+s5+$0x0], $0xffff  }
0x197: {  	v35 =	vadd.f32 v35, v31;
	v33 =	vadd.f32 v37, v33;
	v37 =	vmul.f32 v26, v26;
	v32 =	vld.idx.msk [tilespmem:v34+s2+$0x0], $0xffff  }
0x198: {  	v42 =	vor.u32 $0x12, v1;
	v41 =	vmul.f32 v25, v25;
	v31 =	vld.idx.msk [tilespmem:v36+s5+$0x0], $0xffff  }
0x199: {  	v35 =	vadd.f32 v37, v35;
	v37 =	vadd.f32 v39, v33;
	v39 =	vmul.f32 v28, v28;
	v34 =	vld.idx.msk [tilespmem:v36+s2+$0x0], $0xffff  }
0x19a: {  	v43 =	vor.u32 $0x13, v1;
	v36 =	vmul.f32 v27, v27;
	v33 =	vld.idx.msk [tilespmem:v38+s5+$0x0], $0xffff  }
0x19b: {  	v39 =	vadd.f32 v39, v35;
	v37 =	vadd.f32 v41, v37;
	v41 =	vmul.f32 v30, v30;
	v35 =	vld.idx.msk [tilespmem:v38+s2+$0x0], $0xffff  }
0x19c: {  	v38 =	vmul.f32 v29, v29;
	v1 =	vld.idx.msk [tilespmem:v40+s5+$0x0], $0xffff  }
0x19d: {  	v39 =	vadd.f32 v41, v39;
	v36 =	vadd.f32 v36, v37;
	v37 =	vmul.f32 v32, v32;
	v40 =	vld.idx.msk [tilespmem:v40+s2+$0x0], $0xffff  }
0x19e: {  	v41 =	vmul.f32 v31, v31;
	v44 =	vld.idx.msk [tilespmem:v42+s5+$0x0], $0xffff  }
0x19f: {  	v37 =	vadd.f32 v37, v39;
	v36 =	vadd.f32 v38, v36;
	v38 =	vmul.f32 v34, v34;
	v39 =	vld.idx.msk [tilespmem:v42+s2+$0x0], $0xffff  }
0x1a0: {  	v42 =	vmul.f32 v33, v33;
	v45 =	vld.idx.msk [tilespmem:v43+s5+$0x0], $0xffff  }
0x1a1: {  	v37 =	vadd.f32 v38, v37;
	v36 =	vadd.f32 v41, v36;
	v38 =	vmul.f32 v35, v35;
	v41 =	vld.idx.msk [tilespmem:v43+s2+$0x0], $0xffff  }
0x1a2: {  	v43 =	vmul.f32 v1, v1  }
0x1a3: {  	v37 =	vadd.f32 v38, v37;
	v36 =	vadd.f32 v42, v36;
	v38 =	vmul.f32 v40, v40  }
0x1a4: {  	v42 =	vmul.f32 v44, v44  }
0x1a5: {  	v37 =	vadd.f32 v38, v37;
	v36 =	vadd.f32 v43, v36;
	v38 =	vmul.f32 v39, v39  }
0x1a6: {  	v43 =	vmul.f32 v45, v45  }
0x1a7: {  	v37 =	vadd.f32 v38, v37;
	v36 =	vadd.f32 v42, v36;
	v38 =	vmul.f32 v41, v41;
	_ =	sdelay $0x1  }
0x1a8: {  	v37 =	vadd.f32 v38, v37;
	v36 =	vadd.f32 v43, v36  }
0x1a9: {  	v11 =	vmul.f32 v11, v12  }
0x1aa: {  	v12 =	vmul.f32 v36, v37  }
0x1ab: {  	v2 =	vmul.f32 v2, v3;
	v11 =	vadd.f32 $0.0e+00, v11  }
0x1ac: {  	v3 =	vshra.s32 v12, $0x1;
	v36 =	vmul.f32 $5.000000000e-01, v12  }
0x1ad: {  	v5 =	vmul.f32 v5, v8;
	v2 =	vadd.f32 v2, v11;
	v3 =	vsub.s32 $0x5F3759DF, v3  }
0x1ae: {  	v8 =	vmul.f32 v3, v36  }
0x1af: {  	v4 =	vmul.f32 v4, v6;
	v2 =	vadd.f32 v5, v2  }
0x1b0: {  	v5 =	vmul.f32 v3, v8  }
0x1b1: {  	v2 =	vadd.f32 v4, v2;
	v4 =	vmul.f32 v7, v10  }
0x1b2: {  	v5 =	vsub.f32 $1.500000000e+00, v5  }
0x1b3: {  	v2 =	vadd.f32 v4, v2;
	v4 =	vmul.f32 v9, v14  }
0x1b4: {  	v3 =	vmul.f32 v3, v5  }
0x1b5: {  	v2 =	vadd.f32 v4, v2;
	v4 =	vmul.f32 v13, v16  }
0x1b6: {  	v5 =	vmul.f32 v3, v36  }
0x1b7: {  	v2 =	vadd.f32 v4, v2;
	v4 =	vmul.f32 v15, v18  }
0x1b8: {  	v5 =	vmul.f32 v5, v3  }
0x1b9: {  	v2 =	vadd.f32 v4, v2;
	v4 =	vmul.f32 v17, v20  }
0x1ba: {  	v5 =	vsub.f32 $1.500000000e+00, v5  }
0x1bb: {  	v2 =	vadd.f32 v4, v2;
	v4 =	vmul.f32 v19, v22  }
0x1bc: {  	v3 =	vmul.f32 v5, v3  }
0x1bd: {  	v2 =	vadd.f32 v4, v2;
	v4 =	vmul.f32 v21, v24  }
0x1be: {  	v5 =	vmul.f32 v3, v36  }
0x1bf: {  	v2 =	vadd.f32 v4, v2;
	v4 =	vmul.f32 v23, v26  }
0x1c0: {  	v5 =	vmul.f32 v5, v3  }
0x1c1: {  	v2 =	vadd.f32 v4, v2;
	v4 =	vmul.f32 v25, v28  }
0x1c2: {  	v5 =	vsub.f32 $1.500000000e+00, v5  }
0x1c3: {  	v2 =	vadd.f32 v4, v2;
	v4 =	vmul.f32 v27, v30  }
0x1c4: {  	v3 =	vmul.f32 v5, v3  }
0x1c5: {  	v2 =	vadd.f32 v4, v2;
	v4 =	vmul.f32 v29, v32  }
0x1c6: {  	v3 =	vmul.f32 v3, v12  }
0x1c7: {  	v2 =	vadd.f32 v4, v2;
	v4 =	vmul.f32 v31, v34  }
0x1c8: {  	v3 =	vmax.f32 v3, $9.999999930e-09  }
0x1c9: {  	v2 =	vadd.f32 v4, v2;
	v4 =	vmul.f32 v33, v35;
	(erf) = vrcp.f32 v3;
	_ =	sdelay $0x1  }
0x1ca: {  	v1 =	vmul.f32 v1, v40;
	v2 =	vadd.f32 v4, v2;
	_ =	sdelay $0x1  }
.Ltmp1:
0x1cb: {  	v1 =	vadd.f32 v1, v2;
	v2 =	vmul.f32 v44, v39;
	(pc) =	sbr.rel @p0 .LBB2_4-.Ltmp1, $4  }
0x1cc: {  	v3 =	vmov s17  }
0x1cd: {  	v4 =	vmul.f32 v45, v41;
	v2 =	vadd.f32 v2, v1;
	v3 =	vshll.u32 v3, $0x7  }
0x1ce: {  	v1 =	vor.u32 v0, v3  }
0x1cf: {  	v2 =	vadd.f32 v4, v2;
	s17 =	sadd.s32 $0x10, s17;
	v3 =	vor.u32 $0x1, v1  }
0x1d0: {  	v4 =	vpop (erf)  }
0x1d1: {  	v2 =	vmul.f32 v4, v2  }
0x1d2: {  	s16 =	sadd.s32 $0x10, s16  }
0x1d3: {  	v30 =	vor.u32 $0x2, v1;
	[tilespmem:s16+$0x0] =	vst v2  }
0x1d4: {  	v2 =	vld.idx.msk [tilespmem:v3+s5+$0x0], $0xffff  }
0x1d5: {  	v6 =	vor.u32 $0x3, v1;
	v3 =	vld.idx.msk [tilespmem:v3+s2+$0x0], $0xffff  }
0x1d6: {  	v9 =	vld.idx.msk [tilespmem:v1+s5+$0x0], $0xffff  }
0x1d7: {  	v10 =	vor.u32 $0x4, v1;
	v12 =	vld.idx.msk [tilespmem:v1+s2+$0x0], $0xffff  }
0x1d8: {  	v5 =	vld.idx.msk [tilespmem:v30+s5+$0x0], $0xffff  }
0x1d9: {  	v13 =	vor.u32 $0x5, v1;
	v7 =	vld.idx.msk [tilespmem:v30+s2+$0x0], $0xffff  }
0x1da: {  	v4 =	vld.idx.msk [tilespmem:v6+s5+$0x0], $0xffff  }
0x1db: {  	v14 =	vor.u32 $0x6, v1;
	v6 =	vld.idx.msk [tilespmem:v6+s2+$0x0], $0xffff;
	v15 =	vmul.f32 v3, v3;
	v16 =	vmul.f32 v2, v2  }
0x1dc: {  	v8 =	vld.idx.msk [tilespmem:v10+s5+$0x0], $0xffff;
	v17 =	vmul.f32 v12, v12;
	v18 =	vmul.f32 v9, v9  }
0x1dd: {  	v19 =	vor.u32 $0x7, v1;
	v10 =	vld.idx.msk [tilespmem:v10+s2+$0x0], $0xffff;
	v20 =	vmul.f32 v5, v5  }
0x1de: {  	v11 =	vld.idx.msk [tilespmem:v13+s5+$0x0], $0xffff;
	v31 =	vmul.f32 v7, v7;
	v15 =	vadd.f32 v15, v17;
	v16 =	vadd.f32 v16, v18  }
0x1df: {  	v32 =	vor.u32 $0x8, v1;
	v13 =	vld.idx.msk [tilespmem:v13+s2+$0x0], $0xffff;
	v21 =	vmul.f32 v4, v4  }
0x1e0: {  	v22 =	vld.idx.msk [tilespmem:v14+s5+$0x0], $0xffff;
	v33 =	vmul.f32 v6, v6;
	v15 =	vadd.f32 v31, v15;
	v16 =	vadd.f32 v20, v16  }
0x1e1: {  	v34 =	vor.u32 $0x9, v1;
	v14 =	vld.idx.msk [tilespmem:v14+s2+$0x0], $0xffff;
	v23 =	vmul.f32 v8, v8  }
0x1e2: {  	v24 =	vld.idx.msk [tilespmem:v19+s5+$0x0], $0xffff;
	v35 =	vmul.f32 v10, v10;
	v15 =	vadd.f32 v33, v15;
	v16 =	vadd.f32 v21, v16  }
0x1e3: {  	v36 =	vor.u32 $0xA, v1;
	v19 =	vld.idx.msk [tilespmem:v19+s2+$0x0], $0xffff;
	v25 =	vmul.f32 v11, v11  }
0x1e4: {  	v26 =	vld.idx.msk [tilespmem:v32+s5+$0x0], $0xffff;
	v37 =	vmul.f32 v13, v13;
	v15 =	vadd.f32 v35, v15;
	v16 =	vadd.f32 v23, v16  }
0x1e5: {  	v38 =	vor.u32 $0xB, v1;
	v27 =	vmul.f32 v22, v22;
	v18 =	vld.idx.msk [tilespmem:v32+s2+$0x0], $0xffff  }
0x1e6: {  	v28 =	vld.idx.msk [tilespmem:v34+s5+$0x0], $0xffff;
	v39 =	vmul.f32 v14, v14;
	v15 =	vadd.f32 v37, v15;
	v16 =	vadd.f32 v25, v16  }
0x1e7: {  	v40 =	vor.u32 $0xC, v1;
	v29 =	vmul.f32 v24, v24;
	v20 =	vld.idx.msk [tilespmem:v34+s2+$0x0], $0xffff  }
0x1e8: {  	v30 =	vld.idx.msk [tilespmem:v36+s5+$0x0], $0xffff;
	v41 =	vmul.f32 v19, v19;
	v15 =	vadd.f32 v39, v15;
	v16 =	vadd.f32 v27, v16  }
0x1e9: {  	v42 =	vor.u32 $0xD, v1;
	v31 =	vmul.f32 v26, v26;
	v21 =	vld.idx.msk [tilespmem:v36+s2+$0x0], $0xffff  }
0x1ea: {  	v32 =	vld.idx.msk [tilespmem:v38+s5+$0x0], $0xffff;
	v43 =	vmul.f32 v18, v18;
	v15 =	vadd.f32 v41, v15;
	v16 =	vadd.f32 v29, v16  }
0x1eb: {  	v44 =	vor.u32 $0xE, v1;
	v33 =	vmul.f32 v28, v28;
	v23 =	vld.idx.msk [tilespmem:v38+s2+$0x0], $0xffff  }
0x1ec: {  	v34 =	vld.idx.msk [tilespmem:v40+s5+$0x0], $0xffff;
	v45 =	vmul.f32 v20, v20;
	v15 =	vadd.f32 v43, v15;
	v16 =	vadd.f32 v31, v16  }
0x1ed: {  	v46 =	vor.u32 $0xF, v1;
	v35 =	vmul.f32 v30, v30;
	v25 =	vld.idx.msk [tilespmem:v40+s2+$0x0], $0xffff  }
0x1ee: {  	v36 =	vld.idx.msk [tilespmem:v42+s5+$0x0], $0xffff;
	v47 =	vmul.f32 v21, v21;
	v15 =	vadd.f32 v45, v15;
	v16 =	vadd.f32 v33, v16  }
0x1ef: {  	v48 =	vor.u32 $0x10, v1;
	v37 =	vmul.f32 v32, v32;
	v27 =	vld.idx.msk [tilespmem:v42+s2+$0x0], $0xffff  }
0x1f0: {  	v38 =	vld.idx.msk [tilespmem:v44+s5+$0x0], $0xffff;
	v49 =	vmul.f32 v23, v23;
	v15 =	vadd.f32 v47, v15;
	v16 =	vadd.f32 v35, v16  }
0x1f1: {  	v50 =	vor.u32 $0x11, v1;
	v39 =	vmul.f32 v34, v34;
	v29 =	vld.idx.msk [tilespmem:v44+s2+$0x0], $0xffff  }
0x1f2: {  	v40 =	vld.idx.msk [tilespmem:v46+s5+$0x0], $0xffff;
	v51 =	vmul.f32 v25, v25;
	v15 =	vadd.f32 v49, v15;
	v16 =	vadd.f32 v37, v16  }
0x1f3: {  	v52 =	vor.u32 $0x12, v1;
	v41 =	vmul.f32 v36, v36;
	v31 =	vld.idx.msk [tilespmem:v46+s2+$0x0], $0xffff  }
0x1f4: {  	v42 =	vld.idx.msk [tilespmem:v48+s5+$0x0], $0xffff;
	v53 =	vmul.f32 v27, v27;
	v15 =	vadd.f32 v51, v15;
	v16 =	vadd.f32 v39, v16  }
0x1f5: {  	v1 =	vor.u32 $0x13, v1;
	v54 =	vmul.f32 v38, v38;
	v33 =	vld.idx.msk [tilespmem:v48+s2+$0x0], $0xffff  }
0x1f6: {  	v43 =	vld.idx.msk [tilespmem:v50+s5+$0x0], $0xffff;
	v55 =	vmul.f32 v29, v29;
	v15 =	vadd.f32 v53, v15;
	v16 =	vadd.f32 v41, v16  }
0x1f7: {  	v56 =	vmul.f32 v40, v40;
	v35 =	vld.idx.msk [tilespmem:v50+s2+$0x0], $0xffff  }
0x1f8: {  	v44 =	vld.idx.msk [tilespmem:v52+s5+$0x0], $0xffff;
	v57 =	vmul.f32 v31, v31;
	v15 =	vadd.f32 v55, v15;
	v16 =	vadd.f32 v54, v16  }
0x1f9: {  	v58 =	vmul.f32 v42, v42;
	v37 =	vld.idx.msk [tilespmem:v52+s2+$0x0], $0xffff  }
0x1fa: {  	v45 =	vld.idx.msk [tilespmem:v1+s5+$0x0], $0xffff;
	v59 =	vmul.f32 v33, v33;
	v15 =	vadd.f32 v57, v15;
	v16 =	vadd.f32 v56, v16  }
0x1fb: {  	v1 =	vld.idx.msk [tilespmem:v1+s2+$0x0], $0xffff;
	v60 =	vmul.f32 v43, v43  }
0x1fc: {  	v61 =	vmul.f32 v35, v35;
	v15 =	vadd.f32 v59, v15;
	v16 =	vadd.f32 v58, v16  }
0x1fd: {  	v62 =	vmul.f32 v44, v44  }
0x1fe: {  	v63 =	vmul.f32 v37, v37;
	v15 =	vadd.f32 v61, v15;
	v16 =	vadd.f32 v60, v16  }
0x1ff: {  	v46 =	vmul.f32 v45, v45  }
0x200: {  	v47 =	vmul.f32 v1, v1;
	v15 =	vadd.f32 v63, v15;
	v16 =	vadd.f32 v62, v16;
	_ =	sdelay $0x1  }
0x201: {  	v9 =	vmul.f32 v9, v12;
	v15 =	vadd.f32 v47, v15;
	v16 =	vadd.f32 v46, v16;
	_ =	sdelay $0x1  }
0x202: {  	v2 =	vmul.f32 v2, v3;
	v9 =	vadd.f32 $0.0e+00, v9;
	v48 =	vmul.f32 v16, v15  }
0x203: {  	v5 =	vmul.f32 v5, v7  }
0x204: {  	v2 =	vadd.f32 v2, v9;
	v3 =	vshra.s32 v48, $0x1;
	v15 =	vmul.f32 $5.000000000e-01, v48  }
0x205: {  	v3 =	vsub.s32 $0x5F3759DF, v3  }
0x206: {  	v4 =	vmul.f32 v4, v6;
	v2 =	vadd.f32 v5, v2;
	v49 =	vmul.f32 v3, v15;
	_ =	sdelay $0x1  }
0x207: {  	v2 =	vadd.f32 v4, v2;
	v51 =	vmul.f32 v8, v10;
	v50 =	vmul.f32 v3, v49;
	_ =	sdelay $0x1  }
0x208: {  	v52 =	vmul.f32 v11, v13;
	v2 =	vadd.f32 v51, v2;
	v5 =	vsub.f32 $1.500000000e+00, v50;
	_ =	sdelay $0x1  }
0x209: {  	v53 =	vmul.f32 v22, v14;
	v2 =	vadd.f32 v52, v2;
	v3 =	vmul.f32 v3, v5;
	_ =	sdelay $0x1  }
0x20a: {  	v54 =	vmul.f32 v24, v19;
	v2 =	vadd.f32 v53, v2;
	v5 =	vmul.f32 v3, v15;
	_ =	sdelay $0x1  }
0x20b: {  	v55 =	vmul.f32 v26, v18;
	v2 =	vadd.f32 v54, v2;
	v5 =	vmul.f32 v5, v3;
	_ =	sdelay $0x1  }
0x20c: {  	v56 =	vmul.f32 v28, v20;
	v2 =	vadd.f32 v55, v2;
	v5 =	vsub.f32 $1.500000000e+00, v5;
	_ =	sdelay $0x1  }
0x20d: {  	v57 =	vmul.f32 v30, v21;
	v2 =	vadd.f32 v56, v2;
	v3 =	vmul.f32 v5, v3;
	_ =	sdelay $0x1  }
0x20e: {  	v58 =	vmul.f32 v32, v23;
	v2 =	vadd.f32 v57, v2;
	v5 =	vmul.f32 v3, v15;
	_ =	sdelay $0x1  }
0x20f: {  	v59 =	vmul.f32 v34, v25;
	v2 =	vadd.f32 v58, v2;
	v5 =	vmul.f32 v5, v3;
	_ =	sdelay $0x1  }
0x210: {  	v60 =	vmul.f32 v36, v27;
	v2 =	vadd.f32 v59, v2;
	v5 =	vsub.f32 $1.500000000e+00, v5;
	_ =	sdelay $0x1  }
0x211: {  	v61 =	vmul.f32 v38, v29;
	v2 =	vadd.f32 v60, v2;
	v3 =	vmul.f32 v5, v3;
	_ =	sdelay $0x1  }
0x212: {  	v62 =	vmul.f32 v40, v31;
	v2 =	vadd.f32 v61, v2;
	v3 =	vmul.f32 v3, v48;
	_ =	sdelay $0x1  }
0x213: {  	v63 =	vmul.f32 v42, v33;
	v2 =	vadd.f32 v62, v2;
	v3 =	vmax.f32 v3, $9.999999930e-09  }
0x214: {  	(erf) = vrcp.f32 v3  }
0x215: {  	v2 =	vadd.f32 v63, v2;
	v3 =	vmul.f32 v43, v35;
	_ =	sdelay $0x1  }
0x216: {  	v2 =	vadd.f32 v3, v2;
	v3 =	vmul.f32 v44, v37;
	_ =	sdelay $0x1  }
0x217: {  	v2 =	vadd.f32 v3, v2  }
0x218: {  	v1 =	vmul.f32 v45, v1;
	_ =	sdelay $0x1  }
0x219: {  	v1 =	vadd.f32 v1, v2  }
0x21a: {  	v2 =	vpop (erf)  }
0x21b: {  	v1 =	vmul.f32 v2, v1  }
0x21c: {  	s0 =	sadd.s32 $0x10, s16  }
0x21d: {  	s24 =	simm.s32 $0x100;
	[tilespmem:s0+$0x0] =	vst v1  }
0x21e: {  	s25 =	simm.s32 $0x300;
	v1 =	vld [tilespmem:s24+$0x0]  }
0x21f: {  	v3 =	vld [tilespmem:s25+$0x0];
	_ =	sdelay $0x3  }
0x220: {  	v2 =	vshll.u32 v1, $0x4  }
0x221: {  	v1 =	vshll.u32 v3, $0x4;
	(v2sf) =	vpush v2, $0x0  }
0x222: {  	(v2sf) =	vpush v1, $0x0  }
0x223: {  	(v2sf) =	vpush v2, $0x1;
	_ =	sdelay $0x1  }
0x224: {  	(v2sf) =	vpush v1, $0x1;
	_ =	sdelay $0x3  }
0x225: {  	(v2sf) =	vpush v2, $0x2;
	_ =	sdelay $0x1  }
0x226: {  	(v2sf) =	vpush v1, $0x2  }
0x227: {  	s17 =	simm.s32 $0x0;
	s6 =	simm.s32 $0x8400;
	s7 =	simm.s32 $0x400;
	(v2sf) =	vpush v2, $0x3  }
0x228: {  	s9 =	simm.s32 $0x600;
	s10 =	simm.s32 $0x580;
	s3 =	rddreg [dreg:$0x5]  }
0x229: {  	s4 =	rddreg [dreg:$0x6];
	s29 =	simm.s32 $0x480;
	s13 =	simm.s32 $0x500  }
0x22a: {  	s18 =	simm.s32 $0x8500;
	s23 =	simm.s32 $0x8600;
	s16 =	simm.s32 $0x2000  }
0x22b: {  	s5 =	simm.s32 $0x680;
	s2 =	simm.s32 $0x880;
	s8 =	spop (v2sf);
	(v2sf) =	vpush v1, $0x3  }
0x22c: {  	s0 =	simm.s32 $0x8900;
	s8 =	sand.u32 $0x1FFFFFF0, s8;
	s11 =	spop (v2sf)  }
0x22d: {  	(v2sf) =	vpush v2, $0x4;
	s8 =	sadd.s32 s3, s8;
	s26 =	sand.u32 $0x1FFFFFF0, s11;
	s28 =	spop (v2sf)  }
0x22e: {  	(v2sf) =	vpush v1, $0x4;
	[tilespmem:s7], [sflag:$0x1] =	stream.linear.gather [hbm4b:s8+s1], $0x80, $0x38;
	[tilespmem:$0x10600] =	vst v63  }
0x22f: {  	s8 =	sadd.s32 s4, s26;
	s11 =	sand.u32 $0x1FFFFFF0, s28;
	s12 =	spop (v2sf)  }
0x230: {  	(v2sf) =	vpush v2, $0x5;
	[tilespmem:s6], [sflag:$0x2] =	stream.linear.gather [hbm4b:s8+s1], $0x80, $0x38;
	[tilespmem:$0x10600] =	vst v63  }
0x231: {  	s7 =	simm.s32 $0x8580;
	s30 =	sadd.s32 s3, s11;
	s31 =	sand.u32 $0x1FFFFFF0, s12;
	(v2sf) =	vpush v1, $0x5  }
0x232: {  	[tilespmem:s29], [sflag:$0x1] =	stream.linear.gather [hbm4b:s30+s1], $0x80, $0x38;
	[tilespmem:$0x10600] =	vst v63  }
0x233: {  	s12 =	spop (v2sf);
	s8 =	simm.s32 $0x8480;
	s11 =	sadd.s32 s4, s31;
	(v2sf) =	vpush v2, $0x6  }
0x234: {  	[tilespmem:s8], [sflag:$0x2] =	stream.linear.gather [hbm4b:s11+s1], $0x80, $0x38;
	[tilespmem:$0x10600] =	vst v63  }
0x235: {  	s14 =	spop (v2sf);
	s31 =	simm.s32 $0x700;
	s8 =	sand.u32 $0x1FFFFFF0, s12  }
0x236: {  	s15 =	spop (v2sf);
	s11 =	sand.u32 $0x1FFFFFF0, s14;
	s8 =	sadd.s32 s3, s8  }
0x237: {  	(v2sf) =	vpush v1, $0x6;
	[tilespmem:s13], [sflag:$0x1] =	stream.linear.gather [hbm4b:s8+s1], $0x80, $0x38;
	[tilespmem:$0x10600] =	vst v63  }
0x238: {  	s20 =	sand.u32 $0x1FFFFFF0, s15;
	s29 =	simm.s32 $0x8680;
	s19 =	sadd.s32 s4, s11  }
0x239: {  	[tilespmem:s18], [sflag:$0x2] =	stream.linear.gather [hbm4b:s19+s1], $0x80, $0x38;
	[tilespmem:$0x10600] =	vst v63  }
0x23a: {  	s22 =	sadd.s32 s3, s20;
	s20 =	simm.s32 $0x8700;
	s21 =	spop (v2sf)  }
0x23b: {  	(v2sf) =	vpush v2, $0x7;
	[tilespmem:s10], [sflag:$0x1] =	stream.linear.gather [hbm4b:s22+s1], $0x80, $0x38;
	[tilespmem:$0x10600] =	vst v63  }
0x23c: {  	s12 =	simm.s32 $0x8A00;
	s6 =	sand.u32 $0x1FFFFFF0, s21;
	s24 =	spop (v2sf)  }
0x23d: {  	s13 =	simm.s32 $0xA80;
	(v2sf) =	vpush v1, $0x7;
	s6 =	sadd.s32 s4, s6;
	s25 =	spop (v2sf)  }
0x23e: {  	(v2sf) =	vpush v2, $0x8;
	[tilespmem:s7], [sflag:$0x2] =	stream.linear.gather [hbm4b:s6+s1], $0x80, $0x38;
	[tilespmem:$0x10600] =	vst v63  }
0x23f: {  	s10 =	sand.u32 $0x1FFFFFF0, s24;
	s28 =	sand.u32 $0x1FFFFFF0, s25;
	s30 =	spop (v2sf)  }
0x240: {  	s26 =	sadd.s32 s3, s10;
	(v2sf) =	vpush v1, $0x8;
	s7 =	sadd.s32 s4, s28;
	s10 =	spop (v2sf)  }
0x241: {  	(v2sf) =	vpush v2, $0x9;
	[tilespmem:s9], [sflag:$0x1] =	stream.linear.gather [hbm4b:s26+s1], $0x80, $0x38;
	[tilespmem:$0x10600] =	vst v63  }
0x242: {  	s9 =	sand.u32 $0x1FFFFFF0, s30;
	s11 =	spop (v2sf);
	s26 =	simm.s32 $0x8780  }
0x243: {  	(v2sf) =	vpush v1, $0x9;
	[tilespmem:s23], [sflag:$0x2] =	stream.linear.gather [hbm4b:s7+s1], $0x80, $0x38;
	[tilespmem:$0x10600] =	vst v63  }
0x244: {  	s8 =	sadd.s32 s3, s9;
	s9 =	sand.u32 $0x1FFFFFF0, s10;
	s15 =	sand.u32 $0x1FFFFFF0, s11;
	(v2sf) =	vpush v2, $0xA  }
0x245: {  	[tilespmem:s5], [sflag:$0x1] =	stream.linear.gather [hbm4b:s8+s1], $0x80, $0x38;
	[tilespmem:$0x10600] =	vst v63  }
0x246: {  	s10 =	simm.s32 $0x8A80;
	s18 =	spop (v2sf);
	s14 =	sadd.s32 s4, s9;
	(v2sf) =	vpush v1, $0xA  }
0x247: {  	[tilespmem:s29], [sflag:$0x2] =	stream.linear.gather [hbm4b:s14+s1], $0x80, $0x38;
	[tilespmem:$0x10600] =	vst v63  }
0x248: {  	s11 =	simm.s32 $0x8880;
	s19 =	sadd.s32 s3, s15;
	s6 =	sand.u32 $0x1FFFFFF0, s18  }
0x249: {  	[tilespmem:s31], [sflag:$0x1] =	stream.linear.gather [hbm4b:s19+s1], $0x80, $0x38;
	[tilespmem:$0x10600] =	vst v63  }
0x24a: {  	s23 =	simm.s32 $0x780;
	s6 =	sadd.s32 s4, s6;
	s21 =	spop (v2sf)  }
0x24b: {  	[tilespmem:s20], [sflag:$0x2] =	stream.linear.gather [hbm4b:s6+s1], $0x80, $0x38;
	[tilespmem:$0x10600] =	vst v63  }
0x24c: {  	s15 =	simm.s32 $0x900;
	(v2sf) =	vpush v2, $0xB;
	s8 =	sand.u32 $0x1FFFFFF0, s21;
	s22 =	spop (v2sf)  }
0x24d: {  	s5 =	simm.s32 $0x8980;
	s24 =	sadd.s32 s3, s8;
	s28 =	spop (v2sf)  }
0x24e: {  	(v2sf) =	vpush v1, $0xB;
	[tilespmem:s23], [sflag:$0x1] =	stream.linear.gather [hbm4b:s24+s1], $0x80, $0x38;
	[tilespmem:$0x10600] =	vst v63  }
0x24f: {  	s29 =	simm.s32 $0x800;
	s25 =	sand.u32 $0x1FFFFFF0, s22;
	s30 =	spop (v2sf)  }
0x250: {  	s8 =	sadd.s32 s4, s25;
	s7 =	sand.u32 $0x1FFFFFF0, s28;
	s31 =	spop (v2sf)  }
0x251: {  	(v2sf) =	vpush v2, $0xC;
	[tilespmem:s26], [sflag:$0x2] =	stream.linear.gather [hbm4b:s8+s1], $0x80, $0x38;
	[tilespmem:$0x10600] =	vst v63  }
0x252: {  	s7 =	sadd.s32 s3, s7;
	s8 =	sand.u32 $0x1FFFFFF0, s30;
	s14 =	spop (v2sf)  }
0x253: {  	(v2sf) =	vpush v1, $0xC;
	s9 =	sand.u32 $0x1FFFFFF0, s31;
	s26 =	simm.s32 $0x980;
	s18 =	spop (v2sf)  }
0x254: {  	[tilespmem:s29], [sflag:$0x1] =	stream.linear.gather [hbm4b:s7+s1], $0x80, $0x38;
	[tilespmem:$0x10600] =	vst v63  }
0x255: {  	s8 =	sadd.s32 s4, s8;
	s7 =	simm.s32 $0x8800;
	s19 =	spop (v2sf)  }
0x256: {  	[tilespmem:s7], [sflag:$0x2] =	stream.linear.gather [hbm4b:s8+s1], $0x80, $0x38;
	[tilespmem:$0x10600] =	vst v63  }
0x257: {  	s21 =	sand.u32 $0x1FFFFFF0, s19;
	s8 =	sadd.s32 s3, s9;
	s7 =	sand.u32 $0x1FFFFFF0, s14  }
0x258: {  	[tilespmem:s2], [sflag:$0x1] =	stream.linear.gather [hbm4b:s8+s1], $0x80, $0x38;
	[tilespmem:$0x10600] =	vst v63  }
0x259: {  	s23 =	sadd.s32 s4, s21;
	s7 =	sadd.s32 s4, s7;
	s8 =	sand.u32 $0x1FFFFFF0, s18  }
0x25a: {  	[tilespmem:s11], [sflag:$0x2] =	stream.linear.gather [hbm4b:s7+s1], $0x80, $0x38;
	[tilespmem:$0x10600] =	vst v63  }
0x25b: {  	s21 =	simm.s32 $0x110;
	s20 =	sadd.s32 s3, s8;
	s22 =	spop (v2sf)  }
0x25c: {  	[tilespmem:s15], [sflag:$0x1] =	stream.linear.gather [hbm4b:s20+s1], $0x80, $0x38;
	[tilespmem:$0x10600] =	vst v63  }
0x25d: {  	s24 =	sand.u32 $0x1FFFFFF0, s22;
	s25 =	spop (v2sf);
	s22 =	simm.s32 $0x310  }
0x25e: {  	(v2sf) =	vpush v2, $0xD;
	[tilespmem:s0], [sflag:$0x2] =	stream.linear.gather [hbm4b:s23+s1], $0x80, $0x38;
	[tilespmem:$0x10600] =	vst v63  }
0x25f: {  	(v2sf) =	vpush v1, $0xD;
	s28 =	sadd.s32 s3, s24;
	s29 =	sand.u32 $0x1FFFFFF0, s25;
	s25 =	simm.s32 $0xA00  }
0x260: {  	(v2sf) =	vpush v2, $0xE;
	s24 =	simm.s32 $0xB00;
	s30 =	sadd.s32 s4, s29;
	s31 =	spop (v2sf)  }
0x261: {  	(v2sf) =	vpush v1, $0xE;
	[tilespmem:s26], [sflag:$0x1] =	stream.linear.gather [hbm4b:s28+s1], $0x80, $0x38;
	[tilespmem:$0x10600] =	vst v63  }
0x262: {  	s4 =	simm.s32 $0x8B00;
	(v2sf) =	vpush v2, $0xF;
	s0 =	sand.u32 $0x1FFFFFF0, s31;
	s2 =	spop (v2sf)  }
0x263: {  	(v2sf) =	vpush v1, $0xF;
	[tilespmem:s5], [sflag:$0x2] =	stream.linear.gather [hbm4b:s30+s1], $0x80, $0x38;
	[tilespmem:$0x10600] =	vst v63  }
.LBB2_6:
0x264: {  	_ =	sdelay $0x3  }
0x265: {  	s23 =	rddreg [dreg:$0x5]  }
0x266: {  	s2 =	sand.u32 $0x1FFFFFF0, s2;
	s14 =	rddreg [dreg:$0x6];
	s0 =	sadd.s32 s23, s0  }
0x267: {  	[tilespmem:s25], [sflag:$0x1] =	stream.linear.gather [hbm4b:s0+s1], $0x80, $0x38;
	[tilespmem:$0x10600] =	vst v63  }
0x268: {  	s19 =	sadd.s32 s14, s2  }
0x269: {  	[tilespmem:s12], [sflag:$0x2] =	stream.linear.gather [hbm4b:s19+s1], $0x80, $0x38;
	[tilespmem:$0x10600] =	vst v63  }
0x26a: {  	s5 =	spop (v2sf)  }
0x26b: {  	s20 =	sand.u32 $0x1FFFFFF0, s5;
	s25 =	spop (v2sf)  }
0x26c: {  	s26 =	sadd.s32 s23, s20;
	s28 =	sand.u32 $0x1FFFFFF0, s25;
	s29 =	spop (v2sf)  }
0x26d: {  	[tilespmem:s13], [sflag:$0x1] =	stream.linear.gather [hbm4b:s26+s1], $0x80, $0x38;
	[tilespmem:$0x10600] =	vst v63  }
0x26e: {  	s30 =	sadd.s32 s14, s28;
	s31 =	sand.u32 $0x1FFFFFF0, s29;
	s3 =	spop (v2sf)  }
0x26f: {  	[tilespmem:s10], [sflag:$0x2] =	stream.linear.gather [hbm4b:s30+s1], $0x80, $0x38;
	[tilespmem:$0x10600] =	vst v63  }
0x270: {  	s6 =	sadd.s32 s23, s31;
	s7 =	sand.u32 $0x1FFFFFF0, s3;
	s8 =	spop (v2sf)  }
0x271: {  	[tilespmem:s24], [sflag:$0x1] =	stream.linear.gather [hbm4b:s6+s1], $0x80, $0x38;
	[tilespmem:$0x10600] =	vst v63  }
0x272: {  	s9 =	sadd.s32 s14, s7;
	s10 =	sand.u32 $0x1FFFFFF0, s8;
	s11 =	spop (v2sf)  }
0x273: {  	[tilespmem:s4], [sflag:$0x2] =	stream.linear.gather [hbm4b:s9+s1], $0x80, $0x38;
	[tilespmem:$0x10600] =	vst v63  }
0x274: {  	s12 =	sadd.s32 $0xB80, s17;
	s2 =	sadd.s32 s23, s10;
	s5 =	sand.u32 $0x1FFFFFF0, s11  }
0x275: {  	[tilespmem:s12], [sflag:$0x1] =	stream.linear.gather [hbm4b:s2+s1], $0x80, $0x38;
	[tilespmem:$0x10600] =	vst v63  }
0x276: {  	s13 =	sadd.s32 $0x8B80, s17;
	s15 =	sadd.s32 s14, s5  }
0x277: {  	[tilespmem:s13], [sflag:$0x2] =	stream.linear.gather [hbm4b:s15+s1], $0x80, $0x38;
	[tilespmem:$0x10600] =	vst v63  }
0x278: {  	v1 =	vld [tilespmem:s21+$0x0]  }
0x279: {  	v3 =	vld [tilespmem:s22+$0x0];
	_ =	sdelay $0x3  }
0x27a: {  	v2 =	vshll.u32 v1, $0x4  }
0x27b: {  	s17 =	smov.u32 s16;
	v1 =	vshll.u32 v3, $0x4;
	(v2sf) =	vpush v2, $0x0  }
0x27c: {  	p0 =	sne.s32 s16, $0x1E000;
	s17 =	sshra.s32 s17, $0x2;
	(v2sf) =	vpush v1, $0x0  }
0x27d: {  	s16 =	sadd.s32 $0x2000, s16;
	s28 =	sadd.s32 $0x8400, s17;
	s0 =	sadd.s32 $0x880, s17;
	(v2sf) =	vpush v2, $0x1  }
0x27e: {  	s30 =	sadd.s32 $0x400, s17;
	s18 =	sadd.s32 $0x8900, s17;
	s29 =	sadd.s32 $0x8480, s17  }
0x27f: {  	s3 =	sadd.s32 $0x700, s17;
	s19 =	sadd.s32 $0x8980, s17;
	s8 =	sadd.s32 $0x8700, s17;
	(v2sf) =	vpush v1, $0x1  }
0x280: {  	s20 =	sadd.s32 $0x8880, s17;
	s7 =	sadd.s32 $0x780, s17;
	[dreg:$0xc] =	wrdreg s0  }
0x281: {  	s25 =	sadd.s32 $0x8800, s17;
	s31 =	sadd.s32 $0x480, s17;
	[dreg:$0x8] =	wrdreg s18;
	(v2sf) =	vpush v2, $0x2  }
0x282: {  	s26 =	sadd.s32 $0x8780, s17;
	s18 =	sadd.s32 $0x500, s17;
	[dreg:$0xa] =	wrdreg s19  }
0x283: {  	s0 =	sadd.s32 $0x8500, s17;
	s11 =	sadd.s32 $0x8680, s17;
	[dreg:$0x10] =	wrdreg s20;
	(v2sf) =	vpush v1, $0x2  }
0x284: {  	s10 =	sadd.s32 $0x8A80, s17;
	[dreg:$0x14] =	wrdreg s25;
	s25 =	sadd.s32 $0xA00, s17  }
0x285: {  	[dreg:$0x18] =	wrdreg s26;
	s19 =	sadd.s32 $0x800, s17;
	s5 =	sadd.s32 $0x680, s17;
	(v2sf) =	vpush v2, $0x3  }
0x286: {  	s6 =	sadd.s32 $0x8A00, s17;
	s24 =	sadd.s32 $0x900, s17;
	[dreg:$0x16] =	wrdreg s19  }
0x287: {  	s19 =	sadd.s32 $0x980, s17;
	[dreg:$0xe] =	wrdreg s24;
	s24 =	sadd.s32 $0xB00, s17;
	(v2sf) =	vpush v1, $0x3  }
0x288: {  	[dreg:$0x12] =	wrdreg s19;
	s9 =	sadd.s32 $0x600, s17;
	s4 =	sadd.s32 $0x8B00, s17  }
0x289: {  	s12 =	sadd.s32 $0x8580, s17;
	s2 =	sadd.s32 $0xA80, s17;
	s13 =	sadd.s32 $0x580, s17;
	(v2sf) =	vpush v2, $0x4  }
0x28a: {  	s15 =	sadd.s32 $0x8600, s17;
	s21 =	sadd.s32 $0x10, s21;
	s26 =	spop (v2sf)  }
0x28b: {  	s22 =	sadd.s32 $0x10, s22;
	s26 =	sand.u32 $0x1FFFFFF0, s26;
	s20 =	spop (v2sf);
	(v2sf) =	vpush v1, $0x4  }
0x28c: {  	s26 =	sadd.s32 s23, s26;
	s19 =	sand.u32 $0x1FFFFFF0, s20;
	s20 =	spop (v2sf)  }
0x28d: {  	(v2sf) =	vpush v2, $0x5;
	[tilespmem:s30], [sflag:$0x1] =	stream.linear.gather [hbm4b:s26+s1], $0x80, $0x38;
	[tilespmem:$0x10600] =	vst v63  }
0x28e: {  	s19 =	sadd.s32 s14, s19;
	s20 =	sand.u32 $0x1FFFFFF0, s20;
	s30 =	spop (v2sf)  }
0x28f: {  	(v2sf) =	vpush v1, $0x5;
	[tilespmem:s28], [sflag:$0x2] =	stream.linear.gather [hbm4b:s19+s1], $0x80, $0x38;
	[tilespmem:$0x10600] =	vst v63  }
0x290: {  	s20 =	sadd.s32 s23, s20;
	s28 =	sand.u32 $0x1FFFFFF0, s30;
	s30 =	spop (v2sf)  }
0x291: {  	(v2sf) =	vpush v2, $0x6;
	[tilespmem:s31], [sflag:$0x1] =	stream.linear.gather [hbm4b:s20+s1], $0x80, $0x38;
	[tilespmem:$0x10600] =	vst v63  }
0x292: {  	s26 =	sand.u32 $0x1FFFFFF0, s30;
	s20 =	sadd.s32 s14, s28;
	s28 =	spop (v2sf)  }
0x293: {  	(v2sf) =	vpush v1, $0x6;
	[tilespmem:s29], [sflag:$0x2] =	stream.linear.gather [hbm4b:s20+s1], $0x80, $0x38;
	[tilespmem:$0x10600] =	vst v63  }
0x294: {  	s30 =	sand.u32 $0x1FFFFFF0, s28;
	s31 =	spop (v2sf);
	s29 =	sadd.s32 s23, s26  }
0x295: {  	(v2sf) =	vpush v2, $0x7;
	[tilespmem:s18], [sflag:$0x1] =	stream.linear.gather [hbm4b:s29+s1], $0x80, $0x38;
	[tilespmem:$0x10600] =	vst v63  }
0x296: {  	s20 =	sadd.s32 s14, s30;
	s26 =	sand.u32 $0x1FFFFFF0, s31;
	s28 =	spop (v2sf)  }
0x297: {  	[tilespmem:s0], [sflag:$0x2] =	stream.linear.gather [hbm4b:s20+s1], $0x80, $0x38;
	[tilespmem:$0x10600] =	vst v63  }
0x298: {  	(v2sf) =	vpush v1, $0x7;
	s30 =	sand.u32 $0x1FFFFFF0, s28;
	s31 =	spop (v2sf);
	s29 =	sadd.s32 s23, s26  }
0x299: {  	(v2sf) =	vpush v2, $0x8;
	[tilespmem:s13], [sflag:$0x1] =	stream.linear.gather [hbm4b:s29+s1], $0x80, $0x38;
	[tilespmem:$0x10600] =	vst v63  }
0x29a: {  	s26 =	sand.u32 $0x1FFFFFF0, s31;
	s20 =	sadd.s32 s14, s30;
	s28 =	spop (v2sf)  }
0x29b: {  	[tilespmem:s12], [sflag:$0x2] =	stream.linear.gather [hbm4b:s20+s1], $0x80, $0x38;
	[tilespmem:$0x10600] =	vst v63  }
0x29c: {  	s29 =	sadd.s32 s23, s26;
	s30 =	sand.u32 $0x1FFFFFF0, s28;
	s31 =	spop (v2sf)  }
0x29d: {  	(v2sf) =	vpush v1, $0x8;
	[tilespmem:s9], [sflag:$0x1] =	stream.linear.gather [hbm4b:s29+s1], $0x80, $0x38;
	[tilespmem:$0x10600] =	vst v63  }
0x29e: {  	(v2sf) =	vpush v2, $0x9;
	s18 =	sadd.s32 s14, s30;
	s19 =	sand.u32 $0x1FFFFFF0, s31;
	s20 =	spop (v2sf)  }
0x29f: {  	[tilespmem:s15], [sflag:$0x2] =	stream.linear.gather [hbm4b:s18+s1], $0x80, $0x38;
	[tilespmem:$0x10600] =	vst v63  }
0x2a0: {  	(v2sf) =	vpush v1, $0x9;
	s26 =	sadd.s32 s23, s19;
	s28 =	sand.u32 $0x1FFFFFF0, s20;
	s29 =	spop (v2sf)  }
0x2a1: {  	[tilespmem:s5], [sflag:$0x1] =	stream.linear.gather [hbm4b:s26+s1], $0x80, $0x38;
	[tilespmem:$0x10600] =	vst v63  }
0x2a2: {  	s13 =	smov.u32 s2;
	s30 =	sadd.s32 s14, s28;
	s2 =	spop (v2sf)  }
0x2a3: {  	[tilespmem:s11], [sflag:$0x2] =	stream.linear.gather [hbm4b:s30+s1], $0x80, $0x38;
	[tilespmem:$0x10600] =	vst v63  }
0x2a4: {  	s12 =	smov.u32 s6;
	(v2sf) =	vpush v2, $0xA;
	s31 =	sand.u32 $0x1FFFFFF0, s29;
	s11 =	spop (v2sf)  }
0x2a5: {  	s6 =	sadd.s32 s23, s31;
	s9 =	sand.u32 $0x1FFFFFF0, s2;
	s18 =	sand.u32 $0x1FFFFFF0, s11  }
0x2a6: {  	(v2sf) =	vpush v1, $0xA;
	[tilespmem:s3], [sflag:$0x1] =	stream.linear.gather [hbm4b:s6+s1], $0x80, $0x38;
	[tilespmem:$0x10600] =	vst v63  }
0x2a7: {  	s15 =	sadd.s32 s14, s9;
	s19 =	spop (v2sf);
	s20 =	sadd.s32 s23, s18  }
0x2a8: {  	(v2sf) =	vpush v2, $0xB;
	s26 =	sand.u32 $0x1FFFFFF0, s19;
	s28 =	spop (v2sf);
	s3 =	rddreg [dreg:$0x18]  }
0x2a9: {  	[tilespmem:s8], [sflag:$0x2] =	stream.linear.gather [hbm4b:s15+s1], $0x80, $0x38;
	[tilespmem:$0x10600] =	vst v63  }
0x2aa: {  	(v2sf) =	vpush v1, $0xB;
	s18 =	rddreg [dreg:$0x14];
	s29 =	sadd.s32 s14, s26;
	s30 =	sand.u32 $0x1FFFFFF0, s28  }
0x2ab: {  	[tilespmem:s7], [sflag:$0x1] =	stream.linear.gather [hbm4b:s20+s1], $0x80, $0x38;
	[tilespmem:$0x10600] =	vst v63  }
0x2ac: {  	s28 =	rddreg [dreg:$0xc];
	s5 =	sadd.s32 s23, s30;
	s31 =	spop (v2sf)  }
0x2ad: {  	(v2sf) =	vpush v2, $0xC;
	s8 =	rddreg [dreg:$0x16];
	s6 =	sand.u32 $0x1FFFFFF0, s31;
	s7 =	spop (v2sf)  }
0x2ae: {  	[tilespmem:s3], [sflag:$0x2] =	stream.linear.gather [hbm4b:s29+s1], $0x80, $0x38;
	[tilespmem:$0x10600] =	vst v63  }
0x2af: {  	(v2sf) =	vpush v1, $0xC;
	s9 =	sadd.s32 s14, s6;
	s11 =	sand.u32 $0x1FFFFFF0, s7;
	s15 =	spop (v2sf)  }
0x2b0: {  	[tilespmem:s8], [sflag:$0x1] =	stream.linear.gather [hbm4b:s5+s1], $0x80, $0x38;
	[tilespmem:$0x10600] =	vst v63  }
0x2b1: {  	s6 =	rddreg [dreg:$0x10];
	s19 =	sadd.s32 s23, s11;
	s20 =	sand.u32 $0x1FFFFFF0, s15  }
0x2b2: {  	[tilespmem:s18], [sflag:$0x2] =	stream.linear.gather [hbm4b:s9+s1], $0x80, $0x38;
	[tilespmem:$0x10600] =	vst v63  }
0x2b3: {  	s11 =	rddreg [dreg:$0xe];
	s26 =	spop (v2sf);
	s29 =	sadd.s32 s14, s20  }
0x2b4: {  	[tilespmem:s28], [sflag:$0x1] =	stream.linear.gather [hbm4b:s19+s1], $0x80, $0x38;
	[tilespmem:$0x10600] =	vst v63  }
0x2b5: {  	s20 =	rddreg [dreg:$0x8];
	s30 =	sand.u32 $0x1FFFFFF0, s26;
	s31 =	spop (v2sf)  }
0x2b6: {  	[tilespmem:s6], [sflag:$0x2] =	stream.linear.gather [hbm4b:s29+s1], $0x80, $0x38;
	[tilespmem:$0x10600] =	vst v63  }
0x2b7: {  	s7 =	sadd.s32 s23, s30;
	s8 =	sand.u32 $0x1FFFFFF0, s31;
	s9 =	spop (v2sf)  }
0x2b8: {  	[tilespmem:s11], [sflag:$0x1] =	stream.linear.gather [hbm4b:s7+s1], $0x80, $0x38;
	[tilespmem:$0x10600] =	vst v63  }
0x2b9: {  	s31 =	rddreg [dreg:$0xa];
	s15 =	sadd.s32 s14, s8;
	s19 =	spop (v2sf)  }
0x2ba: {  	(v2sf) =	vpush v2, $0xD;
	[tilespmem:s20], [sflag:$0x2] =	stream.linear.gather [hbm4b:s15+s1], $0x80, $0x38;
	[tilespmem:$0x10600] =	vst v63  }
.Ltmp2:
0x2bb: {  	(v2sf) =	vpush v1, $0xD;
	s18 =	sand.u32 $0x1FFFFFF0, s9;
	s29 =	rddreg [dreg:$0x12];
	(pc) =	sbr.rel @p0 .LBB2_6-.Ltmp2, $4  }
0x2bc: {  	(v2sf) =	vpush v2, $0xE;
	s23 =	sadd.s32 s23, s18;
	s26 =	sand.u32 $0x1FFFFFF0, s19;
	s28 =	spop (v2sf)  }
0x2bd: {  	(v2sf) =	vpush v1, $0xE;
	[tilespmem:s29], [sflag:$0x1] =	stream.linear.gather [hbm4b:s23+s1], $0x80, $0x38;
	[tilespmem:$0x10600] =	vst v63  }
0x2be: {  	(v2sf) =	vpush v2, $0xF;
	s30 =	sadd.s32 s14, s26;
	s0 =	sand.u32 $0x1FFFFFF0, s28;
	s2 =	spop (v2sf)  }
0x2bf: {  	(v2sf) =	vpush v1, $0xF;
	[tilespmem:s31], [sflag:$0x2] =	stream.linear.gather [hbm4b:s30+s1], $0x80, $0x38;
	[tilespmem:$0x10600] =	vst v63  }
0x2c0: {  	_ =	sdelay $0x3  }
0x2c1: {  	s3 =	rddreg [dreg:$0x5]  }
0x2c2: {  	s2 =	sand.u32 $0x1FFFFFF0, s2;
	s6 =	rddreg [dreg:$0x6];
	s0 =	sadd.s32 s3, s0  }
0x2c3: {  	[tilespmem:s25], [sflag:$0x1] =	stream.linear.gather [hbm4b:s0+s1], $0x80, $0x38;
	[tilespmem:$0x10600] =	vst v63  }
0x2c4: {  	s8 =	sadd.s32 s6, s2  }
0x2c5: {  	[tilespmem:s12], [sflag:$0x2] =	stream.linear.gather [hbm4b:s8+s1], $0x80, $0x38;
	[tilespmem:$0x10600] =	vst v63  }
0x2c6: {  	s5 =	spop (v2sf)  }
0x2c7: {  	s28 =	sadd.s32 $0xB80, s17;
	s9 =	sand.u32 $0x1FFFFFF0, s5;
	s11 =	spop (v2sf)  }
0x2c8: {  	s14 =	sadd.s32 s3, s9;
	s15 =	sand.u32 $0x1FFFFFF0, s11;
	s16 =	spop (v2sf)  }
0x2c9: {  	[tilespmem:s13], [sflag:$0x1] =	stream.linear.gather [hbm4b:s14+s1], $0x80, $0x38;
	[tilespmem:$0x10600] =	vst v63  }
0x2ca: {  	s18 =	sadd.s32 s6, s15;
	s19 =	sand.u32 $0x1FFFFFF0, s16;
	s20 =	spop (v2sf)  }
0x2cb: {  	[tilespmem:s10], [sflag:$0x2] =	stream.linear.gather [hbm4b:s18+s1], $0x80, $0x38;
	[tilespmem:$0x10600] =	vst v63  }
0x2cc: {  	s21 =	sadd.s32 s3, s19;
	s22 =	sand.u32 $0x1FFFFFF0, s20;
	s23 =	spop (v2sf)  }
0x2cd: {  	[tilespmem:s24], [sflag:$0x1] =	stream.linear.gather [hbm4b:s21+s1], $0x80, $0x38;
	[tilespmem:$0x10600] =	vst v63  }
0x2ce: {  	s25 =	sand.u32 $0x1FFFFFF0, s23;
	s26 =	spop (v2sf);
	s24 =	sadd.s32 s6, s22  }
0x2cf: {  	[tilespmem:s4], [sflag:$0x2] =	stream.linear.gather [hbm4b:s24+s1], $0x80, $0x38;
	[tilespmem:$0x10600] =	vst v63  }
0x2d0: {  	s16 =	simm.s32 $0x0;
	s2 =	sadd.s32 s3, s25;
	s0 =	sand.u32 $0x1FFFFFF0, s26  }
0x2d1: {  	[tilespmem:s28], [sflag:$0x1] =	stream.linear.gather [hbm4b:s2+s1], $0x80, $0x38;
	[tilespmem:$0x10600] =	vst v63  }
0x2d2: {  	s29 =	sadd.s32 $0x8B80, s17;
	s30 =	simm.s32 $0x1;
	v1 =	vmov s16;
	s0 =	sadd.s32 s6, s0  }
0x2d3: {  	v1 =	vshll.u32 v1, $0x7;
	[tilespmem:s29], [sflag:$0x2] =	stream.linear.gather [hbm4b:s0+s1], $0x80, $0x38;
	[tilespmem:$0x10600] =	vst v63  }
0x2d4: {  	v4 =	vor.u32 v0, v1;
	_ =	swait.ge [sflag:s30], $0x8000  }
0x2d5: {  	v1 =	vor.u32 $0x1, v4;
	[sflag:s30] =	ssyncset.done $0x0  }
0x2d6: {  	s31 =	simm.s32 $0x2;
	[sflag:s30] =	ssyncadd.s32 $0xFFFF8000  }
0x2d7: {  	_ =	swait.ge [sflag:s31], $0x8000  }
0x2d8: {  	[sflag:s31] =	ssyncset.done $0x0  }
0x2d9: {  	s5 =	simm.s32 $0x8400;
	v2 =	vor.u32 $0x2, v4;
	[sflag:s31] =	ssyncadd.s32 $0xFFFF8000  }
0x2da: {  	s2 =	simm.s32 $0x400;
	v5 =	vld.idx.msk [tilespmem:v1+s5+$0x0], $0xffff  }
0x2db: {  	v3 =	vor.u32 $0x3, v4;
	v6 =	vld.idx.msk [tilespmem:v1+s2+$0x0], $0xffff  }
0x2dc: {  	v7 =	vld.idx.msk [tilespmem:v4+s5+$0x0], $0xffff  }
0x2dd: {  	v9 =	vor.u32 $0x4, v4;
	v8 =	vld.idx.msk [tilespmem:v4+s2+$0x0], $0xffff  }
0x2de: {  	v10 =	vld.idx.msk [tilespmem:v2+s5+$0x0], $0xffff  }
0x2df: {  	v12 =	vor.u32 $0x5, v4;
	v11 =	vld.idx.msk [tilespmem:v2+s2+$0x0], $0xffff  }
0x2e0: {  	v1 =	vld.idx.msk [tilespmem:v3+s5+$0x0], $0xffff  }
0x2e1: {  	v13 =	vor.u32 $0x6, v4;
	v2 =	vld.idx.msk [tilespmem:v3+s2+$0x0], $0xffff;
	v14 =	vmul.f32 v6, v6;
	v15 =	vmul.f32 v5, v5  }
0x2e2: {  	v3 =	vld.idx.msk [tilespmem:v9+s5+$0x0], $0xffff;
	v16 =	vmul.f32 v8, v8;
	v17 =	vmul.f32 v7, v7  }
0x2e3: {  	v18 =	vor.u32 $0x7, v4;
	v9 =	vld.idx.msk [tilespmem:v9+s2+$0x0], $0xffff;
	v19 =	vmul.f32 v10, v10  }
0x2e4: {  	v20 =	vld.idx.msk [tilespmem:v12+s5+$0x0], $0xffff;
	v37 =	vmul.f32 v11, v11;
	v14 =	vadd.f32 v14, v16;
	v15 =	vadd.f32 v15, v17  }
0x2e5: {  	v38 =	vor.u32 $0x8, v4;
	v12 =	vld.idx.msk [tilespmem:v12+s2+$0x0], $0xffff;
	v21 =	vmul.f32 v1, v1  }
0x2e6: {  	v22 =	vld.idx.msk [tilespmem:v13+s5+$0x0], $0xffff;
	v39 =	vmul.f32 v2, v2;
	v14 =	vadd.f32 v37, v14;
	v15 =	vadd.f32 v19, v15  }
0x2e7: {  	v40 =	vor.u32 $0x9, v4;
	v13 =	vld.idx.msk [tilespmem:v13+s2+$0x0], $0xffff;
	v23 =	vmul.f32 v3, v3  }
0x2e8: {  	v24 =	vld.idx.msk [tilespmem:v18+s5+$0x0], $0xffff;
	v41 =	vmul.f32 v9, v9;
	v14 =	vadd.f32 v39, v14;
	v15 =	vadd.f32 v21, v15  }
0x2e9: {  	v42 =	vor.u32 $0xA, v4;
	v18 =	vld.idx.msk [tilespmem:v18+s2+$0x0], $0xffff;
	v25 =	vmul.f32 v20, v20  }
0x2ea: {  	v26 =	vld.idx.msk [tilespmem:v38+s5+$0x0], $0xffff;
	v43 =	vmul.f32 v12, v12;
	v14 =	vadd.f32 v41, v14;
	v15 =	vadd.f32 v23, v15  }
0x2eb: {  	v44 =	vor.u32 $0xB, v4;
	v27 =	vmul.f32 v22, v22;
	v17 =	vld.idx.msk [tilespmem:v38+s2+$0x0], $0xffff  }
0x2ec: {  	v28 =	vld.idx.msk [tilespmem:v40+s5+$0x0], $0xffff;
	v45 =	vmul.f32 v13, v13;
	v14 =	vadd.f32 v43, v14;
	v15 =	vadd.f32 v25, v15  }
0x2ed: {  	v46 =	vor.u32 $0xC, v4;
	v29 =	vmul.f32 v24, v24;
	v19 =	vld.idx.msk [tilespmem:v40+s2+$0x0], $0xffff  }
0x2ee: {  	v30 =	vld.idx.msk [tilespmem:v42+s5+$0x0], $0xffff;
	v47 =	vmul.f32 v18, v18;
	v14 =	vadd.f32 v45, v14;
	v15 =	vadd.f32 v27, v15  }
0x2ef: {  	v48 =	vor.u32 $0xD, v4;
	v31 =	vmul.f32 v26, v26;
	v21 =	vld.idx.msk [tilespmem:v42+s2+$0x0], $0xffff  }
0x2f0: {  	v32 =	vld.idx.msk [tilespmem:v44+s5+$0x0], $0xffff;
	v49 =	vmul.f32 v17, v17;
	v14 =	vadd.f32 v47, v14;
	v15 =	vadd.f32 v29, v15  }
0x2f1: {  	v50 =	vor.u32 $0xE, v4;
	v33 =	vmul.f32 v28, v28;
	v23 =	vld.idx.msk [tilespmem:v44+s2+$0x0], $0xffff  }
0x2f2: {  	v34 =	vld.idx.msk [tilespmem:v46+s5+$0x0], $0xffff;
	v51 =	vmul.f32 v19, v19;
	v14 =	vadd.f32 v49, v14;
	v15 =	vadd.f32 v31, v15  }
0x2f3: {  	v52 =	vor.u32 $0xF, v4;
	v35 =	vmul.f32 v30, v30;
	v25 =	vld.idx.msk [tilespmem:v46+s2+$0x0], $0xffff  }
0x2f4: {  	v36 =	vld.idx.msk [tilespmem:v48+s5+$0x0], $0xffff;
	v53 =	vmul.f32 v21, v21;
	v14 =	vadd.f32 v51, v14;
	v15 =	vadd.f32 v33, v15  }
0x2f5: {  	v54 =	vor.u32 $0x10, v4;
	v37 =	vmul.f32 v32, v32;
	v27 =	vld.idx.msk [tilespmem:v48+s2+$0x0], $0xffff  }
0x2f6: {  	v38 =	vld.idx.msk [tilespmem:v50+s5+$0x0], $0xffff;
	v55 =	vmul.f32 v23, v23;
	v14 =	vadd.f32 v53, v14;
	v15 =	vadd.f32 v35, v15  }
0x2f7: {  	v56 =	vor.u32 $0x11, v4;
	v39 =	vmul.f32 v34, v34;
	v29 =	vld.idx.msk [tilespmem:v50+s2+$0x0], $0xffff  }
0x2f8: {  	v40 =	vld.idx.msk [tilespmem:v52+s5+$0x0], $0xffff;
	v57 =	vmul.f32 v25, v25;
	v14 =	vadd.f32 v55, v14;
	v15 =	vadd.f32 v37, v15  }
0x2f9: {  	v58 =	vor.u32 $0x12, v4;
	v41 =	vmul.f32 v36, v36;
	v31 =	vld.idx.msk [tilespmem:v52+s2+$0x0], $0xffff  }
0x2fa: {  	v42 =	vld.idx.msk [tilespmem:v54+s5+$0x0], $0xffff;
	v59 =	vmul.f32 v27, v27;
	v14 =	vadd.f32 v57, v14;
	v15 =	vadd.f32 v39, v15  }
0x2fb: {  	v4 =	vor.u32 $0x13, v4;
	v60 =	vmul.f32 v38, v38;
	v33 =	vld.idx.msk [tilespmem:v54+s2+$0x0], $0xffff  }
0x2fc: {  	v43 =	vld.idx.msk [tilespmem:v56+s5+$0x0], $0xffff;
	v61 =	vmul.f32 v29, v29;
	v14 =	vadd.f32 v59, v14;
	v15 =	vadd.f32 v41, v15  }
0x2fd: {  	v62 =	vmul.f32 v40, v40;
	v35 =	vld.idx.msk [tilespmem:v56+s2+$0x0], $0xffff  }
0x2fe: {  	v44 =	vld.idx.msk [tilespmem:v58+s5+$0x0], $0xffff;
	v63 =	vmul.f32 v31, v31;
	v14 =	vadd.f32 v61, v14;
	v15 =	vadd.f32 v60, v15  }
0x2ff: {  	v48 =	vmul.f32 v42, v42;
	v37 =	vld.idx.msk [tilespmem:v58+s2+$0x0], $0xffff  }
0x300: {  	v45 =	vld.idx.msk [tilespmem:v4+s5+$0x0], $0xffff;
	v49 =	vmul.f32 v33, v33;
	v14 =	vadd.f32 v63, v14;
	v15 =	vadd.f32 v62, v15  }
0x301: {  	v4 =	vld.idx.msk [tilespmem:v4+s2+$0x0], $0xffff;
	v50 =	vmul.f32 v43, v43  }
0x302: {  	v53 =	vmul.f32 v35, v35;
	v51 =	vadd.f32 v49, v14;
	v52 =	vadd.f32 v48, v15  }
0x303: {  	v7 =	vmul.f32 v7, v8;
	v54 =	vmul.f32 v44, v44  }
0x304: {  	v57 =	vmul.f32 v37, v37;
	v55 =	vadd.f32 v53, v51;
	v56 =	vadd.f32 v50, v52  }
0x305: {  	v5 =	vmul.f32 v5, v6;
	v7 =	vadd.f32 $0.0e+00, v7;
	v58 =	vmul.f32 v45, v45  }
0x306: {  	v60 =	vmul.f32 v4, v4;
	v6 =	vadd.f32 v57, v55;
	v8 =	vadd.f32 v54, v56  }
0x307: {  	v1 =	vmul.f32 v1, v2;
	v5 =	vadd.f32 v5, v7  }
0x308: {  	v59 =	vmul.f32 v10, v11;
	v2 =	vadd.f32 v60, v6;
	v61 =	vadd.f32 v58, v8;
	_ =	sdelay $0x1  }
0x309: {  	v5 =	vadd.f32 v59, v5;
	v2 =	vmul.f32 v61, v2;
	_ =	sdelay $0x1  }
0x30a: {  	v1 =	vadd.f32 v1, v5;
	v5 =	vshra.s32 v2, $0x1;
	v6 =	vmul.f32 $5.000000000e-01, v2  }
0x30b: {  	v5 =	vsub.s32 $0x5F3759DF, v5  }
0x30c: {  	v62 =	vmul.f32 v5, v6;
	_ =	sdelay $0x1  }
0x30d: {  	v7 =	vmul.f32 v5, v62  }
0x30e: {  	v3 =	vmul.f32 v3, v9  }
0x30f: {  	v7 =	vsub.f32 $1.500000000e+00, v7  }
0x310: {  	v1 =	vadd.f32 v3, v1;
	v3 =	vmul.f32 v20, v12  }
0x311: {  	v5 =	vmul.f32 v5, v7  }
0x312: {  	v1 =	vadd.f32 v3, v1;
	v3 =	vmul.f32 v22, v13  }
0x313: {  	v7 =	vmul.f32 v5, v6  }
0x314: {  	v1 =	vadd.f32 v3, v1;
	v3 =	vmul.f32 v24, v18  }
0x315: {  	v7 =	vmul.f32 v7, v5  }
0x316: {  	v1 =	vadd.f32 v3, v1;
	v3 =	vmul.f32 v26, v17  }
0x317: {  	v7 =	vsub.f32 $1.500000000e+00, v7  }
0x318: {  	v1 =	vadd.f32 v3, v1;
	v3 =	vmul.f32 v28, v19  }
0x319: {  	v5 =	vmul.f32 v7, v5  }
0x31a: {  	v1 =	vadd.f32 v3, v1;
	v3 =	vmul.f32 v30, v21  }
0x31b: {  	v6 =	vmul.f32 v5, v6  }
0x31c: {  	v1 =	vadd.f32 v3, v1;
	v3 =	vmul.f32 v32, v23  }
0x31d: {  	v6 =	vmul.f32 v6, v5  }
0x31e: {  	v1 =	vadd.f32 v3, v1;
	v3 =	vmul.f32 v34, v25  }
0x31f: {  	v6 =	vsub.f32 $1.500000000e+00, v6  }
0x320: {  	v1 =	vadd.f32 v3, v1;
	v3 =	vmul.f32 v36, v27  }
0x321: {  	v5 =	vmul.f32 v6, v5  }
0x322: {  	v1 =	vadd.f32 v3, v1;
	v3 =	vmul.f32 v38, v29  }
0x323: {  	v2 =	vmul.f32 v5, v2  }
0x324: {  	v1 =	vadd.f32 v3, v1;
	v3 =	vmul.f32 v40, v31  }
0x325: {  	v2 =	vmax.f32 v2, $9.999999930e-09  }
0x326: {  	v1 =	vadd.f32 v3, v1;
	v3 =	vmul.f32 v42, v33;
	(erf) = vrcp.f32 v2;
	_ =	sdelay $0x1  }
0x327: {  	v1 =	vadd.f32 v3, v1;
	v3 =	vmul.f32 v43, v35;
	_ =	sdelay $0x1  }
0x328: {  	s17 =	simm.s32 $0x10;
	v1 =	vadd.f32 v3, v1;
	v3 =	vmul.f32 v44, v37  }
0x329: {  	v5 =	vmov s17  }
0x32a: {  	v4 =	vmul.f32 v45, v4;
	v63 =	vadd.f32 v3, v1;
	v5 =	vshll.u32 v5, $0x7  }
0x32b: {  	v1 =	vor.u32 v0, v5  }
0x32c: {  	s18 =	simm.s32 $0x20;
	v3 =	vor.u32 $0x1, v1;
	v2 =	vadd.f32 v4, v63  }
.LBB2_8:
0x32d: {  	p0 =	sne.s32 s18, $0xF0;
	v4 =	vpop (erf)  }
0x32e: {  	v2 =	vmul.f32 v4, v2  }
0x32f: {  	s0 =	sand.u32 $0xF0, s16;
	s16 =	smov.u32 s17;
	s17 =	smov.u32 s18  }
0x330: {  	v4 =	vor.u32 $0x2, v1;
	[tilespmem:s0+$0x10500] =	vst v2  }
0x331: {  	v2 =	vld.idx.msk [tilespmem:v3+s5+$0x0], $0xffff  }
0x332: {  	v6 =	vor.u32 $0x3, v1;
	v3 =	vld.idx.msk [tilespmem:v3+s2+$0x0], $0xffff  }
0x333: {  	v11 =	vld.idx.msk [tilespmem:v1+s5+$0x0], $0xffff  }
0x334: {  	v9 =	vor.u32 $0x4, v1;
	v12 =	vld.idx.msk [tilespmem:v1+s2+$0x0], $0xffff  }
0x335: {  	v5 =	vld.idx.msk [tilespmem:v4+s5+$0x0], $0xffff  }
0x336: {  	v13 =	vor.u32 $0x5, v1;
	v8 =	vld.idx.msk [tilespmem:v4+s2+$0x0], $0xffff  }
0x337: {  	v4 =	vld.idx.msk [tilespmem:v6+s5+$0x0], $0xffff  }
0x338: {  	v15 =	vor.u32 $0x6, v1;
	v6 =	vld.idx.msk [tilespmem:v6+s2+$0x0], $0xffff  }
0x339: {  	v16 =	vmul.f32 v2, v2;
	v14 =	vmul.f32 v3, v3;
	v7 =	vld.idx.msk [tilespmem:v9+s5+$0x0], $0xffff  }
0x33a: {  	v19 =	vor.u32 $0x7, v1;
	v18 =	vmul.f32 v11, v11;
	v17 =	vmul.f32 v12, v12;
	v10 =	vld.idx.msk [tilespmem:v9+s2+$0x0], $0xffff  }
0x33b: {  	v21 =	vor.u32 $0x8, v1;
	v20 =	vmul.f32 v5, v5;
	v9 =	vld.idx.msk [tilespmem:v13+s5+$0x0], $0xffff  }
0x33c: {  	v16 =	vadd.f32 v16, v18;
	v17 =	vadd.f32 v14, v17;
	v18 =	vmul.f32 v8, v8;
	v14 =	vld.idx.msk [tilespmem:v13+s2+$0x0], $0xffff  }
0x33d: {  	v23 =	vor.u32 $0x9, v1;
	v22 =	vmul.f32 v4, v4;
	v13 =	vld.idx.msk [tilespmem:v15+s5+$0x0], $0xffff  }
0x33e: {  	v17 =	vadd.f32 v18, v17;
	v18 =	vadd.f32 v20, v16;
	v20 =	vmul.f32 v6, v6;
	v16 =	vld.idx.msk [tilespmem:v15+s2+$0x0], $0xffff  }
0x33f: {  	v25 =	vor.u32 $0xA, v1;
	v24 =	vmul.f32 v7, v7;
	v15 =	vld.idx.msk [tilespmem:v19+s5+$0x0], $0xffff  }
0x340: {  	v20 =	vadd.f32 v20, v17;
	v22 =	vadd.f32 v22, v18;
	v26 =	vmul.f32 v10, v10;
	v18 =	vld.idx.msk [tilespmem:v19+s2+$0x0], $0xffff  }
0x341: {  	v28 =	vor.u32 $0xB, v1;
	v27 =	vmul.f32 v9, v9;
	v17 =	vld.idx.msk [tilespmem:v21+s5+$0x0], $0xffff  }
0x342: {  	v26 =	vadd.f32 v26, v20;
	v22 =	vadd.f32 v24, v22;
	v24 =	vmul.f32 v14, v14;
	v20 =	vld.idx.msk [tilespmem:v21+s2+$0x0], $0xffff  }
0x343: {  	v30 =	vor.u32 $0xC, v1;
	v29 =	vmul.f32 v13, v13;
	v19 =	vld.idx.msk [tilespmem:v23+s5+$0x0], $0xffff  }
0x344: {  	v24 =	vadd.f32 v24, v26;
	v26 =	vadd.f32 v27, v22;
	v27 =	vmul.f32 v16, v16;
	v22 =	vld.idx.msk [tilespmem:v23+s2+$0x0], $0xffff  }
0x345: {  	v32 =	vor.u32 $0xD, v1;
	v31 =	vmul.f32 v15, v15;
	v21 =	vld.idx.msk [tilespmem:v25+s5+$0x0], $0xffff  }
0x346: {  	v27 =	vadd.f32 v27, v24;
	v26 =	vadd.f32 v29, v26;
	v29 =	vmul.f32 v18, v18;
	v24 =	vld.idx.msk [tilespmem:v25+s2+$0x0], $0xffff  }
0x347: {  	v34 =	vor.u32 $0xE, v1;
	v33 =	vmul.f32 v17, v17;
	v23 =	vld.idx.msk [tilespmem:v28+s5+$0x0], $0xffff  }
0x348: {  	v27 =	vadd.f32 v29, v27;
	v29 =	vadd.f32 v31, v26;
	v31 =	vmul.f32 v20, v20;
	v26 =	vld.idx.msk [tilespmem:v28+s2+$0x0], $0xffff  }
0x349: {  	v36 =	vor.u32 $0xF, v1;
	v35 =	vmul.f32 v19, v19;
	v25 =	vld.idx.msk [tilespmem:v30+s5+$0x0], $0xffff  }
0x34a: {  	v31 =	vadd.f32 v31, v27;
	v29 =	vadd.f32 v33, v29;
	v33 =	vmul.f32 v22, v22;
	v28 =	vld.idx.msk [tilespmem:v30+s2+$0x0], $0xffff  }
0x34b: {  	v38 =	vor.u32 $0x10, v1;
	v37 =	vmul.f32 v21, v21;
	v27 =	vld.idx.msk [tilespmem:v32+s5+$0x0], $0xffff  }
0x34c: {  	v31 =	vadd.f32 v33, v31;
	v33 =	vadd.f32 v35, v29;
	v35 =	vmul.f32 v24, v24;
	v30 =	vld.idx.msk [tilespmem:v32+s2+$0x0], $0xffff  }
0x34d: {  	v40 =	vor.u32 $0x11, v1;
	v39 =	vmul.f32 v23, v23;
	v29 =	vld.idx.msk [tilespmem:v34+s5+$0x0], $0xffff  }
0x34e: {  	v35 =	vadd.f32 v35, v31;
	v33 =	vadd.f32 v37, v33;
	v37 =	vmul.f32 v26, v26;
	v32 =	vld.idx.msk [tilespmem:v34+s2+$0x0], $0xffff  }
0x34f: {  	v42 =	vor.u32 $0x12, v1;
	v41 =	vmul.f32 v25, v25;
	v31 =	vld.idx.msk [tilespmem:v36+s5+$0x0], $0xffff  }
0x350: {  	v35 =	vadd.f32 v37, v35;
	v37 =	vadd.f32 v39, v33;
	v39 =	vmul.f32 v28, v28;
	v34 =	vld.idx.msk [tilespmem:v36+s2+$0x0], $0xffff  }
0x351: {  	v43 =	vor.u32 $0x13, v1;
	v36 =	vmul.f32 v27, v27;
	v33 =	vld.idx.msk [tilespmem:v38+s5+$0x0], $0xffff  }
0x352: {  	v39 =	vadd.f32 v39, v35;
	v37 =	vadd.f32 v41, v37;
	v41 =	vmul.f32 v30, v30;
	v35 =	vld.idx.msk [tilespmem:v38+s2+$0x0], $0xffff  }
0x353: {  	v38 =	vmul.f32 v29, v29;
	v1 =	vld.idx.msk [tilespmem:v40+s5+$0x0], $0xffff  }
0x354: {  	v39 =	vadd.f32 v41, v39;
	v36 =	vadd.f32 v36, v37;
	v37 =	vmul.f32 v32, v32;
	v40 =	vld.idx.msk [tilespmem:v40+s2+$0x0], $0xffff  }
0x355: {  	v41 =	vmul.f32 v31, v31;
	v44 =	vld.idx.msk [tilespmem:v42+s5+$0x0], $0xffff  }
0x356: {  	v37 =	vadd.f32 v37, v39;
	v36 =	vadd.f32 v38, v36;
	v38 =	vmul.f32 v34, v34;
	v39 =	vld.idx.msk [tilespmem:v42+s2+$0x0], $0xffff  }
0x357: {  	v42 =	vmul.f32 v33, v33;
	v45 =	vld.idx.msk [tilespmem:v43+s5+$0x0], $0xffff  }
0x358: {  	v37 =	vadd.f32 v38, v37;
	v36 =	vadd.f32 v41, v36;
	v38 =	vmul.f32 v35, v35;
	v41 =	vld.idx.msk [tilespmem:v43+s2+$0x0], $0xffff  }
0x359: {  	v43 =	vmul.f32 v1, v1  }
0x35a: {  	v37 =	vadd.f32 v38, v37;
	v36 =	vadd.f32 v42, v36;
	v38 =	vmul.f32 v40, v40  }
0x35b: {  	v42 =	vmul.f32 v44, v44  }
0x35c: {  	v37 =	vadd.f32 v38, v37;
	v36 =	vadd.f32 v43, v36;
	v38 =	vmul.f32 v39, v39  }
0x35d: {  	v43 =	vmul.f32 v45, v45  }
0x35e: {  	v37 =	vadd.f32 v38, v37;
	v36 =	vadd.f32 v42, v36;
	v38 =	vmul.f32 v41, v41;
	_ =	sdelay $0x1  }
0x35f: {  	v37 =	vadd.f32 v38, v37;
	v36 =	vadd.f32 v43, v36  }
0x360: {  	v11 =	vmul.f32 v11, v12  }
0x361: {  	v12 =	vmul.f32 v36, v37  }
0x362: {  	v2 =	vmul.f32 v2, v3;
	v11 =	vadd.f32 $0.0e+00, v11  }
0x363: {  	v3 =	vshra.s32 v12, $0x1;
	v36 =	vmul.f32 $5.000000000e-01, v12  }
0x364: {  	v5 =	vmul.f32 v5, v8;
	v2 =	vadd.f32 v2, v11;
	v3 =	vsub.s32 $0x5F3759DF, v3  }
0x365: {  	v8 =	vmul.f32 v3, v36  }
0x366: {  	v4 =	vmul.f32 v4, v6;
	v2 =	vadd.f32 v5, v2  }
0x367: {  	v5 =	vmul.f32 v3, v8  }
0x368: {  	v2 =	vadd.f32 v4, v2;
	v4 =	vmul.f32 v7, v10  }
0x369: {  	v5 =	vsub.f32 $1.500000000e+00, v5  }
0x36a: {  	v2 =	vadd.f32 v4, v2;
	v4 =	vmul.f32 v9, v14  }
0x36b: {  	v3 =	vmul.f32 v3, v5  }
0x36c: {  	v2 =	vadd.f32 v4, v2;
	v4 =	vmul.f32 v13, v16  }
0x36d: {  	v5 =	vmul.f32 v3, v36  }
0x36e: {  	v2 =	vadd.f32 v4, v2;
	v4 =	vmul.f32 v15, v18  }
0x36f: {  	v5 =	vmul.f32 v5, v3  }
0x370: {  	v2 =	vadd.f32 v4, v2;
	v4 =	vmul.f32 v17, v20  }
0x371: {  	v5 =	vsub.f32 $1.500000000e+00, v5  }
0x372: {  	v2 =	vadd.f32 v4, v2;
	v4 =	vmul.f32 v19, v22  }
0x373: {  	v3 =	vmul.f32 v5, v3  }
0x374: {  	v2 =	vadd.f32 v4, v2;
	v4 =	vmul.f32 v21, v24  }
0x375: {  	v5 =	vmul.f32 v3, v36  }
0x376: {  	v2 =	vadd.f32 v4, v2;
	v4 =	vmul.f32 v23, v26  }
0x377: {  	v5 =	vmul.f32 v5, v3  }
0x378: {  	v2 =	vadd.f32 v4, v2;
	v4 =	vmul.f32 v25, v28  }
0x379: {  	v5 =	vsub.f32 $1.500000000e+00, v5  }
0x37a: {  	v2 =	vadd.f32 v4, v2;
	v4 =	vmul.f32 v27, v30  }
0x37b: {  	v3 =	vmul.f32 v5, v3  }
0x37c: {  	v2 =	vadd.f32 v4, v2;
	v4 =	vmul.f32 v29, v32  }
0x37d: {  	v3 =	vmul.f32 v3, v12  }
0x37e: {  	v2 =	vadd.f32 v4, v2;
	v4 =	vmul.f32 v31, v34  }
0x37f: {  	v3 =	vmax.f32 v3, $9.999999930e-09  }
0x380: {  	v2 =	vadd.f32 v4, v2;
	v4 =	vmul.f32 v33, v35;
	(erf) = vrcp.f32 v3;
	_ =	sdelay $0x1  }
0x381: {  	v1 =	vmul.f32 v1, v40;
	v2 =	vadd.f32 v4, v2;
	_ =	sdelay $0x1  }
.Ltmp3:
0x382: {  	v1 =	vadd.f32 v1, v2;
	v2 =	vmul.f32 v44, v39;
	(pc) =	sbr.rel @p0 .LBB2_8-.Ltmp3, $4  }
0x383: {  	v3 =	vmov s18  }
0x384: {  	v4 =	vmul.f32 v45, v41;
	v2 =	vadd.f32 v2, v1;
	v3 =	vshll.u32 v3, $0x7  }
0x385: {  	v1 =	vor.u32 v0, v3  }
0x386: {  	v2 =	vadd.f32 v4, v2;
	s18 =	sadd.s32 $0x10, s18;
	v3 =	vor.u32 $0x1, v1  }
0x387: {  	v4 =	vpop (erf)  }
0x388: {  	v2 =	vmul.f32 v4, v2  }
0x389: {  	s0 =	sand.u32 $0xF0, s16  }
0x38a: {  	v30 =	vor.u32 $0x2, v1;
	[tilespmem:s0+$0x10500] =	vst v2  }
0x38b: {  	v2 =	vld.idx.msk [tilespmem:v3+s5+$0x0], $0xffff  }
0x38c: {  	v6 =	vor.u32 $0x3, v1;
	v3 =	vld.idx.msk [tilespmem:v3+s2+$0x0], $0xffff  }
0x38d: {  	v9 =	vld.idx.msk [tilespmem:v1+s5+$0x0], $0xffff  }
0x38e: {  	v10 =	vor.u32 $0x4, v1;
	v12 =	vld.idx.msk [tilespmem:v1+s2+$0x0], $0xffff  }
0x38f: {  	v5 =	vld.idx.msk [tilespmem:v30+s5+$0x0], $0xffff  }
0x390: {  	v13 =	vor.u32 $0x5, v1;
	v7 =	vld.idx.msk [tilespmem:v30+s2+$0x0], $0xffff  }
0x391: {  	v4 =	vld.idx.msk [tilespmem:v6+s5+$0x0], $0xffff  }
0x392: {  	v14 =	vor.u32 $0x6, v1;
	v6 =	vld.idx.msk [tilespmem:v6+s2+$0x0], $0xffff;
	v15 =	vmul.f32 v3, v3;
	v16 =	vmul.f32 v2, v2  }
0x393: {  	v8 =	vld.idx.msk [tilespmem:v10+s5+$0x0], $0xffff;
	v17 =	vmul.f32 v12, v12;
	v18 =	vmul.f32 v9, v9  }
0x394: {  	v19 =	vor.u32 $0x7, v1;
	v10 =	vld.idx.msk [tilespmem:v10+s2+$0x0], $0xffff;
	v20 =	vmul.f32 v5, v5  }
0x395: {  	v11 =	vld.idx.msk [tilespmem:v13+s5+$0x0], $0xffff;
	v31 =	vmul.f32 v7, v7;
	v15 =	vadd.f32 v15, v17;
	v16 =	vadd.f32 v16, v18  }
0x396: {  	v32 =	vor.u32 $0x8, v1;
	v13 =	vld.idx.msk [tilespmem:v13+s2+$0x0], $0xffff;
	v21 =	vmul.f32 v4, v4  }
0x397: {  	v22 =	vld.idx.msk [tilespmem:v14+s5+$0x0], $0xffff;
	v33 =	vmul.f32 v6, v6;
	v15 =	vadd.f32 v31, v15;
	v16 =	vadd.f32 v20, v16  }
0x398: {  	v34 =	vor.u32 $0x9, v1;
	v14 =	vld.idx.msk [tilespmem:v14+s2+$0x0], $0xffff;
	v23 =	vmul.f32 v8, v8  }
0x399: {  	v24 =	vld.idx.msk [tilespmem:v19+s5+$0x0], $0xffff;
	v35 =	vmul.f32 v10, v10;
	v15 =	vadd.f32 v33, v15;
	v16 =	vadd.f32 v21, v16  }
0x39a: {  	v36 =	vor.u32 $0xA, v1;
	v19 =	vld.idx.msk [tilespmem:v19+s2+$0x0], $0xffff;
	v25 =	vmul.f32 v11, v11  }
0x39b: {  	v26 =	vld.idx.msk [tilespmem:v32+s5+$0x0], $0xffff;
	v37 =	vmul.f32 v13, v13;
	v15 =	vadd.f32 v35, v15;
	v16 =	vadd.f32 v23, v16  }
0x39c: {  	v38 =	vor.u32 $0xB, v1;
	v27 =	vmul.f32 v22, v22;
	v18 =	vld.idx.msk [tilespmem:v32+s2+$0x0], $0xffff  }
0x39d: {  	v28 =	vld.idx.msk [tilespmem:v34+s5+$0x0], $0xffff;
	v39 =	vmul.f32 v14, v14;
	v15 =	vadd.f32 v37, v15;
	v16 =	vadd.f32 v25, v16  }
0x39e: {  	v40 =	vor.u32 $0xC, v1;
	v29 =	vmul.f32 v24, v24;
	v20 =	vld.idx.msk [tilespmem:v34+s2+$0x0], $0xffff  }
0x39f: {  	v30 =	vld.idx.msk [tilespmem:v36+s5+$0x0], $0xffff;
	v41 =	vmul.f32 v19, v19;
	v15 =	vadd.f32 v39, v15;
	v16 =	vadd.f32 v27, v16  }
0x3a0: {  	v42 =	vor.u32 $0xD, v1;
	v31 =	vmul.f32 v26, v26;
	v21 =	vld.idx.msk [tilespmem:v36+s2+$0x0], $0xffff  }
0x3a1: {  	v32 =	vld.idx.msk [tilespmem:v38+s5+$0x0], $0xffff;
	v43 =	vmul.f32 v18, v18;
	v15 =	vadd.f32 v41, v15;
	v16 =	vadd.f32 v29, v16  }
0x3a2: {  	v44 =	vor.u32 $0xE, v1;
	v33 =	vmul.f32 v28, v28;
	v23 =	vld.idx.msk [tilespmem:v38+s2+$0x0], $0xffff  }
0x3a3: {  	v34 =	vld.idx.msk [tilespmem:v40+s5+$0x0], $0xffff;
	v45 =	vmul.f32 v20, v20;
	v15 =	vadd.f32 v43, v15;
	v16 =	vadd.f32 v31, v16  }
0x3a4: {  	v46 =	vor.u32 $0xF, v1;
	v35 =	vmul.f32 v30, v30;
	v25 =	vld.idx.msk [tilespmem:v40+s2+$0x0], $0xffff  }
0x3a5: {  	v36 =	vld.idx.msk [tilespmem:v42+s5+$0x0], $0xffff;
	v47 =	vmul.f32 v21, v21;
	v15 =	vadd.f32 v45, v15;
	v16 =	vadd.f32 v33, v16  }
0x3a6: {  	v48 =	vor.u32 $0x10, v1;
	v37 =	vmul.f32 v32, v32;
	v27 =	vld.idx.msk [tilespmem:v42+s2+$0x0], $0xffff  }
0x3a7: {  	v38 =	vld.idx.msk [tilespmem:v44+s5+$0x0], $0xffff;
	v49 =	vmul.f32 v23, v23;
	v15 =	vadd.f32 v47, v15;
	v16 =	vadd.f32 v35, v16  }
0x3a8: {  	v50 =	vor.u32 $0x11, v1;
	v39 =	vmul.f32 v34, v34;
	v29 =	vld.idx.msk [tilespmem:v44+s2+$0x0], $0xffff  }
0x3a9: {  	v40 =	vld.idx.msk [tilespmem:v46+s5+$0x0], $0xffff;
	v51 =	vmul.f32 v25, v25;
	v15 =	vadd.f32 v49, v15;
	v16 =	vadd.f32 v37, v16  }
0x3aa: {  	v52 =	vor.u32 $0x12, v1;
	v41 =	vmul.f32 v36, v36;
	v31 =	vld.idx.msk [tilespmem:v46+s2+$0x0], $0xffff  }
0x3ab: {  	v42 =	vld.idx.msk [tilespmem:v48+s5+$0x0], $0xffff;
	v53 =	vmul.f32 v27, v27;
	v15 =	vadd.f32 v51, v15;
	v16 =	vadd.f32 v39, v16  }
0x3ac: {  	v1 =	vor.u32 $0x13, v1;
	v54 =	vmul.f32 v38, v38;
	v33 =	vld.idx.msk [tilespmem:v48+s2+$0x0], $0xffff  }
0x3ad: {  	v43 =	vld.idx.msk [tilespmem:v50+s5+$0x0], $0xffff;
	v55 =	vmul.f32 v29, v29;
	v15 =	vadd.f32 v53, v15;
	v16 =	vadd.f32 v41, v16  }
0x3ae: {  	v56 =	vmul.f32 v40, v40;
	v35 =	vld.idx.msk [tilespmem:v50+s2+$0x0], $0xffff  }
0x3af: {  	v44 =	vld.idx.msk [tilespmem:v52+s5+$0x0], $0xffff;
	v57 =	vmul.f32 v31, v31;
	v15 =	vadd.f32 v55, v15;
	v16 =	vadd.f32 v54, v16  }
0x3b0: {  	v58 =	vmul.f32 v42, v42;
	v37 =	vld.idx.msk [tilespmem:v52+s2+$0x0], $0xffff  }
0x3b1: {  	v45 =	vld.idx.msk [tilespmem:v1+s5+$0x0], $0xffff;
	v59 =	vmul.f32 v33, v33;
	v15 =	vadd.f32 v57, v15;
	v16 =	vadd.f32 v56, v16  }
0x3b2: {  	v1 =	vld.idx.msk [tilespmem:v1+s2+$0x0], $0xffff;
	v60 =	vmul.f32 v43, v43  }
0x3b3: {  	v61 =	vmul.f32 v35, v35;
	v15 =	vadd.f32 v59, v15;
	v16 =	vadd.f32 v58, v16  }
0x3b4: {  	v62 =	vmul.f32 v44, v44  }
0x3b5: {  	v63 =	vmul.f32 v37, v37;
	v15 =	vadd.f32 v61, v15;
	v16 =	vadd.f32 v60, v16  }
0x3b6: {  	v46 =	vmul.f32 v45, v45  }
0x3b7: {  	v47 =	vmul.f32 v1, v1;
	v15 =	vadd.f32 v63, v15;
	v16 =	vadd.f32 v62, v16;
	_ =	sdelay $0x1  }
0x3b8: {  	v9 =	vmul.f32 v9, v12;
	v15 =	vadd.f32 v47, v15;
	v16 =	vadd.f32 v46, v16;
	_ =	sdelay $0x1  }
0x3b9: {  	v2 =	vmul.f32 v2, v3;
	v9 =	vadd.f32 $0.0e+00, v9;
	v48 =	vmul.f32 v16, v15  }
0x3ba: {  	v5 =	vmul.f32 v5, v7  }
0x3bb: {  	v2 =	vadd.f32 v2, v9;
	v3 =	vshra.s32 v48, $0x1;
	v15 =	vmul.f32 $5.000000000e-01, v48  }
0x3bc: {  	v3 =	vsub.s32 $0x5F3759DF, v3  }
0x3bd: {  	v4 =	vmul.f32 v4, v6;
	v2 =	vadd.f32 v5, v2;
	v49 =	vmul.f32 v3, v15;
	_ =	sdelay $0x1  }
0x3be: {  	v2 =	vadd.f32 v4, v2;
	v51 =	vmul.f32 v8, v10;
	v50 =	vmul.f32 v3, v49;
	_ =	sdelay $0x1  }
0x3bf: {  	v52 =	vmul.f32 v11, v13;
	v2 =	vadd.f32 v51, v2;
	v5 =	vsub.f32 $1.500000000e+00, v50;
	_ =	sdelay $0x1  }
0x3c0: {  	v53 =	vmul.f32 v22, v14;
	v2 =	vadd.f32 v52, v2;
	v3 =	vmul.f32 v3, v5;
	_ =	sdelay $0x1  }
0x3c1: {  	v54 =	vmul.f32 v24, v19;
	v2 =	vadd.f32 v53, v2;
	v5 =	vmul.f32 v3, v15;
	_ =	sdelay $0x1  }
0x3c2: {  	v55 =	vmul.f32 v26, v18;
	v2 =	vadd.f32 v54, v2;
	v5 =	vmul.f32 v5, v3;
	_ =	sdelay $0x1  }
0x3c3: {  	v56 =	vmul.f32 v28, v20;
	v2 =	vadd.f32 v55, v2;
	v5 =	vsub.f32 $1.500000000e+00, v5;
	_ =	sdelay $0x1  }
0x3c4: {  	v57 =	vmul.f32 v30, v21;
	v2 =	vadd.f32 v56, v2;
	v3 =	vmul.f32 v5, v3;
	_ =	sdelay $0x1  }
0x3c5: {  	v58 =	vmul.f32 v32, v23;
	v2 =	vadd.f32 v57, v2;
	v5 =	vmul.f32 v3, v15;
	_ =	sdelay $0x1  }
0x3c6: {  	v59 =	vmul.f32 v34, v25;
	v2 =	vadd.f32 v58, v2;
	v5 =	vmul.f32 v5, v3;
	_ =	sdelay $0x1  }
0x3c7: {  	v60 =	vmul.f32 v36, v27;
	v2 =	vadd.f32 v59, v2;
	v5 =	vsub.f32 $1.500000000e+00, v5;
	_ =	sdelay $0x1  }
0x3c8: {  	v61 =	vmul.f32 v38, v29;
	v2 =	vadd.f32 v60, v2;
	v3 =	vmul.f32 v5, v3;
	_ =	sdelay $0x1  }
0x3c9: {  	v62 =	vmul.f32 v40, v31;
	v2 =	vadd.f32 v61, v2;
	v3 =	vmul.f32 v3, v48;
	_ =	sdelay $0x1  }
0x3ca: {  	v63 =	vmul.f32 v42, v33;
	v2 =	vadd.f32 v62, v2;
	v3 =	vmax.f32 v3, $9.999999930e-09  }
0x3cb: {  	(erf) = vrcp.f32 v3  }
0x3cc: {  	v2 =	vadd.f32 v63, v2;
	v3 =	vmul.f32 v43, v35;
	_ =	sdelay $0x1  }
0x3cd: {  	v2 =	vadd.f32 v3, v2;
	v3 =	vmul.f32 v44, v37;
	_ =	sdelay $0x1  }
0x3ce: {  	v2 =	vadd.f32 v3, v2  }
0x3cf: {  	v1 =	vmul.f32 v45, v1;
	_ =	sdelay $0x1  }
0x3d0: {  	v1 =	vadd.f32 v1, v2  }
0x3d1: {  	v2 =	vpop (erf)  }
0x3d2: {  	v1 =	vmul.f32 v2, v1  }
0x3d3: {  	s26 =	sand.u32 $0xF0, s17  }
0x3d4: {  	s28 =	rddreg [dreg:$0x1b];
	s29 =	simm.s32 $0x10400;
	s5 =	simm.s32 $0x3;
	[tilespmem:s26+$0x10500] =	vst v1  }
0x3d5: {  	[hbm4b:s28+s1] =	stream.linear.scatter [tilespmem:s29], [sflag:$0x3], $0x200, $0x38;
	[tilespmem:$0x10600] =	vst v63  }
0x3d6: {  	_ =	swait.ge [sflag:s5], $0x200  }
0x3d7: {  	s30 =	rddreg [dreg:$0x1d]  }
0x3d8: {  	s31 =	rddreg [dreg:$0x1c];
	s2 =	sadd.s32 $0x1, s30  }
0x3d9: {  	p0 =	sne.s32 s2, s31  }
.Ltmp4:
0x3da: {  	_ = 	snop;
	(pc) =	sbr.rel @p0 .LBB2_1-.Ltmp4, $3  }
0x3db: {  	_ =	sdelay $0x1  }
0x3dc: {  	[sflag:s5] =	ssyncset.done $0x0  }
0x3dd: {  	[sflag:s5] =	ssyncadd.s32 $0xFFFFFE00  }
0x3de: {  	_ =	sfence.sel $0x180000  }
0x3df: {  	[bflag:$0x0] =	sbarrier.arrive $0xFFFF  }
0x3e0: {  	_ =	strace $0x90000047  }
0x3e1: {  	s0 =	stileid.u32;
	[bflag:$0x2] =	sbarrier.arrive $0xFFFF  }
0x3e2: {  	p0 =	sne.s32 s0, $0x0;
	s0 =	rddreg [dreg:$0x4]  }
0x3e3: {  	s0 =	sadd.s32 @!p0 $0x100000, s0  }
0x3e4: {  	[sflag:s0] =	ssyncadd.tile.s32 @!p0 $0x1;
	_ =	shalt  }
.Lfunc_end2:
_tile_overlayer_lowered:
.L_overlay_start_2:
0x3e5: {  	(tag) =	ssettag $0x2  }
0x3e6: {  	s0 =	rddreg [dreg:$0x0];
	s2 =	stileid.u32  }
0x3e7: {  	s1 =	rddreg [dreg:$0x1];
	p0 =	sne.s32 s2, $0x0  }
0x3e8: {  	s3 =	rddreg [dreg:$0x2];
	[bflag:$0x3] =	sbarrier.arrive $0xFFFF;
	s2 =	simm.s32 @!p0 $0x1C03  }
0x3e9: {  	[timem:s3], [sflag:s2] =	dma.local @!p0 [hbm:s0], s1  }
0x3ea: {  	s0 =	simm.s32 @!p0 $0x3  }
0x3eb: {  	_ =	swait.ge @!p0 [sflag:s0], s1  }
0x3ec: {  	s1 =	ssub.s32 @!p0 $0x0, s1;
	[sflag:s0] =	ssyncset.done @!p0 $0x0  }
0x3ed: {  	[sflag:s0] =	ssyncadd.s32 @!p0 s1  }
0x3ee: {  	[bflag:$0x3] =	sbarrier.arrive $0xFFFF  }
0x3ef: {  	_ =	shalt  }

</sc_bundles>
